<compile_context>
chip_gen: v7x
topology: tpu7x:2x2x1
jax: 0.10.2.dev20260603
libtpu: 0.0.44.dev20260713+nightly
codegen_flags: <defaults>
</compile_context>

<pallas_src>
import functools

import jax
import jax.numpy as jnp
from jax import lax
from jax.experimental import pallas as pl
from jax.experimental.pallas import tpu as pltpu
from jax.experimental.pallas import tpu_sc as plsc

B = 16384
D = 128
NC = 2
NS = 16
NW = NC * NS
BPW = B // NW
C = 64
NCH = BPW // C
NBUF = 4
LJ = D // 16
_BITREV = [int(f"{k:04b}"[::-1], 2) for k in range(16)]


def _permute(x, idx):
    dnums = lax.GatherDimensionNumbers(
        offset_dims=(), collapsed_slice_dims=(0,), start_index_map=(0,))
    return lax.gather(x, idx[:, None], dnums, slice_sizes=(1,),
                      mode=lax.GatherScatterMode.PROMISE_IN_BOUNDS)


def _sc_body(ent_hbm, idx_h_hbm, idx_t_hbm, rel_hbm, r_hbm, out_hbm,
             idx_h_v, idx_t_v, h0, h1, h2, h3, t0, t1, t2, t3,
             rel_v, r_v, out_v,
             sh0, sh1, sh2, sh3, st0, st1, st2, st3):
    wid = lax.axis_index("c") * NS + lax.axis_index("s")
    base = wid * BPW

    cp_ih = pltpu.make_async_copy(idx_h_hbm.at[pl.ds(base, BPW)], idx_h_v, sh0)
    cp_it = pltpu.make_async_copy(idx_t_hbm.at[pl.ds(base, BPW)], idx_t_v, st0)
    cp_r = pltpu.make_async_copy(r_hbm, r_v, sh1)
    cp_ih.start()
    cp_it.start()
    cp_r.start()
    cp_ih.wait()
    cp_it.wait()

    hbuf, tbuf = [h0, h1, h2, h3], [t0, t1, t2, t3]
    shs, sts = [sh0, sh1, sh2, sh3], [st0, st1, st2, st3]

    def issue(c, par):
        pltpu.make_async_copy(ent_hbm.at[idx_h_v.at[pl.ds(c * C, C)]], hbuf[par], shs[par]).start()
        pltpu.make_async_copy(ent_hbm.at[idx_t_v.at[pl.ds(c * C, C)]], tbuf[par], sts[par]).start()

    cp_r.wait()
    for par in range(NBUF):
        issue(par, par)
    rv = r_v[pl.ds(0, 16)][0]
    pltpu.sync_copy(rel_hbm.at[pl.ds(rv, 1)], rel_v)

    lane = lax.iota(jnp.int32, 16)
    folds = [((lane & ~(gw - 1)) | ((lane + gw // 2) & (gw - 1)), lane & (gw // 2) == 0)
             for gw in (16, 8, 4, 2)]

    def compute(c, hv_ref, tv_ref):
        @plsc.parallel_loop(0, C // 16)
        def group_body(g):
            row0 = g * 16

            def jbody(j, vecs):
                col = pl.ds(j * 16, 16)
                rj = rel_v[0, col]
                return [vecs[k]
                        + hv_ref[row0 + _BITREV[k], col]
                        * tv_ref[row0 + _BITREV[k], col] * rj
                        for k in range(16)]

            vecs = lax.fori_loop(
                0, LJ, jbody, [jnp.zeros((16,), jnp.float32)] * 16)
            for fidx, mask in folds:
                nxt = []
                for i in range(0, len(vecs), 2):
                    xf = vecs[i] + _permute(vecs[i], fidx)
                    yf = vecs[i + 1] + _permute(vecs[i + 1], fidx)
                    nxt.append(jnp.where(mask, xf, yf))
                vecs = nxt
            out_v[pl.ds(c * C + row0, 16)] = vecs[0]

    def ring_body(qq, carry):
        for par in range(NBUF):
            c = qq * NBUF + par
            pltpu.make_async_copy(ent_hbm.at[idx_h_v.at[pl.ds(c * C, C)]], hbuf[par], shs[par]).wait()
            pltpu.make_async_copy(ent_hbm.at[idx_t_v.at[pl.ds(c * C, C)]], tbuf[par], sts[par]).wait()
            compute(c, hbuf[par], tbuf[par])

            @pl.when(c + NBUF < NCH)
            def _(c=c, par=par):
                issue(c + NBUF, par)
        return carry

    lax.fori_loop(0, NCH // NBUF, ring_body, 0)

    pltpu.sync_copy(out_v, out_hbm.at[pl.ds(base, BPW)])


@jax.jit
def _distmult_sc(ent_embeddings, idx_h, idx_t, rel_embeddings, r_arr):
    mesh = plsc.VectorSubcoreMesh(core_axis_name="c", subcore_axis_name="s")
    fn = pl.kernel(
        _sc_body,
        out_type=jax.ShapeDtypeStruct((B,), jnp.float32),
        mesh=mesh,
        scratch_types=(
            [pltpu.VMEM((BPW,), jnp.int32)] * 2
            + [pltpu.VMEM((C, D), jnp.float32)] * (2 * NBUF)
            + [pltpu.VMEM((1, D), jnp.float32),
               pltpu.VMEM((16,), jnp.int32),
               pltpu.VMEM((BPW,), jnp.float32)]
            + [pltpu.SemaphoreType.DMA] * (2 * NBUF)
        ),
    )
    return fn(ent_embeddings, idx_h, idx_t, rel_embeddings, r_arr)


def kernel(predict_h, predict_t, r, ent_embeddings, rel_embeddings):
    r_arr = jnp.full((16,), r, dtype=jnp.int32)
    return _distmult_sc(ent_embeddings, predict_h, predict_t,
                        rel_embeddings, r_arr)

# --- scband reference (transcript-rebuilt; emitter-appended) ---
"""Pipeline reference for scband-dist-mult-18124761989471 (READ-ONLY COPY).

The authoritative reference and input builder live on the scoring server;
editing this copy changes nothing except your own understanding.
"""

import jax, jax.numpy as jnp
import numpy as np

NUM_ENTITIES = 14541
NUM_RELATIONS = 237
EMBED_DIM = 128
BATCH = 16384


def setup_inputs(seed: int = 0) -> dict:
    key = jax.random.key(seed)
    k1, k2, k3, k4 = jax.random.split(key, 4)
    ent_embeddings = jax.random.normal(k1, (NUM_ENTITIES, EMBED_DIM), dtype=jnp.float32) * 0.02
    rel_embeddings = jax.random.normal(k2, (NUM_RELATIONS, EMBED_DIM), dtype=jnp.float32) * 0.02
    predict_h = jax.random.randint(k3, (BATCH,), 0, NUM_ENTITIES, dtype=jnp.int32)
    predict_t = jax.random.randint(k4, (BATCH,), 0, NUM_ENTITIES, dtype=jnp.int32)
    r = 100
    return {
        "predict_h": predict_h,
        "predict_t": predict_t,
        "r": r,
        "ent_embeddings": ent_embeddings,
        "rel_embeddings": rel_embeddings,
    }


def reference(predict_h, predict_t, r, ent_embeddings, rel_embeddings):
    # predict_r = [r] * batch
    batch = predict_h.shape[0]
    predict_r = jnp.full((batch,), r, dtype=jnp.int32)
    # embedding lookups (gather)
    p_e_h = jnp.take(ent_embeddings, predict_h, axis=0)
    p_e_t = jnp.take(ent_embeddings, predict_t, axis=0)
    p_e_r = jnp.take(rel_embeddings, predict_r, axis=0)
    # DistMult score: sum(h * t * r, dim=1)
    p_score = jnp.sum(p_e_h * p_e_t * p_e_r, axis=1)
    return p_score

if __name__ == "__main__":
    import jax
    _d = setup_inputs()
    print(jax.jit(kernel)(*tuple(_d.values())))

</pallas_src>

<mosaic_0001>
#map = affine_map<(d0, d1) -> (0, 0)>
#map1 = affine_map<(d0, d1) -> (0)>
module attributes {stable_mosaic.version = 14 : i64} {
  func.func @_sc_body(%arg0: i32, %arg1: i32, %arg2: memref<14541x128xf32, #tpu.memory_space<hbm>>, %arg3: memref<16384xi32, #tpu.memory_space<hbm>>, %arg4: memref<16384xi32, #tpu.memory_space<hbm>>, %arg5: memref<237x128xf32, #tpu.memory_space<hbm>>, %arg6: memref<16xi32, #tpu.memory_space<hbm>>, %arg7: memref<16384xf32, #tpu.memory_space<hbm>>, %arg8: memref<512xi32, #tpu.memory_space<vmem>>, %arg9: memref<512xi32, #tpu.memory_space<vmem>>, %arg10: memref<64x128xf32, #tpu.memory_space<vmem>>, %arg11: memref<64x128xf32, #tpu.memory_space<vmem>>, %arg12: memref<64x128xf32, #tpu.memory_space<vmem>>, %arg13: memref<64x128xf32, #tpu.memory_space<vmem>>, %arg14: memref<64x128xf32, #tpu.memory_space<vmem>>, %arg15: memref<64x128xf32, #tpu.memory_space<vmem>>, %arg16: memref<64x128xf32, #tpu.memory_space<vmem>>, %arg17: memref<64x128xf32, #tpu.memory_space<vmem>>, %arg18: memref<1x128xf32, #tpu.memory_space<vmem>>, %arg19: memref<16xi32, #tpu.memory_space<vmem>>, %arg20: memref<512xf32, #tpu.memory_space<vmem>>, %arg21: memref<!tpu.dma_semaphore, #tpu.memory_space<semaphore_mem>>, %arg22: memref<!tpu.dma_semaphore, #tpu.memory_space<semaphore_mem>>, %arg23: memref<!tpu.dma_semaphore, #tpu.memory_space<semaphore_mem>>, %arg24: memref<!tpu.dma_semaphore, #tpu.memory_space<semaphore_mem>>, %arg25: memref<!tpu.dma_semaphore, #tpu.memory_space<semaphore_mem>>, %arg26: memref<!tpu.dma_semaphore, #tpu.memory_space<semaphore_mem>>, %arg27: memref<!tpu.dma_semaphore, #tpu.memory_space<semaphore_mem>>, %arg28: memref<!tpu.dma_semaphore, #tpu.memory_space<semaphore_mem>>) attributes {dimension_semantics = [#tpu.dimension_semantics<core_parallel>, #tpu.dimension_semantics<subcore_parallel>], iteration_bounds = array<i64: 2, 16>, scalar_prefetch = 0 : i64, scratch_operands = 21 : i64, tpu.core_type = #tpu.core_type<sc_vector_subcore>, window_params = [{transform_indices = #map}, {transform_indices = #map1}, {transform_indices = #map1}, {transform_indices = #map}, {transform_indices = #map1}, {transform_indices = #map1}]} {
    %mul3A = arith.constant 16 : i32
    %mul3A_0 = arith.muli %arg0, %mul3A : i32
    %add3A = arith.addi %mul3A_0, %arg1 : i32
    %mul3A_1 = arith.constant 512 : i32
    %mul3A_2 = arith.muli %add3A, %mul3A_1 : i32
    %dma_start3A = tpu.memref_slice %arg3[%mul3A_2] : memref<16384xi32, #tpu.memory_space<hbm>> -> memref<512xi32, #tpu.memory_space<hbm>>
    %dma_start3A_3 = tpu.memref_slice %arg3[%mul3A_2] : memref<16384xi32, #tpu.memory_space<hbm>> -> memref<512xi32, #tpu.memory_space<hbm>>
    tpu.enqueue_dma source(%dma_start3A_3 : memref<512xi32, #tpu.memory_space<hbm>>) target(%arg8 : memref<512xi32, #tpu.memory_space<vmem>>) target_semaphore(%arg21 : memref<!tpu.dma_semaphore, #tpu.memory_space<semaphore_mem>>)
    %dma_start3A_4 = tpu.memref_slice %arg4[%mul3A_2] : memref<16384xi32, #tpu.memory_space<hbm>> -> memref<512xi32, #tpu.memory_space<hbm>>
    %dma_start3A_5 = tpu.memref_slice %arg4[%mul3A_2] : memref<16384xi32, #tpu.memory_space<hbm>> -> memref<512xi32, #tpu.memory_space<hbm>>
    tpu.enqueue_dma source(%dma_start3A_5 : memref<512xi32, #tpu.memory_space<hbm>>) target(%arg9 : memref<512xi32, #tpu.memory_space<vmem>>) target_semaphore(%arg25 : memref<!tpu.dma_semaphore, #tpu.memory_space<semaphore_mem>>)
    tpu.enqueue_dma source(%arg6 : memref<16xi32, #tpu.memory_space<hbm>>) target(%arg19 : memref<16xi32, #tpu.memory_space<vmem>>) target_semaphore(%arg22 : memref<!tpu.dma_semaphore, #tpu.memory_space<semaphore_mem>>)
    %dma_wait3A = tpu.memref_slice %arg3[%mul3A_2] : memref<16384xi32, #tpu.memory_space<hbm>> -> memref<512xi32, #tpu.memory_space<hbm>>
    %dma_wait3A_6 = tpu.memref_slice %arg3[%mul3A_2] : memref<16384xi32, #tpu.memory_space<hbm>> -> memref<512xi32, #tpu.memory_space<hbm>>
    tpu.wait_dma2 semaphore(%arg21 : memref<!tpu.dma_semaphore, #tpu.memory_space<semaphore_mem>>) src(%dma_wait3A_6 : memref<512xi32, #tpu.memory_space<hbm>>) dst(%arg8 : memref<512xi32, #tpu.memory_space<vmem>>)
    %dma_wait3A_7 = tpu.memref_slice %arg4[%mul3A_2] : memref<16384xi32, #tpu.memory_space<hbm>> -> memref<512xi32, #tpu.memory_space<hbm>>
    %dma_wait3A_8 = tpu.memref_slice %arg4[%mul3A_2] : memref<16384xi32, #tpu.memory_space<hbm>> -> memref<512xi32, #tpu.memory_space<hbm>>
    tpu.wait_dma2 semaphore(%arg25 : memref<!tpu.dma_semaphore, #tpu.memory_space<semaphore_mem>>) src(%dma_wait3A_8 : memref<512xi32, #tpu.memory_space<hbm>>) dst(%arg9 : memref<512xi32, #tpu.memory_space<vmem>>)
    tpu.wait_dma2 semaphore(%arg22 : memref<!tpu.dma_semaphore, #tpu.memory_space<semaphore_mem>>) src(%arg6 : memref<16xi32, #tpu.memory_space<hbm>>) dst(%arg19 : memref<16xi32, #tpu.memory_space<vmem>>)
    %dma_start3A_9 = arith.constant 0 : i32
    %dma_start3A_10 = tpu.memref_slice %arg8[%dma_start3A_9] : memref<512xi32, #tpu.memory_space<vmem>> -> memref<64xi32, #tpu.memory_space<vmem>>
    %dma_start3A_11 = arith.constant 0 : i32
    %dma_start3A_12 = arith.constant 0 : i32
    %dma_start3A_13 = tpu.memref_slice %arg2[%dma_start3A_11, %dma_start3A_12] : memref<14541x128xf32, #tpu.memory_space<hbm>> -> memref<14541x128xf32, #tpu.memory_space<hbm>>
    tpu.enqueue_indirect_dma source(%dma_start3A_13 : memref<14541x128xf32, #tpu.memory_space<hbm>>) target(%arg10 : memref<64x128xf32, #tpu.memory_space<vmem>>) offsets(%dma_start3A_10 : memref<64xi32, #tpu.memory_space<vmem>>) semaphore(%arg21 : memref<!tpu.dma_semaphore, #tpu.memory_space<semaphore_mem>>)
    %dma_start3A_14 = arith.constant 0 : i32
    %dma_start3A_15 = tpu.memref_slice %arg9[%dma_start3A_14] : memref<512xi32, #tpu.memory_space<vmem>> -> memref<64xi32, #tpu.memory_space<vmem>>
    %dma_start3A_16 = arith.constant 0 : i32
    %dma_start3A_17 = arith.constant 0 : i32
    %dma_start3A_18 = tpu.memref_slice %arg2[%dma_start3A_16, %dma_start3A_17] : memref<14541x128xf32, #tpu.memory_space<hbm>> -> memref<14541x128xf32, #tpu.memory_space<hbm>>
    tpu.enqueue_indirect_dma source(%dma_start3A_18 : memref<14541x128xf32, #tpu.memory_space<hbm>>) target(%arg14 : memref<64x128xf32, #tpu.memory_space<vmem>>) offsets(%dma_start3A_15 : memref<64xi32, #tpu.memory_space<vmem>>) semaphore(%arg25 : memref<!tpu.dma_semaphore, #tpu.memory_space<semaphore_mem>>)
    %dma_start3A_19 = arith.constant 64 : i32
    %dma_start3A_20 = tpu.memref_slice %arg8[%dma_start3A_19] : memref<512xi32, #tpu.memory_space<vmem>> -> memref<64xi32, #tpu.memory_space<vmem>>
    %dma_start3A_21 = arith.constant 0 : i32
    %dma_start3A_22 = arith.constant 0 : i32
    %dma_start3A_23 = tpu.memref_slice %arg2[%dma_start3A_21, %dma_start3A_22] : memref<14541x128xf32, #tpu.memory_space<hbm>> -> memref<14541x128xf32, #tpu.memory_space<hbm>>
    tpu.enqueue_indirect_dma source(%dma_start3A_23 : memref<14541x128xf32, #tpu.memory_space<hbm>>) target(%arg11 : memref<64x128xf32, #tpu.memory_space<vmem>>) offsets(%dma_start3A_20 : memref<64xi32, #tpu.memory_space<vmem>>) semaphore(%arg22 : memref<!tpu.dma_semaphore, #tpu.memory_space<semaphore_mem>>)
    %dma_start3A_24 = arith.constant 64 : i32
    %dma_start3A_25 = tpu.memref_slice %arg9[%dma_start3A_24] : memref<512xi32, #tpu.memory_space<vmem>> -> memref<64xi32, #tpu.memory_space<vmem>>
    %dma_start3A_26 = arith.constant 0 : i32
    %dma_start3A_27 = arith.constant 0 : i32
    %dma_start3A_28 = tpu.memref_slice %arg2[%dma_start3A_26, %dma_start3A_27] : memref<14541x128xf32, #tpu.memory_space<hbm>> -> memref<14541x128xf32, #tpu.memory_space<hbm>>
    tpu.enqueue_indirect_dma source(%dma_start3A_28 : memref<14541x128xf32, #tpu.memory_space<hbm>>) target(%arg15 : memref<64x128xf32, #tpu.memory_space<vmem>>) offsets(%dma_start3A_25 : memref<64xi32, #tpu.memory_space<vmem>>) semaphore(%arg26 : memref<!tpu.dma_semaphore, #tpu.memory_space<semaphore_mem>>)
    %dma_start3A_29 = arith.constant 128 : i32
    %dma_start3A_30 = tpu.memref_slice %arg8[%dma_start3A_29] : memref<512xi32, #tpu.memory_space<vmem>> -> memref<64xi32, #tpu.memory_space<vmem>>
    %dma_start3A_31 = arith.constant 0 : i32
    %dma_start3A_32 = arith.constant 0 : i32
    %dma_start3A_33 = tpu.memref_slice %arg2[%dma_start3A_31, %dma_start3A_32] : memref<14541x128xf32, #tpu.memory_space<hbm>> -> memref<14541x128xf32, #tpu.memory_space<hbm>>
    tpu.enqueue_indirect_dma source(%dma_start3A_33 : memref<14541x128xf32, #tpu.memory_space<hbm>>) target(%arg12 : memref<64x128xf32, #tpu.memory_space<vmem>>) offsets(%dma_start3A_30 : memref<64xi32, #tpu.memory_space<vmem>>) semaphore(%arg23 : memref<!tpu.dma_semaphore, #tpu.memory_space<semaphore_mem>>)
    %dma_start3A_34 = arith.constant 128 : i32
    %dma_start3A_35 = tpu.memref_slice %arg9[%dma_start3A_34] : memref<512xi32, #tpu.memory_space<vmem>> -> memref<64xi32, #tpu.memory_space<vmem>>
    %dma_start3A_36 = arith.constant 0 : i32
    %dma_start3A_37 = arith.constant 0 : i32
    %dma_start3A_38 = tpu.memref_slice %arg2[%dma_start3A_36, %dma_start3A_37] : memref<14541x128xf32, #tpu.memory_space<hbm>> -> memref<14541x128xf32, #tpu.memory_space<hbm>>
    tpu.enqueue_indirect_dma source(%dma_start3A_38 : memref<14541x128xf32, #tpu.memory_space<hbm>>) target(%arg16 : memref<64x128xf32, #tpu.memory_space<vmem>>) offsets(%dma_start3A_35 : memref<64xi32, #tpu.memory_space<vmem>>) semaphore(%arg27 : memref<!tpu.dma_semaphore, #tpu.memory_space<semaphore_mem>>)
    %dma_start3A_39 = arith.constant 192 : i32
    %dma_start3A_40 = tpu.memref_slice %arg8[%dma_start3A_39] : memref<512xi32, #tpu.memory_space<vmem>> -> memref<64xi32, #tpu.memory_space<vmem>>
    %dma_start3A_41 = arith.constant 0 : i32
    %dma_start3A_42 = arith.constant 0 : i32
    %dma_start3A_43 = tpu.memref_slice %arg2[%dma_start3A_41, %dma_start3A_42] : memref<14541x128xf32, #tpu.memory_space<hbm>> -> memref<14541x128xf32, #tpu.memory_space<hbm>>
    tpu.enqueue_indirect_dma source(%dma_start3A_43 : memref<14541x128xf32, #tpu.memory_space<hbm>>) target(%arg13 : memref<64x128xf32, #tpu.memory_space<vmem>>) offsets(%dma_start3A_40 : memref<64xi32, #tpu.memory_space<vmem>>) semaphore(%arg24 : memref<!tpu.dma_semaphore, #tpu.memory_space<semaphore_mem>>)
    %dma_start3A_44 = arith.constant 192 : i32
    %dma_start3A_45 = tpu.memref_slice %arg9[%dma_start3A_44] : memref<512xi32, #tpu.memory_space<vmem>> -> memref<64xi32, #tpu.memory_space<vmem>>
    %dma_start3A_46 = arith.constant 0 : i32
    %dma_start3A_47 = arith.constant 0 : i32
    %dma_start3A_48 = tpu.memref_slice %arg2[%dma_start3A_46, %dma_start3A_47] : memref<14541x128xf32, #tpu.memory_space<hbm>> -> memref<14541x128xf32, #tpu.memory_space<hbm>>
    tpu.enqueue_indirect_dma source(%dma_start3A_48 : memref<14541x128xf32, #tpu.memory_space<hbm>>) target(%arg17 : memref<64x128xf32, #tpu.memory_space<vmem>>) offsets(%dma_start3A_45 : memref<64xi32, #tpu.memory_space<vmem>>) semaphore(%arg28 : memref<!tpu.dma_semaphore, #tpu.memory_space<semaphore_mem>>)
    %get3A = arith.constant 0 : index
    %get3A_49 = tpu.vector_load %arg19[%get3A] {strides = array<i32>} : memref<16xi32, #tpu.memory_space<vmem>>, vector<16xi32>,
    %get3A_50 = vector.shape_cast %get3A_49 : vector<16xi32> to vector<16xi32>
    %slice3A = vector.extract_strided_slice %get3A_50 {offsets = [0], sizes = [1], strides = [1]} : vector<16xi32> to vector<1xi32>
    %squeeze3A = vector.extract %slice3A[0] : i32 from vector<1xi32>
    "tpu.region"() ({
      %run_scoped3A = tpu.sem_alloc : memref<!tpu.dma_semaphore, #tpu.memory_space<semaphore_mem>>
      %dma_start3A_117 = arith.constant 0 : i32
      %dma_start3A_118 = tpu.memref_slice %arg5[%squeeze3A, %dma_start3A_117] : memref<237x128xf32, #tpu.memory_space<hbm>> -> memref<1x128xf32, #tpu.memory_space<hbm>>
      %dma_start3A_119 = arith.constant 0 : i32
      %dma_start3A_120 = tpu.memref_slice %arg5[%squeeze3A, %dma_start3A_119] : memref<237x128xf32, #tpu.memory_space<hbm>> -> memref<1x128xf32, #tpu.memory_space<hbm>>
      tpu.enqueue_dma source(%dma_start3A_120 : memref<1x128xf32, #tpu.memory_space<hbm>>) target(%arg18 : memref<1x128xf32, #tpu.memory_space<vmem>>) target_semaphore(%run_scoped3A : memref<!tpu.dma_semaphore, #tpu.memory_space<semaphore_mem>>)
      %dma_wait3A_121 = arith.constant 0 : i32
      %dma_wait3A_122 = tpu.memref_slice %arg5[%squeeze3A, %dma_wait3A_121] : memref<237x128xf32, #tpu.memory_space<hbm>> -> memref<1x128xf32, #tpu.memory_space<hbm>>
      %dma_wait3A_123 = arith.constant 0 : i32
      %dma_wait3A_124 = tpu.memref_slice %arg5[%squeeze3A, %dma_wait3A_123] : memref<237x128xf32, #tpu.memory_space<hbm>> -> memref<1x128xf32, #tpu.memory_space<hbm>>
      tpu.wait_dma2 semaphore(%run_scoped3A : memref<!tpu.dma_semaphore, #tpu.memory_space<semaphore_mem>>) src(%dma_wait3A_124 : memref<1x128xf32, #tpu.memory_space<hbm>>) dst(%arg18 : memref<1x128xf32, #tpu.memory_space<vmem>>)
      tpu.yield
    }) : () -> ()
    %iota3A = tpu.iota {dimensions = array<i32: 0>} : vector<16xi32>
    %and3A = arith.constant -16 : i32
    %and3A_51 = vector.broadcast %and3A : i32 to vector<16xi32>
    %and3A_52 = arith.andi %iota3A, %and3A_51 : vector<16xi32>
    %add3A_53 = arith.constant 8 : i32
    %add3A_54 = vector.broadcast %add3A_53 : i32 to vector<16xi32>
    %add3A_55 = arith.addi %iota3A, %add3A_54 : vector<16xi32>
    %and3A_56 = arith.constant 15 : i32
    %and3A_57 = vector.broadcast %and3A_56 : i32 to vector<16xi32>
    %and3A_58 = arith.andi %add3A_55, %and3A_57 : vector<16xi32>
    %or3A = arith.ori %and3A_52, %and3A_58 : vector<16xi32>
    %and3A_59 = arith.constant 8 : i32
    %and3A_60 = vector.broadcast %and3A_59 : i32 to vector<16xi32>
    %and3A_61 = arith.andi %iota3A, %and3A_60 : vector<16xi32>
    %eq3A = arith.constant 0 : i32
    %eq3A_62 = vector.broadcast %eq3A : i32 to vector<16xi32>
    %eq3A_63 = arith.cmpi eq, %and3A_61, %eq3A_62 : vector<16xi32>
    %and3A_64 = arith.constant -8 : i32
    %and3A_65 = vector.broadcast %and3A_64 : i32 to vector<16xi32>
    %and3A_66 = arith.andi %iota3A, %and3A_65 : vector<16xi32>
    %add3A_67 = arith.constant 4 : i32
    %add3A_68 = vector.broadcast %add3A_67 : i32 to vector<16xi32>
    %add3A_69 = arith.addi %iota3A, %add3A_68 : vector<16xi32>
    %and3A_70 = arith.constant 7 : i32
    %and3A_71 = vector.broadcast %and3A_70 : i32 to vector<16xi32>
    %and3A_72 = arith.andi %add3A_69, %and3A_71 : vector<16xi32>
    %or3A_73 = arith.ori %and3A_66, %and3A_72 : vector<16xi32>
    %and3A_74 = arith.constant 4 : i32
    %and3A_75 = vector.broadcast %and3A_74 : i32 to vector<16xi32>
    %and3A_76 = arith.andi %iota3A, %and3A_75 : vector<16xi32>
    %eq3A_77 = arith.constant 0 : i32
    %eq3A_78 = vector.broadcast %eq3A_77 : i32 to vector<16xi32>
    %eq3A_79 = arith.cmpi eq, %and3A_76, %eq3A_78 : vector<16xi32>
    %and3A_80 = arith.constant -4 : i32
    %and3A_81 = vector.broadcast %and3A_80 : i32 to vector<16xi32>
    %and3A_82 = arith.andi %iota3A, %and3A_81 : vector<16xi32>
    %add3A_83 = arith.constant 2 : i32
    %add3A_84 = vector.broadcast %add3A_83 : i32 to vector<16xi32>
    %add3A_85 = arith.addi %iota3A, %add3A_84 : vector<16xi32>
    %and3A_86 = arith.constant 3 : i32
    %and3A_87 = vector.broadcast %and3A_86 : i32 to vector<16xi32>
    %and3A_88 = arith.andi %add3A_85, %and3A_87 : vector<16xi32>
    %or3A_89 = arith.ori %and3A_82, %and3A_88 : vector<16xi32>
    %and3A_90 = arith.constant 2 : i32
    %and3A_91 = vector.broadcast %and3A_90 : i32 to vector<16xi32>
    %and3A_92 = arith.andi %iota3A, %and3A_91 : vector<16xi32>
    %eq3A_93 = arith.constant 0 : i32
    %eq3A_94 = vector.broadcast %eq3A_93 : i32 to vector<16xi32>
    %eq3A_95 = arith.cmpi eq, %and3A_92, %eq3A_94 : vector<16xi32>
    %and3A_96 = arith.constant -2 : i32
    %and3A_97 = vector.broadcast %and3A_96 : i32 to vector<16xi32>
    %and3A_98 = arith.andi %iota3A, %and3A_97 : vector<16xi32>
    %add3A_99 = arith.constant 1 : i32
    %add3A_100 = vector.broadcast %add3A_99 : i32 to vector<16xi32>
    %add3A_101 = arith.addi %iota3A, %add3A_100 : vector<16xi32>
    %and3A_102 = arith.constant 1 : i32
    %and3A_103 = vector.broadcast %and3A_102 : i32 to vector<16xi32>
    %and3A_104 = arith.andi %add3A_101, %and3A_103 : vector<16xi32>
    %or3A_105 = arith.ori %and3A_98, %and3A_104 : vector<16xi32>
    %and3A_106 = arith.constant 1 : i32
    %and3A_107 = vector.broadcast %and3A_106 : i32 to vector<16xi32>
    %and3A_108 = arith.andi %iota3A, %and3A_107 : vector<16xi32>
    %eq3A_109 = arith.constant 0 : i32
    %eq3A_110 = vector.broadcast %eq3A_109 : i32 to vector<16xi32>
    %eq3A_111 = arith.cmpi eq, %and3A_108, %eq3A_110 : vector<16xi32>
    %scan3A = arith.constant 0 : i32
    %scan3A_112 = arith.constant 0 : i32
    %scan3A_113 = arith.constant 2 : i32
    %scan3A_114 = arith.addi %scan3A_112, %scan3A_113 : i32
    %scan3A_115 = arith.constant 1 : i32
    scf.for %scan3A_117 = %scan3A_112 to %scan3A_114 step %scan3A_115  : i32 {
      %mul3A_118 = arith.constant 4 : i32
      %mul3A_119 = arith.muli %scan3A_117, %mul3A_118 : i32
      %add3A_120 = arith.constant 0 : i32
      %add3A_121 = arith.addi %mul3A_119, %add3A_120 : i32
      %mul3A_122 = arith.constant 64 : i32
      %mul3A_123 = arith.muli %add3A_121, %mul3A_122 : i32
      %dma_wait3A_124 = tpu.memref_slice %arg8[%mul3A_123] : memref<512xi32, #tpu.memory_space<vmem>> -> memref<64xi32, #tpu.memory_space<vmem>>
      %dma_wait3A_125 = arith.constant 0 : i32
      %dma_wait3A_126 = arith.constant 0 : i32
      %dma_wait3A_127 = tpu.memref_slice %arg2[%dma_wait3A_125, %dma_wait3A_126] : memref<14541x128xf32, #tpu.memory_space<hbm>> -> memref<14541x128xf32, #tpu.memory_space<hbm>>
      tpu.wait_indirect_dma semaphore(%arg21 : memref<!tpu.dma_semaphore, #tpu.memory_space<semaphore_mem>>) src(%dma_wait3A_127 : memref<14541x128xf32, #tpu.memory_space<hbm>>) dst(%arg10 : memref<64x128xf32, #tpu.memory_space<vmem>>)
      %mul3A_128 = arith.constant 64 : i32
      %mul3A_129 = arith.muli %add3A_121, %mul3A_128 : i32
      %dma_wait3A_130 = tpu.memref_slice %arg9[%mul3A_129] : memref<512xi32, #tpu.memory_space<vmem>> -> memref<64xi32, #tpu.memory_space<vmem>>
      %dma_wait3A_131 = arith.constant 0 : i32
      %dma_wait3A_132 = arith.constant 0 : i32
      %dma_wait3A_133 = tpu.memref_slice %arg2[%dma_wait3A_131, %dma_wait3A_132] : memref<14541x128xf32, #tpu.memory_space<hbm>> -> memref<14541x128xf32, #tpu.memory_space<hbm>>
      tpu.wait_indirect_dma semaphore(%arg25 : memref<!tpu.dma_semaphore, #tpu.memory_space<semaphore_mem>>) src(%dma_wait3A_133 : memref<14541x128xf32, #tpu.memory_space<hbm>>) dst(%arg14 : memref<64x128xf32, #tpu.memory_space<vmem>>)
      %parallel_loop3A = arith.constant 0 : i32
      %parallel_loop3A_134 = arith.constant 4 : i32
      %parallel_loop3A_135 = arith.constant 1 : i32
      scf.for %parallel_loop3A_218 = %parallel_loop3A to %parallel_loop3A_134 step %parallel_loop3A_135  : i32 {
        %parallel_loop3A_219 = arith.constant 16 : i32
        %parallel_loop3A_220 = arith.muli %parallel_loop3A_218, %parallel_loop3A_219 : i32
        %parallel_loop3A_221 = arith.constant 0.000000e+00 : f32
        %parallel_loop3A_222 = vector.broadcast %parallel_loop3A_221 : f32 to vector<16xf32>
        %parallel_loop3A_223 = arith.constant 0 : i32
        %parallel_loop3A_224 = arith.constant 8 : i32
        %parallel_loop3A_225 = arith.addi %parallel_loop3A_223, %parallel_loop3A_224 : i32
        %parallel_loop3A_226 = arith.constant 1 : i32
        %parallel_loop3A_227:16 = scf.for %scan3A_371 = %parallel_loop3A_223 to %parallel_loop3A_225 step %parallel_loop3A_226 iter_args(%scan3A_372 = %parallel_loop3A_222, %scan3A_373 = %parallel_loop3A_222, %scan3A_374 = %parallel_loop3A_222, %scan3A_375 = %parallel_loop3A_222, %scan3A_376 = %parallel_loop3A_222, %scan3A_377 = %parallel_loop3A_222, %scan3A_378 = %parallel_loop3A_222, %scan3A_379 = %parallel_loop3A_222, %scan3A_380 = %parallel_loop3A_222, %scan3A_381 = %parallel_loop3A_222, %scan3A_382 = %parallel_loop3A_222, %scan3A_383 = %parallel_loop3A_222, %scan3A_384 = %parallel_loop3A_222, %scan3A_385 = %parallel_loop3A_222, %scan3A_386 = %parallel_loop3A_222, %scan3A_387 = %parallel_loop3A_222) -> (vector<16xf32>, vector<16xf32>, vector<16xf32>, vector<16xf32>, vector<16xf32>, vector<16xf32>, vector<16xf32>, vector<16xf32>, vector<16xf32>, vector<16xf32>, vector<16xf32>, vector<16xf32>, vector<16xf32>, vector<16xf32>, vector<16xf32>, vector<16xf32>)  : i32 {
          %parallel_loop3A_388 = arith.constant 16 : i32
          %parallel_loop3A_389 = arith.muli %scan3A_371, %parallel_loop3A_388 : i32
          %parallel_loop3A_390 = arith.constant 0 : i32
          %parallel_loop3A_391 = arith.index_cast %parallel_loop3A_390 : i32 to index
          %parallel_loop3A_392 = arith.index_cast %parallel_loop3A_389 : i32 to index
          %parallel_loop3A_393 = tpu.vector_load %arg18[%parallel_loop3A_391, %parallel_loop3A_392] {strides = array<i32>} : memref<1x128xf32, #tpu.memory_space<vmem>>, vector<1x16xf32>,
          %parallel_loop3A_394 = vector.shape_cast %parallel_loop3A_393 : vector<1x16xf32> to vector<16xf32>
          %parallel_loop3A_395 = arith.constant 0 : i32
          %parallel_loop3A_396 = arith.addi %parallel_loop3A_220, %parallel_loop3A_395 : i32
          %parallel_loop3A_397 = arith.index_cast %parallel_loop3A_396 : i32 to index
          %parallel_loop3A_398 = arith.index_cast %parallel_loop3A_389 : i32 to index
          %parallel_loop3A_399 = tpu.vector_load %arg10[%parallel_loop3A_397, %parallel_loop3A_398] {strides = array<i32>} : memref<64x128xf32, #tpu.memory_space<vmem>>, vector<1x16xf32>,
          %parallel_loop3A_400 = vector.shape_cast %parallel_loop3A_399 : vector<1x16xf32> to vector<16xf32>
          %parallel_loop3A_401 = arith.constant 0 : i32
          %parallel_loop3A_402 = arith.addi %parallel_loop3A_220, %parallel_loop3A_401 : i32
          %parallel_loop3A_403 = arith.index_cast %parallel_loop3A_402 : i32 to index
          %parallel_loop3A_404 = arith.index_cast %parallel_loop3A_389 : i32 to index
          %parallel_loop3A_405 = tpu.vector_load %arg14[%parallel_loop3A_403, %parallel_loop3A_404] {strides = array<i32>} : memref<64x128xf32, #tpu.memory_space<vmem>>, vector<1x16xf32>,
          %parallel_loop3A_406 = vector.shape_cast %parallel_loop3A_405 : vector<1x16xf32> to vector<16xf32>
          %parallel_loop3A_407 = arith.mulf %parallel_loop3A_400, %parallel_loop3A_406 : vector<16xf32>
          %parallel_loop3A_408 = arith.mulf %parallel_loop3A_407, %parallel_loop3A_394 : vector<16xf32>
          %parallel_loop3A_409 = arith.addf %scan3A_372, %parallel_loop3A_408 : vector<16xf32>
          %parallel_loop3A_410 = arith.constant 8 : i32
          %parallel_loop3A_411 = arith.addi %parallel_loop3A_220, %parallel_loop3A_410 : i32
          %parallel_loop3A_412 = arith.index_cast %parallel_loop3A_411 : i32 to index
          %parallel_loop3A_413 = arith.index_cast %parallel_loop3A_389 : i32 to index
          %parallel_loop3A_414 = tpu.vector_load %arg10[%parallel_loop3A_412, %parallel_loop3A_413] {strides = array<i32>} : memref<64x128xf32, #tpu.memory_space<vmem>>, vector<1x16xf32>,
          %parallel_loop3A_415 = vector.shape_cast %parallel_loop3A_414 : vector<1x16xf32> to vector<16xf32>
          %parallel_loop3A_416 = arith.constant 8 : i32
          %parallel_loop3A_417 = arith.addi %parallel_loop3A_220, %parallel_loop3A_416 : i32
          %parallel_loop3A_418 = arith.index_cast %parallel_loop3A_417 : i32 to index
          %parallel_loop3A_419 = arith.index_cast %parallel_loop3A_389 : i32 to index
          %parallel_loop3A_420 = tpu.vector_load %arg14[%parallel_loop3A_418, %parallel_loop3A_419] {strides = array<i32>} : memref<64x128xf32, #tpu.memory_space<vmem>>, vector<1x16xf32>,
          %parallel_loop3A_421 = vector.shape_cast %parallel_loop3A_420 : vector<1x16xf32> to vector<16xf32>
          %parallel_loop3A_422 = arith.mulf %parallel_loop3A_415, %parallel_loop3A_421 : vector<16xf32>
          %parallel_loop3A_423 = arith.mulf %parallel_loop3A_422, %parallel_loop3A_394 : vector<16xf32>
          %parallel_loop3A_424 = arith.addf %scan3A_373, %parallel_loop3A_423 : vector<16xf32>
          %parallel_loop3A_425 = arith.constant 4 : i32
          %parallel_loop3A_426 = arith.addi %parallel_loop3A_220, %parallel_loop3A_425 : i32
          %parallel_loop3A_427 = arith.index_cast %parallel_loop3A_426 : i32 to index
          %parallel_loop3A_428 = arith.index_cast %parallel_loop3A_389 : i32 to index
          %parallel_loop3A_429 = tpu.vector_load %arg10[%parallel_loop3A_427, %parallel_loop3A_428] {strides = array<i32>} : memref<64x128xf32, #tpu.memory_space<vmem>>, vector<1x16xf32>,
          %parallel_loop3A_430 = vector.shape_cast %parallel_loop3A_429 : vector<1x16xf32> to vector<16xf32>
          %parallel_loop3A_431 = arith.constant 4 : i32
          %parallel_loop3A_432 = arith.addi %parallel_loop3A_220, %parallel_loop3A_431 : i32
          %parallel_loop3A_433 = arith.index_cast %parallel_loop3A_432 : i32 to index
          %parallel_loop3A_434 = arith.index_cast %parallel_loop3A_389 : i32 to index
          %parallel_loop3A_435 = tpu.vector_load %arg14[%parallel_loop3A_433, %parallel_loop3A_434] {strides = array<i32>} : memref<64x128xf32, #tpu.memory_space<vmem>>, vector<1x16xf32>,
          %parallel_loop3A_436 = vector.shape_cast %parallel_loop3A_435 : vector<1x16xf32> to vector<16xf32>
          %parallel_loop3A_437 = arith.mulf %parallel_loop3A_430, %parallel_loop3A_436 : vector<16xf32>
          %parallel_loop3A_438 = arith.mulf %parallel_loop3A_437, %parallel_loop3A_394 : vector<16xf32>
          %parallel_loop3A_439 = arith.addf %scan3A_374, %parallel_loop3A_438 : vector<16xf32>
          %parallel_loop3A_440 = arith.constant 12 : i32
          %parallel_loop3A_441 = arith.addi %parallel_loop3A_220, %parallel_loop3A_440 : i32
          %parallel_loop3A_442 = arith.index_cast %parallel_loop3A_441 : i32 to index
          %parallel_loop3A_443 = arith.index_cast %parallel_loop3A_389 : i32 to index
          %parallel_loop3A_444 = tpu.vector_load %arg10[%parallel_loop3A_442, %parallel_loop3A_443] {strides = array<i32>} : memref<64x128xf32, #tpu.memory_space<vmem>>, vector<1x16xf32>,
          %parallel_loop3A_445 = vector.shape_cast %parallel_loop3A_444 : vector<1x16xf32> to vector<16xf32>
          %parallel_loop3A_446 = arith.constant 12 : i32
          %parallel_loop3A_447 = arith.addi %parallel_loop3A_220, %parallel_loop3A_446 : i32
          %parallel_loop3A_448 = arith.index_cast %parallel_loop3A_447 : i32 to index
          %parallel_loop3A_449 = arith.index_cast %parallel_loop3A_389 : i32 to index
          %parallel_loop3A_450 = tpu.vector_load %arg14[%parallel_loop3A_448, %parallel_loop3A_449] {strides = array<i32>} : memref<64x128xf32, #tpu.memory_space<vmem>>, vector<1x16xf32>,
          %parallel_loop3A_451 = vector.shape_cast %parallel_loop3A_450 : vector<1x16xf32> to vector<16xf32>
          %parallel_loop3A_452 = arith.mulf %parallel_loop3A_445, %parallel_loop3A_451 : vector<16xf32>
          %parallel_loop3A_453 = arith.mulf %parallel_loop3A_452, %parallel_loop3A_394 : vector<16xf32>
          %parallel_loop3A_454 = arith.addf %scan3A_375, %parallel_loop3A_453 : vector<16xf32>
          %parallel_loop3A_455 = arith.constant 2 : i32
          %parallel_loop3A_456 = arith.addi %parallel_loop3A_220, %parallel_loop3A_455 : i32
          %parallel_loop3A_457 = arith.index_cast %parallel_loop3A_456 : i32 to index
          %parallel_loop3A_458 = arith.index_cast %parallel_loop3A_389 : i32 to index
          %parallel_loop3A_459 = tpu.vector_load %arg10[%parallel_loop3A_457, %parallel_loop3A_458] {strides = array<i32>} : memref<64x128xf32, #tpu.memory_space<vmem>>, vector<1x16xf32>,
          %parallel_loop3A_460 = vector.shape_cast %parallel_loop3A_459 : vector<1x16xf32> to vector<16xf32>
          %parallel_loop3A_461 = arith.constant 2 : i32
          %parallel_loop3A_462 = arith.addi %parallel_loop3A_220, %parallel_loop3A_461 : i32
          %parallel_loop3A_463 = arith.index_cast %parallel_loop3A_462 : i32 to index
          %parallel_loop3A_464 = arith.index_cast %parallel_loop3A_389 : i32 to index
          %parallel_loop3A_465 = tpu.vector_load %arg14[%parallel_loop3A_463, %parallel_loop3A_464] {strides = array<i32>} : memref<64x128xf32, #tpu.memory_space<vmem>>, vector<1x16xf32>,
          %parallel_loop3A_466 = vector.shape_cast %parallel_loop3A_465 : vector<1x16xf32> to vector<16xf32>
          %parallel_loop3A_467 = arith.mulf %parallel_loop3A_460, %parallel_loop3A_466 : vector<16xf32>
          %parallel_loop3A_468 = arith.mulf %parallel_loop3A_467, %parallel_loop3A_394 : vector<16xf32>
          %parallel_loop3A_469 = arith.addf %scan3A_376, %parallel_loop3A_468 : vector<16xf32>
          %parallel_loop3A_470 = arith.constant 10 : i32
          %parallel_loop3A_471 = arith.addi %parallel_loop3A_220, %parallel_loop3A_470 : i32
          %parallel_loop3A_472 = arith.index_cast %parallel_loop3A_471 : i32 to index
          %parallel_loop3A_473 = arith.index_cast %parallel_loop3A_389 : i32 to index
          %parallel_loop3A_474 = tpu.vector_load %arg10[%parallel_loop3A_472, %parallel_loop3A_473] {strides = array<i32>} : memref<64x128xf32, #tpu.memory_space<vmem>>, vector<1x16xf32>,
          %parallel_loop3A_475 = vector.shape_cast %parallel_loop3A_474 : vector<1x16xf32> to vector<16xf32>
          %parallel_loop3A_476 = arith.constant 10 : i32
          %parallel_loop3A_477 = arith.addi %parallel_loop3A_220, %parallel_loop3A_476 : i32
          %parallel_loop3A_478 = arith.index_cast %parallel_loop3A_477 : i32 to index
          %parallel_loop3A_479 = arith.index_cast %parallel_loop3A_389 : i32 to index
          %parallel_loop3A_480 = tpu.vector_load %arg14[%parallel_loop3A_478, %parallel_loop3A_479] {strides = array<i32>} : memref<64x128xf32, #tpu.memory_space<vmem>>, vector<1x16xf32>,
          %parallel_loop3A_481 = vector.shape_cast %parallel_loop3A_480 : vector<1x16xf32> to vector<16xf32>
          %parallel_loop3A_482 = arith.mulf %parallel_loop3A_475, %parallel_loop3A_481 : vector<16xf32>
          %parallel_loop3A_483 = arith.mulf %parallel_loop3A_482, %parallel_loop3A_394 : vector<16xf32>
          %parallel_loop3A_484 = arith.addf %scan3A_377, %parallel_loop3A_483 : vector<16xf32>
          %parallel_loop3A_485 = arith.constant 6 : i32
          %parallel_loop3A_486 = arith.addi %parallel_loop3A_220, %parallel_loop3A_485 : i32
          %parallel_loop3A_487 = arith.index_cast %parallel_loop3A_486 : i32 to index
          %parallel_loop3A_488 = arith.index_cast %parallel_loop3A_389 : i32 to index
          %parallel_loop3A_489 = tpu.vector_load %arg10[%parallel_loop3A_487, %parallel_loop3A_488] {strides = array<i32>} : memref<64x128xf32, #tpu.memory_space<vmem>>, vector<1x16xf32>,
          %parallel_loop3A_490 = vector.shape_cast %parallel_loop3A_489 : vector<1x16xf32> to vector<16xf32>
          %parallel_loop3A_491 = arith.constant 6 : i32
          %parallel_loop3A_492 = arith.addi %parallel_loop3A_220, %parallel_loop3A_491 : i32
          %parallel_loop3A_493 = arith.index_cast %parallel_loop3A_492 : i32 to index
          %parallel_loop3A_494 = arith.index_cast %parallel_loop3A_389 : i32 to index
          %parallel_loop3A_495 = tpu.vector_load %arg14[%parallel_loop3A_493, %parallel_loop3A_494] {strides = array<i32>} : memref<64x128xf32, #tpu.memory_space<vmem>>, vector<1x16xf32>,
          %parallel_loop3A_496 = vector.shape_cast %parallel_loop3A_495 : vector<1x16xf32> to vector<16xf32>
          %parallel_loop3A_497 = arith.mulf %parallel_loop3A_490, %parallel_loop3A_496 : vector<16xf32>
          %parallel_loop3A_498 = arith.mulf %parallel_loop3A_497, %parallel_loop3A_394 : vector<16xf32>
          %parallel_loop3A_499 = arith.addf %scan3A_378, %parallel_loop3A_498 : vector<16xf32>
          %parallel_loop3A_500 = arith.constant 14 : i32
          %parallel_loop3A_501 = arith.addi %parallel_loop3A_220, %parallel_loop3A_500 : i32
          %parallel_loop3A_502 = arith.index_cast %parallel_loop3A_501 : i32 to index
          %parallel_loop3A_503 = arith.index_cast %parallel_loop3A_389 : i32 to index
          %parallel_loop3A_504 = tpu.vector_load %arg10[%parallel_loop3A_502, %parallel_loop3A_503] {strides = array<i32>} : memref<64x128xf32, #tpu.memory_space<vmem>>, vector<1x16xf32>,
          %parallel_loop3A_505 = vector.shape_cast %parallel_loop3A_504 : vector<1x16xf32> to vector<16xf32>
          %parallel_loop3A_506 = arith.constant 14 : i32
          %parallel_loop3A_507 = arith.addi %parallel_loop3A_220, %parallel_loop3A_506 : i32
          %parallel_loop3A_508 = arith.index_cast %parallel_loop3A_507 : i32 to index
          %parallel_loop3A_509 = arith.index_cast %parallel_loop3A_389 : i32 to index
          %parallel_loop3A_510 = tpu.vector_load %arg14[%parallel_loop3A_508, %parallel_loop3A_509] {strides = array<i32>} : memref<64x128xf32, #tpu.memory_space<vmem>>, vector<1x16xf32>,
          %parallel_loop3A_511 = vector.shape_cast %parallel_loop3A_510 : vector<1x16xf32> to vector<16xf32>
          %parallel_loop3A_512 = arith.mulf %parallel_loop3A_505, %parallel_loop3A_511 : vector<16xf32>
          %parallel_loop3A_513 = arith.mulf %parallel_loop3A_512, %parallel_loop3A_394 : vector<16xf32>
          %parallel_loop3A_514 = arith.addf %scan3A_379, %parallel_loop3A_513 : vector<16xf32>
          %parallel_loop3A_515 = arith.constant 1 : i32
          %parallel_loop3A_516 = arith.addi %parallel_loop3A_220, %parallel_loop3A_515 : i32
          %parallel_loop3A_517 = arith.index_cast %parallel_loop3A_516 : i32 to index
          %parallel_loop3A_518 = arith.index_cast %parallel_loop3A_389 : i32 to index
          %parallel_loop3A_519 = tpu.vector_load %arg10[%parallel_loop3A_517, %parallel_loop3A_518] {strides = array<i32>} : memref<64x128xf32, #tpu.memory_space<vmem>>, vector<1x16xf32>,
          %parallel_loop3A_520 = vector.shape_cast %parallel_loop3A_519 : vector<1x16xf32> to vector<16xf32>
          %parallel_loop3A_521 = arith.constant 1 : i32
          %parallel_loop3A_522 = arith.addi %parallel_loop3A_220, %parallel_loop3A_521 : i32
          %parallel_loop3A_523 = arith.index_cast %parallel_loop3A_522 : i32 to index
          %parallel_loop3A_524 = arith.index_cast %parallel_loop3A_389 : i32 to index
          %parallel_loop3A_525 = tpu.vector_load %arg14[%parallel_loop3A_523, %parallel_loop3A_524] {strides = array<i32>} : memref<64x128xf32, #tpu.memory_space<vmem>>, vector<1x16xf32>,
          %parallel_loop3A_526 = vector.shape_cast %parallel_loop3A_525 : vector<1x16xf32> to vector<16xf32>
          %parallel_loop3A_527 = arith.mulf %parallel_loop3A_520, %parallel_loop3A_526 : vector<16xf32>
          %parallel_loop3A_528 = arith.mulf %parallel_loop3A_527, %parallel_loop3A_394 : vector<16xf32>
          %parallel_loop3A_529 = arith.addf %scan3A_380, %parallel_loop3A_528 : vector<16xf32>
          %parallel_loop3A_530 = arith.constant 9 : i32
          %parallel_loop3A_531 = arith.addi %parallel_loop3A_220, %parallel_loop3A_530 : i32
          %parallel_loop3A_532 = arith.index_cast %parallel_loop3A_531 : i32 to index
          %parallel_loop3A_533 = arith.index_cast %parallel_loop3A_389 : i32 to index
          %parallel_loop3A_534 = tpu.vector_load %arg10[%parallel_loop3A_532, %parallel_loop3A_533] {strides = array<i32>} : memref<64x128xf32, #tpu.memory_space<vmem>>, vector<1x16xf32>,
          %parallel_loop3A_535 = vector.shape_cast %parallel_loop3A_534 : vector<1x16xf32> to vector<16xf32>
          %parallel_loop3A_536 = arith.constant 9 : i32
          %parallel_loop3A_537 = arith.addi %parallel_loop3A_220, %parallel_loop3A_536 : i32
          %parallel_loop3A_538 = arith.index_cast %parallel_loop3A_537 : i32 to index
          %parallel_loop3A_539 = arith.index_cast %parallel_loop3A_389 : i32 to index
          %parallel_loop3A_540 = tpu.vector_load %arg14[%parallel_loop3A_538, %parallel_loop3A_539] {strides = array<i32>} : memref<64x128xf32, #tpu.memory_space<vmem>>, vector<1x16xf32>,
          %parallel_loop3A_541 = vector.shape_cast %parallel_loop3A_540 : vector<1x16xf32> to vector<16xf32>
          %parallel_loop3A_542 = arith.mulf %parallel_loop3A_535, %parallel_loop3A_541 : vector<16xf32>
          %parallel_loop3A_543 = arith.mulf %parallel_loop3A_542, %parallel_loop3A_394 : vector<16xf32>
          %parallel_loop3A_544 = arith.addf %scan3A_381, %parallel_loop3A_543 : vector<16xf32>
          %parallel_loop3A_545 = arith.constant 5 : i32
          %parallel_loop3A_546 = arith.addi %parallel_loop3A_220, %parallel_loop3A_545 : i32
          %parallel_loop3A_547 = arith.index_cast %parallel_loop3A_546 : i32 to index
          %parallel_loop3A_548 = arith.index_cast %parallel_loop3A_389 : i32 to index
          %parallel_loop3A_549 = tpu.vector_load %arg10[%parallel_loop3A_547, %parallel_loop3A_548] {strides = array<i32>} : memref<64x128xf32, #tpu.memory_space<vmem>>, vector<1x16xf32>,
          %parallel_loop3A_550 = vector.shape_cast %parallel_loop3A_549 : vector<1x16xf32> to vector<16xf32>
          %parallel_loop3A_551 = arith.constant 5 : i32
          %parallel_loop3A_552 = arith.addi %parallel_loop3A_220, %parallel_loop3A_551 : i32
          %parallel_loop3A_553 = arith.index_cast %parallel_loop3A_552 : i32 to index
          %parallel_loop3A_554 = arith.index_cast %parallel_loop3A_389 : i32 to index
          %parallel_loop3A_555 = tpu.vector_load %arg14[%parallel_loop3A_553, %parallel_loop3A_554] {strides = array<i32>} : memref<64x128xf32, #tpu.memory_space<vmem>>, vector<1x16xf32>,
          %parallel_loop3A_556 = vector.shape_cast %parallel_loop3A_555 : vector<1x16xf32> to vector<16xf32>
          %parallel_loop3A_557 = arith.mulf %parallel_loop3A_550, %parallel_loop3A_556 : vector<16xf32>
          %parallel_loop3A_558 = arith.mulf %parallel_loop3A_557, %parallel_loop3A_394 : vector<16xf32>
          %parallel_loop3A_559 = arith.addf %scan3A_382, %parallel_loop3A_558 : vector<16xf32>
          %parallel_loop3A_560 = arith.constant 13 : i32
          %parallel_loop3A_561 = arith.addi %parallel_loop3A_220, %parallel_loop3A_560 : i32
          %parallel_loop3A_562 = arith.index_cast %parallel_loop3A_561 : i32 to index
          %parallel_loop3A_563 = arith.index_cast %parallel_loop3A_389 : i32 to index
          %parallel_loop3A_564 = tpu.vector_load %arg10[%parallel_loop3A_562, %parallel_loop3A_563] {strides = array<i32>} : memref<64x128xf32, #tpu.memory_space<vmem>>, vector<1x16xf32>,
          %parallel_loop3A_565 = vector.shape_cast %parallel_loop3A_564 : vector<1x16xf32> to vector<16xf32>
          %parallel_loop3A_566 = arith.constant 13 : i32
          %parallel_loop3A_567 = arith.addi %parallel_loop3A_220, %parallel_loop3A_566 : i32
          %parallel_loop3A_568 = arith.index_cast %parallel_loop3A_567 : i32 to index
          %parallel_loop3A_569 = arith.index_cast %parallel_loop3A_389 : i32 to index
          %parallel_loop3A_570 = tpu.vector_load %arg14[%parallel_loop3A_568, %parallel_loop3A_569] {strides = array<i32>} : memref<64x128xf32, #tpu.memory_space<vmem>>, vector<1x16xf32>,
          %parallel_loop3A_571 = vector.shape_cast %parallel_loop3A_570 : vector<1x16xf32> to vector<16xf32>
          %parallel_loop3A_572 = arith.mulf %parallel_loop3A_565, %parallel_loop3A_571 : vector<16xf32>
          %parallel_loop3A_573 = arith.mulf %parallel_loop3A_572, %parallel_loop3A_394 : vector<16xf32>
          %parallel_loop3A_574 = arith.addf %scan3A_383, %parallel_loop3A_573 : vector<16xf32>
          %parallel_loop3A_575 = arith.constant 3 : i32
          %parallel_loop3A_576 = arith.addi %parallel_loop3A_220, %parallel_loop3A_575 : i32
          %parallel_loop3A_577 = arith.index_cast %parallel_loop3A_576 : i32 to index
          %parallel_loop3A_578 = arith.index_cast %parallel_loop3A_389 : i32 to index
          %parallel_loop3A_579 = tpu.vector_load %arg10[%parallel_loop3A_577, %parallel_loop3A_578] {strides = array<i32>} : memref<64x128xf32, #tpu.memory_space<vmem>>, vector<1x16xf32>,
          %parallel_loop3A_580 = vector.shape_cast %parallel_loop3A_579 : vector<1x16xf32> to vector<16xf32>
          %parallel_loop3A_581 = arith.constant 3 : i32
          %parallel_loop3A_582 = arith.addi %parallel_loop3A_220, %parallel_loop3A_581 : i32
          %parallel_loop3A_583 = arith.index_cast %parallel_loop3A_582 : i32 to index
          %parallel_loop3A_584 = arith.index_cast %parallel_loop3A_389 : i32 to index
          %parallel_loop3A_585 = tpu.vector_load %arg14[%parallel_loop3A_583, %parallel_loop3A_584] {strides = array<i32>} : memref<64x128xf32, #tpu.memory_space<vmem>>, vector<1x16xf32>,
          %parallel_loop3A_586 = vector.shape_cast %parallel_loop3A_585 : vector<1x16xf32> to vector<16xf32>
          %parallel_loop3A_587 = arith.mulf %parallel_loop3A_580, %parallel_loop3A_586 : vector<16xf32>
          %parallel_loop3A_588 = arith.mulf %parallel_loop3A_587, %parallel_loop3A_394 : vector<16xf32>
          %parallel_loop3A_589 = arith.addf %scan3A_384, %parallel_loop3A_588 : vector<16xf32>
          %parallel_loop3A_590 = arith.constant 11 : i32
          %parallel_loop3A_591 = arith.addi %parallel_loop3A_220, %parallel_loop3A_590 : i32
          %parallel_loop3A_592 = arith.index_cast %parallel_loop3A_591 : i32 to index
          %parallel_loop3A_593 = arith.index_cast %parallel_loop3A_389 : i32 to index
          %parallel_loop3A_594 = tpu.vector_load %arg10[%parallel_loop3A_592, %parallel_loop3A_593] {strides = array<i32>} : memref<64x128xf32, #tpu.memory_space<vmem>>, vector<1x16xf32>,
          %parallel_loop3A_595 = vector.shape_cast %parallel_loop3A_594 : vector<1x16xf32> to vector<16xf32>
          %parallel_loop3A_596 = arith.constant 11 : i32
          %parallel_loop3A_597 = arith.addi %parallel_loop3A_220, %parallel_loop3A_596 : i32
          %parallel_loop3A_598 = arith.index_cast %parallel_loop3A_597 : i32 to index
          %parallel_loop3A_599 = arith.index_cast %parallel_loop3A_389 : i32 to index
          %parallel_loop3A_600 = tpu.vector_load %arg14[%parallel_loop3A_598, %parallel_loop3A_599] {strides = array<i32>} : memref<64x128xf32, #tpu.memory_space<vmem>>, vector<1x16xf32>,
          %parallel_loop3A_601 = vector.shape_cast %parallel_loop3A_600 : vector<1x16xf32> to vector<16xf32>
          %parallel_loop3A_602 = arith.mulf %parallel_loop3A_595, %parallel_loop3A_601 : vector<16xf32>
          %parallel_loop3A_603 = arith.mulf %parallel_loop3A_602, %parallel_loop3A_394 : vector<16xf32>
          %parallel_loop3A_604 = arith.addf %scan3A_385, %parallel_loop3A_603 : vector<16xf32>
          %parallel_loop3A_605 = arith.constant 7 : i32
          %parallel_loop3A_606 = arith.addi %parallel_loop3A_220, %parallel_loop3A_605 : i32
          %parallel_loop3A_607 = arith.index_cast %parallel_loop3A_606 : i32 to index
          %parallel_loop3A_608 = arith.index_cast %parallel_loop3A_389 : i32 to index
          %parallel_loop3A_609 = tpu.vector_load %arg10[%parallel_loop3A_607, %parallel_loop3A_608] {strides = array<i32>} : memref<64x128xf32, #tpu.memory_space<vmem>>, vector<1x16xf32>,
          %parallel_loop3A_610 = vector.shape_cast %parallel_loop3A_609 : vector<1x16xf32> to vector<16xf32>
          %parallel_loop3A_611 = arith.constant 7 : i32
          %parallel_loop3A_612 = arith.addi %parallel_loop3A_220, %parallel_loop3A_611 : i32
          %parallel_loop3A_613 = arith.index_cast %parallel_loop3A_612 : i32 to index
          %parallel_loop3A_614 = arith.index_cast %parallel_loop3A_389 : i32 to index
          %parallel_loop3A_615 = tpu.vector_load %arg14[%parallel_loop3A_613, %parallel_loop3A_614] {strides = array<i32>} : memref<64x128xf32, #tpu.memory_space<vmem>>, vector<1x16xf32>,
          %parallel_loop3A_616 = vector.shape_cast %parallel_loop3A_615 : vector<1x16xf32> to vector<16xf32>
          %parallel_loop3A_617 = arith.mulf %parallel_loop3A_610, %parallel_loop3A_616 : vector<16xf32>
          %parallel_loop3A_618 = arith.mulf %parallel_loop3A_617, %parallel_loop3A_394 : vector<16xf32>
          %parallel_loop3A_619 = arith.addf %scan3A_386, %parallel_loop3A_618 : vector<16xf32>
          %parallel_loop3A_620 = arith.constant 15 : i32
          %parallel_loop3A_621 = arith.addi %parallel_loop3A_220, %parallel_loop3A_620 : i32
          %parallel_loop3A_622 = arith.index_cast %parallel_loop3A_621 : i32 to index
          %parallel_loop3A_623 = arith.index_cast %parallel_loop3A_389 : i32 to index
          %parallel_loop3A_624 = tpu.vector_load %arg10[%parallel_loop3A_622, %parallel_loop3A_623] {strides = array<i32>} : memref<64x128xf32, #tpu.memory_space<vmem>>, vector<1x16xf32>,
          %parallel_loop3A_625 = vector.shape_cast %parallel_loop3A_624 : vector<1x16xf32> to vector<16xf32>
          %parallel_loop3A_626 = arith.constant 15 : i32
          %parallel_loop3A_627 = arith.addi %parallel_loop3A_220, %parallel_loop3A_626 : i32
          %parallel_loop3A_628 = arith.index_cast %parallel_loop3A_627 : i32 to index
          %parallel_loop3A_629 = arith.index_cast %parallel_loop3A_389 : i32 to index
          %parallel_loop3A_630 = tpu.vector_load %arg14[%parallel_loop3A_628, %parallel_loop3A_629] {strides = array<i32>} : memref<64x128xf32, #tpu.memory_space<vmem>>, vector<1x16xf32>,
          %parallel_loop3A_631 = vector.shape_cast %parallel_loop3A_630 : vector<1x16xf32> to vector<16xf32>
          %parallel_loop3A_632 = arith.mulf %parallel_loop3A_625, %parallel_loop3A_631 : vector<16xf32>
          %parallel_loop3A_633 = arith.mulf %parallel_loop3A_632, %parallel_loop3A_394 : vector<16xf32>
          %parallel_loop3A_634 = arith.addf %scan3A_387, %parallel_loop3A_633 : vector<16xf32>
          scf.yield %parallel_loop3A_409, %parallel_loop3A_424, %parallel_loop3A_439, %parallel_loop3A_454, %parallel_loop3A_469, %parallel_loop3A_484, %parallel_loop3A_499, %parallel_loop3A_514, %parallel_loop3A_529, %parallel_loop3A_544, %parallel_loop3A_559, %parallel_loop3A_574, %parallel_loop3A_589, %parallel_loop3A_604, %parallel_loop3A_619, %parallel_loop3A_634 : vector<16xf32>, vector<16xf32>, vector<16xf32>, vector<16xf32>, vector<16xf32>, vector<16xf32>, vector<16xf32>, vector<16xf32>, vector<16xf32>, vector<16xf32>, vector<16xf32>, vector<16xf32>, vector<16xf32>, vector<16xf32>, vector<16xf32>, vector<16xf32>
        }
        %parallel_loop3A_228 = arith.constant 8 : i32
        %parallel_loop3A_229 = vector.shape_cast %or3A : vector<16xi32> to vector<16x1xi32>
        %parallel_loop3A_230 = vector.shape_cast %parallel_loop3A_229 : vector<16x1xi32> to vector<16xi32>
        %parallel_loop3A_231 = tpu.dynamic_gather %parallel_loop3A_227#0[%parallel_loop3A_230] in [0] : vector<16xf32>, vector<16xi32> -> vector<16xf32>
        %parallel_loop3A_232 = arith.addf %parallel_loop3A_227#0, %parallel_loop3A_231 : vector<16xf32>
        %parallel_loop3A_233 = vector.shape_cast %or3A : vector<16xi32> to vector<16x1xi32>
        %parallel_loop3A_234 = vector.shape_cast %parallel_loop3A_233 : vector<16x1xi32> to vector<16xi32>
        %parallel_loop3A_235 = tpu.dynamic_gather %parallel_loop3A_227#1[%parallel_loop3A_234] in [0] : vector<16xf32>, vector<16xi32> -> vector<16xf32>
        %parallel_loop3A_236 = arith.addf %parallel_loop3A_227#1, %parallel_loop3A_235 : vector<16xf32>
        %parallel_loop3A_237 = arith.select %eq3A_63, %parallel_loop3A_232, %parallel_loop3A_236 : vector<16xi1>, vector<16xf32>
        %parallel_loop3A_238 = vector.shape_cast %or3A : vector<16xi32> to vector<16x1xi32>
        %parallel_loop3A_239 = vector.shape_cast %parallel_loop3A_238 : vector<16x1xi32> to vector<16xi32>
        %parallel_loop3A_240 = tpu.dynamic_gather %parallel_loop3A_227#2[%parallel_loop3A_239] in [0] : vector<16xf32>, vector<16xi32> -> vector<16xf32>
        %parallel_loop3A_241 = arith.addf %parallel_loop3A_227#2, %parallel_loop3A_240 : vector<16xf32>
        %parallel_loop3A_242 = vector.shape_cast %or3A : vector<16xi32> to vector<16x1xi32>
        %parallel_loop3A_243 = vector.shape_cast %parallel_loop3A_242 : vector<16x1xi32> to vector<16xi32>
        %parallel_loop3A_244 = tpu.dynamic_gather %parallel_loop3A_227#3[%parallel_loop3A_243] in [0] : vector<16xf32>, vector<16xi32> -> vector<16xf32>
        %parallel_loop3A_245 = arith.addf %parallel_loop3A_227#3, %parallel_loop3A_244 : vector<16xf32>
        %parallel_loop3A_246 = arith.select %eq3A_63, %parallel_loop3A_241, %parallel_loop3A_245 : vector<16xi1>, vector<16xf32>
        %parallel_loop3A_247 = vector.shape_cast %or3A : vector<16xi32> to vector<16x1xi32>
        %parallel_loop3A_248 = vector.shape_cast %parallel_loop3A_247 : vector<16x1xi32> to vector<16xi32>
        %parallel_loop3A_249 = tpu.dynamic_gather %parallel_loop3A_227#4[%parallel_loop3A_248] in [0] : vector<16xf32>, vector<16xi32> -> vector<16xf32>
        %parallel_loop3A_250 = arith.addf %parallel_loop3A_227#4, %parallel_loop3A_249 : vector<16xf32>
        %parallel_loop3A_251 = vector.shape_cast %or3A : vector<16xi32> to vector<16x1xi32>
        %parallel_loop3A_252 = vector.shape_cast %parallel_loop3A_251 : vector<16x1xi32> to vector<16xi32>
        %parallel_loop3A_253 = tpu.dynamic_gather %parallel_loop3A_227#5[%parallel_loop3A_252] in [0] : vector<16xf32>, vector<16xi32> -> vector<16xf32>
        %parallel_loop3A_254 = arith.addf %parallel_loop3A_227#5, %parallel_loop3A_253 : vector<16xf32>
        %parallel_loop3A_255 = arith.select %eq3A_63, %parallel_loop3A_250, %parallel_loop3A_254 : vector<16xi1>, vector<16xf32>
        %parallel_loop3A_256 = vector.shape_cast %or3A : vector<16xi32> to vector<16x1xi32>
        %parallel_loop3A_257 = vector.shape_cast %parallel_loop3A_256 : vector<16x1xi32> to vector<16xi32>
        %parallel_loop3A_258 = tpu.dynamic_gather %parallel_loop3A_227#6[%parallel_loop3A_257] in [0] : vector<16xf32>, vector<16xi32> -> vector<16xf32>
        %parallel_loop3A_259 = arith.addf %parallel_loop3A_227#6, %parallel_loop3A_258 : vector<16xf32>
        %parallel_loop3A_260 = vector.shape_cast %or3A : vector<16xi32> to vector<16x1xi32>
        %parallel_loop3A_261 = vector.shape_cast %parallel_loop3A_260 : vector<16x1xi32> to vector<16xi32>
        %parallel_loop3A_262 = tpu.dynamic_gather %parallel_loop3A_227#7[%parallel_loop3A_261] in [0] : vector<16xf32>, vector<16xi32> -> vector<16xf32>
        %parallel_loop3A_263 = arith.addf %parallel_loop3A_227#7, %parallel_loop3A_262 : vector<16xf32>
        %parallel_loop3A_264 = arith.select %eq3A_63, %parallel_loop3A_259, %parallel_loop3A_263 : vector<16xi1>, vector<16xf32>
        %parallel_loop3A_265 = vector.shape_cast %or3A : vector<16xi32> to vector<16x1xi32>
        %parallel_loop3A_266 = vector.shape_cast %parallel_loop3A_265 : vector<16x1xi32> to vector<16xi32>
        %parallel_loop3A_267 = tpu.dynamic_gather %parallel_loop3A_227#8[%parallel_loop3A_266] in [0] : vector<16xf32>, vector<16xi32> -> vector<16xf32>
        %parallel_loop3A_268 = arith.addf %parallel_loop3A_227#8, %parallel_loop3A_267 : vector<16xf32>
        %parallel_loop3A_269 = vector.shape_cast %or3A : vector<16xi32> to vector<16x1xi32>
        %parallel_loop3A_270 = vector.shape_cast %parallel_loop3A_269 : vector<16x1xi32> to vector<16xi32>
        %parallel_loop3A_271 = tpu.dynamic_gather %parallel_loop3A_227#9[%parallel_loop3A_270] in [0] : vector<16xf32>, vector<16xi32> -> vector<16xf32>
        %parallel_loop3A_272 = arith.addf %parallel_loop3A_227#9, %parallel_loop3A_271 : vector<16xf32>
        %parallel_loop3A_273 = arith.select %eq3A_63, %parallel_loop3A_268, %parallel_loop3A_272 : vector<16xi1>, vector<16xf32>
        %parallel_loop3A_274 = vector.shape_cast %or3A : vector<16xi32> to vector<16x1xi32>
        %parallel_loop3A_275 = vector.shape_cast %parallel_loop3A_274 : vector<16x1xi32> to vector<16xi32>
        %parallel_loop3A_276 = tpu.dynamic_gather %parallel_loop3A_227#10[%parallel_loop3A_275] in [0] : vector<16xf32>, vector<16xi32> -> vector<16xf32>
        %parallel_loop3A_277 = arith.addf %parallel_loop3A_227#10, %parallel_loop3A_276 : vector<16xf32>
        %parallel_loop3A_278 = vector.shape_cast %or3A : vector<16xi32> to vector<16x1xi32>
        %parallel_loop3A_279 = vector.shape_cast %parallel_loop3A_278 : vector<16x1xi32> to vector<16xi32>
        %parallel_loop3A_280 = tpu.dynamic_gather %parallel_loop3A_227#11[%parallel_loop3A_279] in [0] : vector<16xf32>, vector<16xi32> -> vector<16xf32>
        %parallel_loop3A_281 = arith.addf %parallel_loop3A_227#11, %parallel_loop3A_280 : vector<16xf32>
        %parallel_loop3A_282 = arith.select %eq3A_63, %parallel_loop3A_277, %parallel_loop3A_281 : vector<16xi1>, vector<16xf32>
        %parallel_loop3A_283 = vector.shape_cast %or3A : vector<16xi32> to vector<16x1xi32>
        %parallel_loop3A_284 = vector.shape_cast %parallel_loop3A_283 : vector<16x1xi32> to vector<16xi32>
        %parallel_loop3A_285 = tpu.dynamic_gather %parallel_loop3A_227#12[%parallel_loop3A_284] in [0] : vector<16xf32>, vector<16xi32> -> vector<16xf32>
        %parallel_loop3A_286 = arith.addf %parallel_loop3A_227#12, %parallel_loop3A_285 : vector<16xf32>
        %parallel_loop3A_287 = vector.shape_cast %or3A : vector<16xi32> to vector<16x1xi32>
        %parallel_loop3A_288 = vector.shape_cast %parallel_loop3A_287 : vector<16x1xi32> to vector<16xi32>
        %parallel_loop3A_289 = tpu.dynamic_gather %parallel_loop3A_227#13[%parallel_loop3A_288] in [0] : vector<16xf32>, vector<16xi32> -> vector<16xf32>
        %parallel_loop3A_290 = arith.addf %parallel_loop3A_227#13, %parallel_loop3A_289 : vector<16xf32>
        %parallel_loop3A_291 = arith.select %eq3A_63, %parallel_loop3A_286, %parallel_loop3A_290 : vector<16xi1>, vector<16xf32>
        %parallel_loop3A_292 = vector.shape_cast %or3A : vector<16xi32> to vector<16x1xi32>
        %parallel_loop3A_293 = vector.shape_cast %parallel_loop3A_292 : vector<16x1xi32> to vector<16xi32>
        %parallel_loop3A_294 = tpu.dynamic_gather %parallel_loop3A_227#14[%parallel_loop3A_293] in [0] : vector<16xf32>, vector<16xi32> -> vector<16xf32>
        %parallel_loop3A_295 = arith.addf %parallel_loop3A_227#14, %parallel_loop3A_294 : vector<16xf32>
        %parallel_loop3A_296 = vector.shape_cast %or3A : vector<16xi32> to vector<16x1xi32>
        %parallel_loop3A_297 = vector.shape_cast %parallel_loop3A_296 : vector<16x1xi32> to vector<16xi32>
        %parallel_loop3A_298 = tpu.dynamic_gather %parallel_loop3A_227#15[%parallel_loop3A_297] in [0] : vector<16xf32>, vector<16xi32> -> vector<16xf32>
        %parallel_loop3A_299 = arith.addf %parallel_loop3A_227#15, %parallel_loop3A_298 : vector<16xf32>
        %parallel_loop3A_300 = arith.select %eq3A_63, %parallel_loop3A_295, %parallel_loop3A_299 : vector<16xi1>, vector<16xf32>
        %parallel_loop3A_301 = vector.shape_cast %or3A_73 : vector<16xi32> to vector<16x1xi32>
        %parallel_loop3A_302 = vector.shape_cast %parallel_loop3A_301 : vector<16x1xi32> to vector<16xi32>
        %parallel_loop3A_303 = tpu.dynamic_gather %parallel_loop3A_237[%parallel_loop3A_302] in [0] : vector<16xf32>, vector<16xi32> -> vector<16xf32>
        %parallel_loop3A_304 = arith.addf %parallel_loop3A_237, %parallel_loop3A_303 : vector<16xf32>
        %parallel_loop3A_305 = vector.shape_cast %or3A_73 : vector<16xi32> to vector<16x1xi32>
        %parallel_loop3A_306 = vector.shape_cast %parallel_loop3A_305 : vector<16x1xi32> to vector<16xi32>
        %parallel_loop3A_307 = tpu.dynamic_gather %parallel_loop3A_246[%parallel_loop3A_306] in [0] : vector<16xf32>, vector<16xi32> -> vector<16xf32>
        %parallel_loop3A_308 = arith.addf %parallel_loop3A_246, %parallel_loop3A_307 : vector<16xf32>
        %parallel_loop3A_309 = arith.select %eq3A_79, %parallel_loop3A_304, %parallel_loop3A_308 : vector<16xi1>, vector<16xf32>
        %parallel_loop3A_310 = vector.shape_cast %or3A_73 : vector<16xi32> to vector<16x1xi32>
        %parallel_loop3A_311 = vector.shape_cast %parallel_loop3A_310 : vector<16x1xi32> to vector<16xi32>
        %parallel_loop3A_312 = tpu.dynamic_gather %parallel_loop3A_255[%parallel_loop3A_311] in [0] : vector<16xf32>, vector<16xi32> -> vector<16xf32>
        %parallel_loop3A_313 = arith.addf %parallel_loop3A_255, %parallel_loop3A_312 : vector<16xf32>
        %parallel_loop3A_314 = vector.shape_cast %or3A_73 : vector<16xi32> to vector<16x1xi32>
        %parallel_loop3A_315 = vector.shape_cast %parallel_loop3A_314 : vector<16x1xi32> to vector<16xi32>
        %parallel_loop3A_316 = tpu.dynamic_gather %parallel_loop3A_264[%parallel_loop3A_315] in [0] : vector<16xf32>, vector<16xi32> -> vector<16xf32>
        %parallel_loop3A_317 = arith.addf %parallel_loop3A_264, %parallel_loop3A_316 : vector<16xf32>
        %parallel_loop3A_318 = arith.select %eq3A_79, %parallel_loop3A_313, %parallel_loop3A_317 : vector<16xi1>, vector<16xf32>
        %parallel_loop3A_319 = vector.shape_cast %or3A_73 : vector<16xi32> to vector<16x1xi32>
        %parallel_loop3A_320 = vector.shape_cast %parallel_loop3A_319 : vector<16x1xi32> to vector<16xi32>
        %parallel_loop3A_321 = tpu.dynamic_gather %parallel_loop3A_273[%parallel_loop3A_320] in [0] : vector<16xf32>, vector<16xi32> -> vector<16xf32>
        %parallel_loop3A_322 = arith.addf %parallel_loop3A_273, %parallel_loop3A_321 : vector<16xf32>
        %parallel_loop3A_323 = vector.shape_cast %or3A_73 : vector<16xi32> to vector<16x1xi32>
        %parallel_loop3A_324 = vector.shape_cast %parallel_loop3A_323 : vector<16x1xi32> to vector<16xi32>
        %parallel_loop3A_325 = tpu.dynamic_gather %parallel_loop3A_282[%parallel_loop3A_324] in [0] : vector<16xf32>, vector<16xi32> -> vector<16xf32>
        %parallel_loop3A_326 = arith.addf %parallel_loop3A_282, %parallel_loop3A_325 : vector<16xf32>
        %parallel_loop3A_327 = arith.select %eq3A_79, %parallel_loop3A_322, %parallel_loop3A_326 : vector<16xi1>, vector<16xf32>
        %parallel_loop3A_328 = vector.shape_cast %or3A_73 : vector<16xi32> to vector<16x1xi32>
        %parallel_loop3A_329 = vector.shape_cast %parallel_loop3A_328 : vector<16x1xi32> to vector<16xi32>
        %parallel_loop3A_330 = tpu.dynamic_gather %parallel_loop3A_291[%parallel_loop3A_329] in [0] : vector<16xf32>, vector<16xi32> -> vector<16xf32>
        %parallel_loop3A_331 = arith.addf %parallel_loop3A_291, %parallel_loop3A_330 : vector<16xf32>
        %parallel_loop3A_332 = vector.shape_cast %or3A_73 : vector<16xi32> to vector<16x1xi32>
        %parallel_loop3A_333 = vector.shape_cast %parallel_loop3A_332 : vector<16x1xi32> to vector<16xi32>
        %parallel_loop3A_334 = tpu.dynamic_gather %parallel_loop3A_300[%parallel_loop3A_333] in [0] : vector<16xf32>, vector<16xi32> -> vector<16xf32>
        %parallel_loop3A_335 = arith.addf %parallel_loop3A_300, %parallel_loop3A_334 : vector<16xf32>
        %parallel_loop3A_336 = arith.select %eq3A_79, %parallel_loop3A_331, %parallel_loop3A_335 : vector<16xi1>, vector<16xf32>
        %parallel_loop3A_337 = vector.shape_cast %or3A_89 : vector<16xi32> to vector<16x1xi32>
        %parallel_loop3A_338 = vector.shape_cast %parallel_loop3A_337 : vector<16x1xi32> to vector<16xi32>
        %parallel_loop3A_339 = tpu.dynamic_gather %parallel_loop3A_309[%parallel_loop3A_338] in [0] : vector<16xf32>, vector<16xi32> -> vector<16xf32>
        %parallel_loop3A_340 = arith.addf %parallel_loop3A_309, %parallel_loop3A_339 : vector<16xf32>
        %parallel_loop3A_341 = vector.shape_cast %or3A_89 : vector<16xi32> to vector<16x1xi32>
        %parallel_loop3A_342 = vector.shape_cast %parallel_loop3A_341 : vector<16x1xi32> to vector<16xi32>
        %parallel_loop3A_343 = tpu.dynamic_gather %parallel_loop3A_318[%parallel_loop3A_342] in [0] : vector<16xf32>, vector<16xi32> -> vector<16xf32>
        %parallel_loop3A_344 = arith.addf %parallel_loop3A_318, %parallel_loop3A_343 : vector<16xf32>
        %parallel_loop3A_345 = arith.select %eq3A_95, %parallel_loop3A_340, %parallel_loop3A_344 : vector<16xi1>, vector<16xf32>
        %parallel_loop3A_346 = vector.shape_cast %or3A_89 : vector<16xi32> to vector<16x1xi32>
        %parallel_loop3A_347 = vector.shape_cast %parallel_loop3A_346 : vector<16x1xi32> to vector<16xi32>
        %parallel_loop3A_348 = tpu.dynamic_gather %parallel_loop3A_327[%parallel_loop3A_347] in [0] : vector<16xf32>, vector<16xi32> -> vector<16xf32>
        %parallel_loop3A_349 = arith.addf %parallel_loop3A_327, %parallel_loop3A_348 : vector<16xf32>
        %parallel_loop3A_350 = vector.shape_cast %or3A_89 : vector<16xi32> to vector<16x1xi32>
        %parallel_loop3A_351 = vector.shape_cast %parallel_loop3A_350 : vector<16x1xi32> to vector<16xi32>
        %parallel_loop3A_352 = tpu.dynamic_gather %parallel_loop3A_336[%parallel_loop3A_351] in [0] : vector<16xf32>, vector<16xi32> -> vector<16xf32>
        %parallel_loop3A_353 = arith.addf %parallel_loop3A_336, %parallel_loop3A_352 : vector<16xf32>
        %parallel_loop3A_354 = arith.select %eq3A_95, %parallel_loop3A_349, %parallel_loop3A_353 : vector<16xi1>, vector<16xf32>
        %parallel_loop3A_355 = vector.shape_cast %or3A_105 : vector<16xi32> to vector<16x1xi32>
        %parallel_loop3A_356 = vector.shape_cast %parallel_loop3A_355 : vector<16x1xi32> to vector<16xi32>
        %parallel_loop3A_357 = tpu.dynamic_gather %parallel_loop3A_345[%parallel_loop3A_356] in [0] : vector<16xf32>, vector<16xi32> -> vector<16xf32>
        %parallel_loop3A_358 = arith.addf %parallel_loop3A_345, %parallel_loop3A_357 : vector<16xf32>
        %parallel_loop3A_359 = vector.shape_cast %or3A_105 : vector<16xi32> to vector<16x1xi32>
        %parallel_loop3A_360 = vector.shape_cast %parallel_loop3A_359 : vector<16x1xi32> to vector<16xi32>
        %parallel_loop3A_361 = tpu.dynamic_gather %parallel_loop3A_354[%parallel_loop3A_360] in [0] : vector<16xf32>, vector<16xi32> -> vector<16xf32>
        %parallel_loop3A_362 = arith.addf %parallel_loop3A_354, %parallel_loop3A_361 : vector<16xf32>
        %parallel_loop3A_363 = arith.select %eq3A_111, %parallel_loop3A_358, %parallel_loop3A_362 : vector<16xi1>, vector<16xf32>
        %parallel_loop3A_364 = arith.constant 64 : i32
        %parallel_loop3A_365 = arith.muli %add3A_121, %parallel_loop3A_364 : i32
        %parallel_loop3A_366 = arith.addi %parallel_loop3A_365, %parallel_loop3A_220 : i32
        %parallel_loop3A_367 = arith.index_cast %parallel_loop3A_366 : i32 to index
        %parallel_loop3A_368 = tpu.vector_load %arg20[%parallel_loop3A_367] {strides = array<i32>} : memref<512xf32, #tpu.memory_space<vmem>>, vector<16xf32>,
        %parallel_loop3A_369 = vector.shape_cast %parallel_loop3A_368 : vector<16xf32> to vector<16xf32>
        %parallel_loop3A_370 = vector.shape_cast %parallel_loop3A_363 : vector<16xf32> to vector<16xf32>
        tpu.vector_store %arg20[%parallel_loop3A_367], %parallel_loop3A_370 {strides = array<i32>} : memref<512xf32, #tpu.memory_space<vmem>>, vector<16xf32>,
      } {sc.loop_unroll_factor = 1 : i64, sc.parallel_access}
      %add3A_136 = arith.constant 4 : i32
      %add3A_137 = arith.addi %add3A_121, %add3A_136 : i32
      %lt3A = arith.constant 8 : i32
      %lt3A_138 = arith.cmpi slt, %add3A_137, %lt3A : i32
      %convert_element_type3A = arith.extui %lt3A_138 : i1 to i32
      %cond3A = arith.constant 0 : i32
      %cond3A_139 = arith.cmpi ne, %convert_element_type3A, %cond3A : i32
      scf.if %cond3A_139 {
        %add3A_218 = arith.constant 4 : i32
        %add3A_219 = arith.addi %add3A_121, %add3A_218 : i32
        %mul3A_220 = arith.constant 64 : i32
        %mul3A_221 = arith.muli %add3A_219, %mul3A_220 : i32
        %dma_start3A_222 = tpu.memref_slice %arg8[%mul3A_221] : memref<512xi32, #tpu.memory_space<vmem>> -> memref<64xi32, #tpu.memory_space<vmem>>
        %dma_start3A_223 = arith.constant 0 : i32
        %dma_start3A_224 = arith.constant 0 : i32
        %dma_start3A_225 = tpu.memref_slice %arg2[%dma_start3A_223, %dma_start3A_224] : memref<14541x128xf32, #tpu.memory_space<hbm>> -> memref<14541x128xf32, #tpu.memory_space<hbm>>
        tpu.enqueue_indirect_dma source(%dma_start3A_225 : memref<14541x128xf32, #tpu.memory_space<hbm>>) target(%arg10 : memref<64x128xf32, #tpu.memory_space<vmem>>) offsets(%dma_start3A_222 : memref<64xi32, #tpu.memory_space<vmem>>) semaphore(%arg21 : memref<!tpu.dma_semaphore, #tpu.memory_space<semaphore_mem>>)
        %mul3A_226 = arith.constant 64 : i32
        %mul3A_227 = arith.muli %add3A_219, %mul3A_226 : i32
        %dma_start3A_228 = tpu.memref_slice %arg9[%mul3A_227] : memref<512xi32, #tpu.memory_space<vmem>> -> memref<64xi32, #tpu.memory_space<vmem>>
        %dma_start3A_229 = arith.constant 0 : i32
        %dma_start3A_230 = arith.constant 0 : i32
        %dma_start3A_231 = tpu.memref_slice %arg2[%dma_start3A_229, %dma_start3A_230] : memref<14541x128xf32, #tpu.memory_space<hbm>> -> memref<14541x128xf32, #tpu.memory_space<hbm>>
        tpu.enqueue_indirect_dma source(%dma_start3A_231 : memref<14541x128xf32, #tpu.memory_space<hbm>>) target(%arg14 : memref<64x128xf32, #tpu.memory_space<vmem>>) offsets(%dma_start3A_228 : memref<64xi32, #tpu.memory_space<vmem>>) semaphore(%arg25 : memref<!tpu.dma_semaphore, #tpu.memory_space<semaphore_mem>>)
      } else {
      }
      %mul3A_140 = arith.constant 4 : i32
      %mul3A_141 = arith.muli %scan3A_117, %mul3A_140 : i32
      %add3A_142 = arith.constant 1 : i32
      %add3A_143 = arith.addi %mul3A_141, %add3A_142 : i32
      %mul3A_144 = arith.constant 64 : i32
      %mul3A_145 = arith.muli %add3A_143, %mul3A_144 : i32
      %dma_wait3A_146 = tpu.memref_slice %arg8[%mul3A_145] : memref<512xi32, #tpu.memory_space<vmem>> -> memref<64xi32, #tpu.memory_space<vmem>>
      %dma_wait3A_147 = arith.constant 0 : i32
      %dma_wait3A_148 = arith.constant 0 : i32
      %dma_wait3A_149 = tpu.memref_slice %arg2[%dma_wait3A_147, %dma_wait3A_148] : memref<14541x128xf32, #tpu.memory_space<hbm>> -> memref<14541x128xf32, #tpu.memory_space<hbm>>
      tpu.wait_indirect_dma semaphore(%arg22 : memref<!tpu.dma_semaphore, #tpu.memory_space<semaphore_mem>>) src(%dma_wait3A_149 : memref<14541x128xf32, #tpu.memory_space<hbm>>) dst(%arg11 : memref<64x128xf32, #tpu.memory_space<vmem>>)
      %mul3A_150 = arith.constant 64 : i32
      %mul3A_151 = arith.muli %add3A_143, %mul3A_150 : i32
      %dma_wait3A_152 = tpu.memref_slice %arg9[%mul3A_151] : memref<512xi32, #tpu.memory_space<vmem>> -> memref<64xi32, #tpu.memory_space<vmem>>
      %dma_wait3A_153 = arith.constant 0 : i32
      %dma_wait3A_154 = arith.constant 0 : i32
      %dma_wait3A_155 = tpu.memref_slice %arg2[%dma_wait3A_153, %dma_wait3A_154] : memref<14541x128xf32, #tpu.memory_space<hbm>> -> memref<14541x128xf32, #tpu.memory_space<hbm>>
      tpu.wait_indirect_dma semaphore(%arg26 : memref<!tpu.dma_semaphore, #tpu.memory_space<semaphore_mem>>) src(%dma_wait3A_155 : memref<14541x128xf32, #tpu.memory_space<hbm>>) dst(%arg15 : memref<64x128xf32, #tpu.memory_space<vmem>>)
      %parallel_loop3A_156 = arith.constant 0 : i32
      %parallel_loop3A_157 = arith.constant 4 : i32
      %parallel_loop3A_158 = arith.constant 1 : i32
      scf.for %parallel_loop3A_218 = %parallel_loop3A_156 to %parallel_loop3A_157 step %parallel_loop3A_158  : i32 {
        %parallel_loop3A_219 = arith.constant 16 : i32
        %parallel_loop3A_220 = arith.muli %parallel_loop3A_218, %parallel_loop3A_219 : i32
        %parallel_loop3A_221 = arith.constant 0.000000e+00 : f32
        %parallel_loop3A_222 = vector.broadcast %parallel_loop3A_221 : f32 to vector<16xf32>
        %parallel_loop3A_223 = arith.constant 0 : i32
        %parallel_loop3A_224 = arith.constant 8 : i32
        %parallel_loop3A_225 = arith.addi %parallel_loop3A_223, %parallel_loop3A_224 : i32
        %parallel_loop3A_226 = arith.constant 1 : i32
        %parallel_loop3A_227:16 = scf.for %scan3A_371 = %parallel_loop3A_223 to %parallel_loop3A_225 step %parallel_loop3A_226 iter_args(%scan3A_372 = %parallel_loop3A_222, %scan3A_373 = %parallel_loop3A_222, %scan3A_374 = %parallel_loop3A_222, %scan3A_375 = %parallel_loop3A_222, %scan3A_376 = %parallel_loop3A_222, %scan3A_377 = %parallel_loop3A_222, %scan3A_378 = %parallel_loop3A_222, %scan3A_379 = %parallel_loop3A_222, %scan3A_380 = %parallel_loop3A_222, %scan3A_381 = %parallel_loop3A_222, %scan3A_382 = %parallel_loop3A_222, %scan3A_383 = %parallel_loop3A_222, %scan3A_384 = %parallel_loop3A_222, %scan3A_385 = %parallel_loop3A_222, %scan3A_386 = %parallel_loop3A_222, %scan3A_387 = %parallel_loop3A_222) -> (vector<16xf32>, vector<16xf32>, vector<16xf32>, vector<16xf32>, vector<16xf32>, vector<16xf32>, vector<16xf32>, vector<16xf32>, vector<16xf32>, vector<16xf32>, vector<16xf32>, vector<16xf32>, vector<16xf32>, vector<16xf32>, vector<16xf32>, vector<16xf32>)  : i32 {
          %parallel_loop3A_388 = arith.constant 16 : i32
          %parallel_loop3A_389 = arith.muli %scan3A_371, %parallel_loop3A_388 : i32
          %parallel_loop3A_390 = arith.constant 0 : i32
          %parallel_loop3A_391 = arith.index_cast %parallel_loop3A_390 : i32 to index
          %parallel_loop3A_392 = arith.index_cast %parallel_loop3A_389 : i32 to index
          %parallel_loop3A_393 = tpu.vector_load %arg18[%parallel_loop3A_391, %parallel_loop3A_392] {strides = array<i32>} : memref<1x128xf32, #tpu.memory_space<vmem>>, vector<1x16xf32>,
          %parallel_loop3A_394 = vector.shape_cast %parallel_loop3A_393 : vector<1x16xf32> to vector<16xf32>
          %parallel_loop3A_395 = arith.constant 0 : i32
          %parallel_loop3A_396 = arith.addi %parallel_loop3A_220, %parallel_loop3A_395 : i32
          %parallel_loop3A_397 = arith.index_cast %parallel_loop3A_396 : i32 to index
          %parallel_loop3A_398 = arith.index_cast %parallel_loop3A_389 : i32 to index
          %parallel_loop3A_399 = tpu.vector_load %arg11[%parallel_loop3A_397, %parallel_loop3A_398] {strides = array<i32>} : memref<64x128xf32, #tpu.memory_space<vmem>>, vector<1x16xf32>,
          %parallel_loop3A_400 = vector.shape_cast %parallel_loop3A_399 : vector<1x16xf32> to vector<16xf32>
          %parallel_loop3A_401 = arith.constant 0 : i32
          %parallel_loop3A_402 = arith.addi %parallel_loop3A_220, %parallel_loop3A_401 : i32
          %parallel_loop3A_403 = arith.index_cast %parallel_loop3A_402 : i32 to index
          %parallel_loop3A_404 = arith.index_cast %parallel_loop3A_389 : i32 to index
          %parallel_loop3A_405 = tpu.vector_load %arg15[%parallel_loop3A_403, %parallel_loop3A_404] {strides = array<i32>} : memref<64x128xf32, #tpu.memory_space<vmem>>, vector<1x16xf32>,
          %parallel_loop3A_406 = vector.shape_cast %parallel_loop3A_405 : vector<1x16xf32> to vector<16xf32>
          %parallel_loop3A_407 = arith.mulf %parallel_loop3A_400, %parallel_loop3A_406 : vector<16xf32>
          %parallel_loop3A_408 = arith.mulf %parallel_loop3A_407, %parallel_loop3A_394 : vector<16xf32>
          %parallel_loop3A_409 = arith.addf %scan3A_372, %parallel_loop3A_408 : vector<16xf32>
          %parallel_loop3A_410 = arith.constant 8 : i32
          %parallel_loop3A_411 = arith.addi %parallel_loop3A_220, %parallel_loop3A_410 : i32
          %parallel_loop3A_412 = arith.index_cast %parallel_loop3A_411 : i32 to index
          %parallel_loop3A_413 = arith.index_cast %parallel_loop3A_389 : i32 to index
          %parallel_loop3A_414 = tpu.vector_load %arg11[%parallel_loop3A_412, %parallel_loop3A_413] {strides = array<i32>} : memref<64x128xf32, #tpu.memory_space<vmem>>, vector<1x16xf32>,
          %parallel_loop3A_415 = vector.shape_cast %parallel_loop3A_414 : vector<1x16xf32> to vector<16xf32>
          %parallel_loop3A_416 = arith.constant 8 : i32
          %parallel_loop3A_417 = arith.addi %parallel_loop3A_220, %parallel_loop3A_416 : i32
          %parallel_loop3A_418 = arith.index_cast %parallel_loop3A_417 : i32 to index
          %parallel_loop3A_419 = arith.index_cast %parallel_loop3A_389 : i32 to index
          %parallel_loop3A_420 = tpu.vector_load %arg15[%parallel_loop3A_418, %parallel_loop3A_419] {strides = array<i32>} : memref<64x128xf32, #tpu.memory_space<vmem>>, vector<1x16xf32>,
          %parallel_loop3A_421 = vector.shape_cast %parallel_loop3A_420 : vector<1x16xf32> to vector<16xf32>
          %parallel_loop3A_422 = arith.mulf %parallel_loop3A_415, %parallel_loop3A_421 : vector<16xf32>
          %parallel_loop3A_423 = arith.mulf %parallel_loop3A_422, %parallel_loop3A_394 : vector<16xf32>
          %parallel_loop3A_424 = arith.addf %scan3A_373, %parallel_loop3A_423 : vector<16xf32>
          %parallel_loop3A_425 = arith.constant 4 : i32
          %parallel_loop3A_426 = arith.addi %parallel_loop3A_220, %parallel_loop3A_425 : i32
          %parallel_loop3A_427 = arith.index_cast %parallel_loop3A_426 : i32 to index
          %parallel_loop3A_428 = arith.index_cast %parallel_loop3A_389 : i32 to index
          %parallel_loop3A_429 = tpu.vector_load %arg11[%parallel_loop3A_427, %parallel_loop3A_428] {strides = array<i32>} : memref<64x128xf32, #tpu.memory_space<vmem>>, vector<1x16xf32>,
          %parallel_loop3A_430 = vector.shape_cast %parallel_loop3A_429 : vector<1x16xf32> to vector<16xf32>
          %parallel_loop3A_431 = arith.constant 4 : i32
          %parallel_loop3A_432 = arith.addi %parallel_loop3A_220, %parallel_loop3A_431 : i32
          %parallel_loop3A_433 = arith.index_cast %parallel_loop3A_432 : i32 to index
          %parallel_loop3A_434 = arith.index_cast %parallel_loop3A_389 : i32 to index
          %parallel_loop3A_435 = tpu.vector_load %arg15[%parallel_loop3A_433, %parallel_loop3A_434] {strides = array<i32>} : memref<64x128xf32, #tpu.memory_space<vmem>>, vector<1x16xf32>,
          %parallel_loop3A_436 = vector.shape_cast %parallel_loop3A_435 : vector<1x16xf32> to vector<16xf32>
          %parallel_loop3A_437 = arith.mulf %parallel_loop3A_430, %parallel_loop3A_436 : vector<16xf32>
          %parallel_loop3A_438 = arith.mulf %parallel_loop3A_437, %parallel_loop3A_394 : vector<16xf32>
          %parallel_loop3A_439 = arith.addf %scan3A_374, %parallel_loop3A_438 : vector<16xf32>
          %parallel_loop3A_440 = arith.constant 12 : i32
          %parallel_loop3A_441 = arith.addi %parallel_loop3A_220, %parallel_loop3A_440 : i32
          %parallel_loop3A_442 = arith.index_cast %parallel_loop3A_441 : i32 to index
          %parallel_loop3A_443 = arith.index_cast %parallel_loop3A_389 : i32 to index
          %parallel_loop3A_444 = tpu.vector_load %arg11[%parallel_loop3A_442, %parallel_loop3A_443] {strides = array<i32>} : memref<64x128xf32, #tpu.memory_space<vmem>>, vector<1x16xf32>,
          %parallel_loop3A_445 = vector.shape_cast %parallel_loop3A_444 : vector<1x16xf32> to vector<16xf32>
          %parallel_loop3A_446 = arith.constant 12 : i32
          %parallel_loop3A_447 = arith.addi %parallel_loop3A_220, %parallel_loop3A_446 : i32
          %parallel_loop3A_448 = arith.index_cast %parallel_loop3A_447 : i32 to index
          %parallel_loop3A_449 = arith.index_cast %parallel_loop3A_389 : i32 to index
          %parallel_loop3A_450 = tpu.vector_load %arg15[%parallel_loop3A_448, %parallel_loop3A_449] {strides = array<i32>} : memref<64x128xf32, #tpu.memory_space<vmem>>, vector<1x16xf32>,
          %parallel_loop3A_451 = vector.shape_cast %parallel_loop3A_450 : vector<1x16xf32> to vector<16xf32>
          %parallel_loop3A_452 = arith.mulf %parallel_loop3A_445, %parallel_loop3A_451 : vector<16xf32>
          %parallel_loop3A_453 = arith.mulf %parallel_loop3A_452, %parallel_loop3A_394 : vector<16xf32>
          %parallel_loop3A_454 = arith.addf %scan3A_375, %parallel_loop3A_453 : vector<16xf32>
          %parallel_loop3A_455 = arith.constant 2 : i32
          %parallel_loop3A_456 = arith.addi %parallel_loop3A_220, %parallel_loop3A_455 : i32
          %parallel_loop3A_457 = arith.index_cast %parallel_loop3A_456 : i32 to index
          %parallel_loop3A_458 = arith.index_cast %parallel_loop3A_389 : i32 to index
          %parallel_loop3A_459 = tpu.vector_load %arg11[%parallel_loop3A_457, %parallel_loop3A_458] {strides = array<i32>} : memref<64x128xf32, #tpu.memory_space<vmem>>, vector<1x16xf32>,
          %parallel_loop3A_460 = vector.shape_cast %parallel_loop3A_459 : vector<1x16xf32> to vector<16xf32>
          %parallel_loop3A_461 = arith.constant 2 : i32
          %parallel_loop3A_462 = arith.addi %parallel_loop3A_220, %parallel_loop3A_461 : i32
          %parallel_loop3A_463 = arith.index_cast %parallel_loop3A_462 : i32 to index
          %parallel_loop3A_464 = arith.index_cast %parallel_loop3A_389 : i32 to index
          %parallel_loop3A_465 = tpu.vector_load %arg15[%parallel_loop3A_463, %parallel_loop3A_464] {strides = array<i32>} : memref<64x128xf32, #tpu.memory_space<vmem>>, vector<1x16xf32>,
          %parallel_loop3A_466 = vector.shape_cast %parallel_loop3A_465 : vector<1x16xf32> to vector<16xf32>
          %parallel_loop3A_467 = arith.mulf %parallel_loop3A_460, %parallel_loop3A_466 : vector<16xf32>
          %parallel_loop3A_468 = arith.mulf %parallel_loop3A_467, %parallel_loop3A_394 : vector<16xf32>
          %parallel_loop3A_469 = arith.addf %scan3A_376, %parallel_loop3A_468 : vector<16xf32>
          %parallel_loop3A_470 = arith.constant 10 : i32
          %parallel_loop3A_471 = arith.addi %parallel_loop3A_220, %parallel_loop3A_470 : i32
          %parallel_loop3A_472 = arith.index_cast %parallel_loop3A_471 : i32 to index
          %parallel_loop3A_473 = arith.index_cast %parallel_loop3A_389 : i32 to index
          %parallel_loop3A_474 = tpu.vector_load %arg11[%parallel_loop3A_472, %parallel_loop3A_473] {strides = array<i32>} : memref<64x128xf32, #tpu.memory_space<vmem>>, vector<1x16xf32>,
          %parallel_loop3A_475 = vector.shape_cast %parallel_loop3A_474 : vector<1x16xf32> to vector<16xf32>
          %parallel_loop3A_476 = arith.constant 10 : i32
          %parallel_loop3A_477 = arith.addi %parallel_loop3A_220, %parallel_loop3A_476 : i32
          %parallel_loop3A_478 = arith.index_cast %parallel_loop3A_477 : i32 to index
          %parallel_loop3A_479 = arith.index_cast %parallel_loop3A_389 : i32 to index
          %parallel_loop3A_480 = tpu.vector_load %arg15[%parallel_loop3A_478, %parallel_loop3A_479] {strides = array<i32>} : memref<64x128xf32, #tpu.memory_space<vmem>>, vector<1x16xf32>,
          %parallel_loop3A_481 = vector.shape_cast %parallel_loop3A_480 : vector<1x16xf32> to vector<16xf32>
          %parallel_loop3A_482 = arith.mulf %parallel_loop3A_475, %parallel_loop3A_481 : vector<16xf32>
          %parallel_loop3A_483 = arith.mulf %parallel_loop3A_482, %parallel_loop3A_394 : vector<16xf32>
          %parallel_loop3A_484 = arith.addf %scan3A_377, %parallel_loop3A_483 : vector<16xf32>
          %parallel_loop3A_485 = arith.constant 6 : i32
          %parallel_loop3A_486 = arith.addi %parallel_loop3A_220, %parallel_loop3A_485 : i32
          %parallel_loop3A_487 = arith.index_cast %parallel_loop3A_486 : i32 to index
          %parallel_loop3A_488 = arith.index_cast %parallel_loop3A_389 : i32 to index
          %parallel_loop3A_489 = tpu.vector_load %arg11[%parallel_loop3A_487, %parallel_loop3A_488] {strides = array<i32>} : memref<64x128xf32, #tpu.memory_space<vmem>>, vector<1x16xf32>,
          %parallel_loop3A_490 = vector.shape_cast %parallel_loop3A_489 : vector<1x16xf32> to vector<16xf32>
          %parallel_loop3A_491 = arith.constant 6 : i32
          %parallel_loop3A_492 = arith.addi %parallel_loop3A_220, %parallel_loop3A_491 : i32
          %parallel_loop3A_493 = arith.index_cast %parallel_loop3A_492 : i32 to index
          %parallel_loop3A_494 = arith.index_cast %parallel_loop3A_389 : i32 to index
          %parallel_loop3A_495 = tpu.vector_load %arg15[%parallel_loop3A_493, %parallel_loop3A_494] {strides = array<i32>} : memref<64x128xf32, #tpu.memory_space<vmem>>, vector<1x16xf32>,
          %parallel_loop3A_496 = vector.shape_cast %parallel_loop3A_495 : vector<1x16xf32> to vector<16xf32>
          %parallel_loop3A_497 = arith.mulf %parallel_loop3A_490, %parallel_loop3A_496 : vector<16xf32>
          %parallel_loop3A_498 = arith.mulf %parallel_loop3A_497, %parallel_loop3A_394 : vector<16xf32>
          %parallel_loop3A_499 = arith.addf %scan3A_378, %parallel_loop3A_498 : vector<16xf32>
          %parallel_loop3A_500 = arith.constant 14 : i32
          %parallel_loop3A_501 = arith.addi %parallel_loop3A_220, %parallel_loop3A_500 : i32
          %parallel_loop3A_502 = arith.index_cast %parallel_loop3A_501 : i32 to index
          %parallel_loop3A_503 = arith.index_cast %parallel_loop3A_389 : i32 to index
          %parallel_loop3A_504 = tpu.vector_load %arg11[%parallel_loop3A_502, %parallel_loop3A_503] {strides = array<i32>} : memref<64x128xf32, #tpu.memory_space<vmem>>, vector<1x16xf32>,
          %parallel_loop3A_505 = vector.shape_cast %parallel_loop3A_504 : vector<1x16xf32> to vector<16xf32>
          %parallel_loop3A_506 = arith.constant 14 : i32
          %parallel_loop3A_507 = arith.addi %parallel_loop3A_220, %parallel_loop3A_506 : i32
          %parallel_loop3A_508 = arith.index_cast %parallel_loop3A_507 : i32 to index
          %parallel_loop3A_509 = arith.index_cast %parallel_loop3A_389 : i32 to index
          %parallel_loop3A_510 = tpu.vector_load %arg15[%parallel_loop3A_508, %parallel_loop3A_509] {strides = array<i32>} : memref<64x128xf32, #tpu.memory_space<vmem>>, vector<1x16xf32>,
          %parallel_loop3A_511 = vector.shape_cast %parallel_loop3A_510 : vector<1x16xf32> to vector<16xf32>
          %parallel_loop3A_512 = arith.mulf %parallel_loop3A_505, %parallel_loop3A_511 : vector<16xf32>
          %parallel_loop3A_513 = arith.mulf %parallel_loop3A_512, %parallel_loop3A_394 : vector<16xf32>
          %parallel_loop3A_514 = arith.addf %scan3A_379, %parallel_loop3A_513 : vector<16xf32>
          %parallel_loop3A_515 = arith.constant 1 : i32
          %parallel_loop3A_516 = arith.addi %parallel_loop3A_220, %parallel_loop3A_515 : i32
          %parallel_loop3A_517 = arith.index_cast %parallel_loop3A_516 : i32 to index
          %parallel_loop3A_518 = arith.index_cast %parallel_loop3A_389 : i32 to index
          %parallel_loop3A_519 = tpu.vector_load %arg11[%parallel_loop3A_517, %parallel_loop3A_518] {strides = array<i32>} : memref<64x128xf32, #tpu.memory_space<vmem>>, vector<1x16xf32>,
          %parallel_loop3A_520 = vector.shape_cast %parallel_loop3A_519 : vector<1x16xf32> to vector<16xf32>
          %parallel_loop3A_521 = arith.constant 1 : i32
          %parallel_loop3A_522 = arith.addi %parallel_loop3A_220, %parallel_loop3A_521 : i32
          %parallel_loop3A_523 = arith.index_cast %parallel_loop3A_522 : i32 to index
          %parallel_loop3A_524 = arith.index_cast %parallel_loop3A_389 : i32 to index
          %parallel_loop3A_525 = tpu.vector_load %arg15[%parallel_loop3A_523, %parallel_loop3A_524] {strides = array<i32>} : memref<64x128xf32, #tpu.memory_space<vmem>>, vector<1x16xf32>,
          %parallel_loop3A_526 = vector.shape_cast %parallel_loop3A_525 : vector<1x16xf32> to vector<16xf32>
          %parallel_loop3A_527 = arith.mulf %parallel_loop3A_520, %parallel_loop3A_526 : vector<16xf32>
          %parallel_loop3A_528 = arith.mulf %parallel_loop3A_527, %parallel_loop3A_394 : vector<16xf32>
          %parallel_loop3A_529 = arith.addf %scan3A_380, %parallel_loop3A_528 : vector<16xf32>
          %parallel_loop3A_530 = arith.constant 9 : i32
          %parallel_loop3A_531 = arith.addi %parallel_loop3A_220, %parallel_loop3A_530 : i32
          %parallel_loop3A_532 = arith.index_cast %parallel_loop3A_531 : i32 to index
          %parallel_loop3A_533 = arith.index_cast %parallel_loop3A_389 : i32 to index
          %parallel_loop3A_534 = tpu.vector_load %arg11[%parallel_loop3A_532, %parallel_loop3A_533] {strides = array<i32>} : memref<64x128xf32, #tpu.memory_space<vmem>>, vector<1x16xf32>,
          %parallel_loop3A_535 = vector.shape_cast %parallel_loop3A_534 : vector<1x16xf32> to vector<16xf32>
          %parallel_loop3A_536 = arith.constant 9 : i32
          %parallel_loop3A_537 = arith.addi %parallel_loop3A_220, %parallel_loop3A_536 : i32
          %parallel_loop3A_538 = arith.index_cast %parallel_loop3A_537 : i32 to index
          %parallel_loop3A_539 = arith.index_cast %parallel_loop3A_389 : i32 to index
          %parallel_loop3A_540 = tpu.vector_load %arg15[%parallel_loop3A_538, %parallel_loop3A_539] {strides = array<i32>} : memref<64x128xf32, #tpu.memory_space<vmem>>, vector<1x16xf32>,
          %parallel_loop3A_541 = vector.shape_cast %parallel_loop3A_540 : vector<1x16xf32> to vector<16xf32>
          %parallel_loop3A_542 = arith.mulf %parallel_loop3A_535, %parallel_loop3A_541 : vector<16xf32>
          %parallel_loop3A_543 = arith.mulf %parallel_loop3A_542, %parallel_loop3A_394 : vector<16xf32>
          %parallel_loop3A_544 = arith.addf %scan3A_381, %parallel_loop3A_543 : vector<16xf32>
          %parallel_loop3A_545 = arith.constant 5 : i32
          %parallel_loop3A_546 = arith.addi %parallel_loop3A_220, %parallel_loop3A_545 : i32
          %parallel_loop3A_547 = arith.index_cast %parallel_loop3A_546 : i32 to index
          %parallel_loop3A_548 = arith.index_cast %parallel_loop3A_389 : i32 to index
          %parallel_loop3A_549 = tpu.vector_load %arg11[%parallel_loop3A_547, %parallel_loop3A_548] {strides = array<i32>} : memref<64x128xf32, #tpu.memory_space<vmem>>, vector<1x16xf32>,
          %parallel_loop3A_550 = vector.shape_cast %parallel_loop3A_549 : vector<1x16xf32> to vector<16xf32>
          %parallel_loop3A_551 = arith.constant 5 : i32
          %parallel_loop3A_552 = arith.addi %parallel_loop3A_220, %parallel_loop3A_551 : i32
          %parallel_loop3A_553 = arith.index_cast %parallel_loop3A_552 : i32 to index
          %parallel_loop3A_554 = arith.index_cast %parallel_loop3A_389 : i32 to index
          %parallel_loop3A_555 = tpu.vector_load %arg15[%parallel_loop3A_553, %parallel_loop3A_554] {strides = array<i32>} : memref<64x128xf32, #tpu.memory_space<vmem>>, vector<1x16xf32>,
          %parallel_loop3A_556 = vector.shape_cast %parallel_loop3A_555 : vector<1x16xf32> to vector<16xf32>
          %parallel_loop3A_557 = arith.mulf %parallel_loop3A_550, %parallel_loop3A_556 : vector<16xf32>
          %parallel_loop3A_558 = arith.mulf %parallel_loop3A_557, %parallel_loop3A_394 : vector<16xf32>
          %parallel_loop3A_559 = arith.addf %scan3A_382, %parallel_loop3A_558 : vector<16xf32>
          %parallel_loop3A_560 = arith.constant 13 : i32
          %parallel_loop3A_561 = arith.addi %parallel_loop3A_220, %parallel_loop3A_560 : i32
          %parallel_loop3A_562 = arith.index_cast %parallel_loop3A_561 : i32 to index
          %parallel_loop3A_563 = arith.index_cast %parallel_loop3A_389 : i32 to index
          %parallel_loop3A_564 = tpu.vector_load %arg11[%parallel_loop3A_562, %parallel_loop3A_563] {strides = array<i32>} : memref<64x128xf32, #tpu.memory_space<vmem>>, vector<1x16xf32>,
          %parallel_loop3A_565 = vector.shape_cast %parallel_loop3A_564 : vector<1x16xf32> to vector<16xf32>
          %parallel_loop3A_566 = arith.constant 13 : i32
          %parallel_loop3A_567 = arith.addi %parallel_loop3A_220, %parallel_loop3A_566 : i32
          %parallel_loop3A_568 = arith.index_cast %parallel_loop3A_567 : i32 to index
          %parallel_loop3A_569 = arith.index_cast %parallel_loop3A_389 : i32 to index
          %parallel_loop3A_570 = tpu.vector_load %arg15[%parallel_loop3A_568, %parallel_loop3A_569] {strides = array<i32>} : memref<64x128xf32, #tpu.memory_space<vmem>>, vector<1x16xf32>,
          %parallel_loop3A_571 = vector.shape_cast %parallel_loop3A_570 : vector<1x16xf32> to vector<16xf32>
          %parallel_loop3A_572 = arith.mulf %parallel_loop3A_565, %parallel_loop3A_571 : vector<16xf32>
          %parallel_loop3A_573 = arith.mulf %parallel_loop3A_572, %parallel_loop3A_394 : vector<16xf32>
          %parallel_loop3A_574 = arith.addf %scan3A_383, %parallel_loop3A_573 : vector<16xf32>
          %parallel_loop3A_575 = arith.constant 3 : i32
          %parallel_loop3A_576 = arith.addi %parallel_loop3A_220, %parallel_loop3A_575 : i32
          %parallel_loop3A_577 = arith.index_cast %parallel_loop3A_576 : i32 to index
          %parallel_loop3A_578 = arith.index_cast %parallel_loop3A_389 : i32 to index
          %parallel_loop3A_579 = tpu.vector_load %arg11[%parallel_loop3A_577, %parallel_loop3A_578] {strides = array<i32>} : memref<64x128xf32, #tpu.memory_space<vmem>>, vector<1x16xf32>,
          %parallel_loop3A_580 = vector.shape_cast %parallel_loop3A_579 : vector<1x16xf32> to vector<16xf32>
          %parallel_loop3A_581 = arith.constant 3 : i32
          %parallel_loop3A_582 = arith.addi %parallel_loop3A_220, %parallel_loop3A_581 : i32
          %parallel_loop3A_583 = arith.index_cast %parallel_loop3A_582 : i32 to index
          %parallel_loop3A_584 = arith.index_cast %parallel_loop3A_389 : i32 to index
          %parallel_loop3A_585 = tpu.vector_load %arg15[%parallel_loop3A_583, %parallel_loop3A_584] {strides = array<i32>} : memref<64x128xf32, #tpu.memory_space<vmem>>, vector<1x16xf32>,
          %parallel_loop3A_586 = vector.shape_cast %parallel_loop3A_585 : vector<1x16xf32> to vector<16xf32>
          %parallel_loop3A_587 = arith.mulf %parallel_loop3A_580, %parallel_loop3A_586 : vector<16xf32>
          %parallel_loop3A_588 = arith.mulf %parallel_loop3A_587, %parallel_loop3A_394 : vector<16xf32>
          %parallel_loop3A_589 = arith.addf %scan3A_384, %parallel_loop3A_588 : vector<16xf32>
          %parallel_loop3A_590 = arith.constant 11 : i32
          %parallel_loop3A_591 = arith.addi %parallel_loop3A_220, %parallel_loop3A_590 : i32
          %parallel_loop3A_592 = arith.index_cast %parallel_loop3A_591 : i32 to index
          %parallel_loop3A_593 = arith.index_cast %parallel_loop3A_389 : i32 to index
          %parallel_loop3A_594 = tpu.vector_load %arg11[%parallel_loop3A_592, %parallel_loop3A_593] {strides = array<i32>} : memref<64x128xf32, #tpu.memory_space<vmem>>, vector<1x16xf32>,
          %parallel_loop3A_595 = vector.shape_cast %parallel_loop3A_594 : vector<1x16xf32> to vector<16xf32>
          %parallel_loop3A_596 = arith.constant 11 : i32
          %parallel_loop3A_597 = arith.addi %parallel_loop3A_220, %parallel_loop3A_596 : i32
          %parallel_loop3A_598 = arith.index_cast %parallel_loop3A_597 : i32 to index
          %parallel_loop3A_599 = arith.index_cast %parallel_loop3A_389 : i32 to index
          %parallel_loop3A_600 = tpu.vector_load %arg15[%parallel_loop3A_598, %parallel_loop3A_599] {strides = array<i32>} : memref<64x128xf32, #tpu.memory_space<vmem>>, vector<1x16xf32>,
          %parallel_loop3A_601 = vector.shape_cast %parallel_loop3A_600 : vector<1x16xf32> to vector<16xf32>
          %parallel_loop3A_602 = arith.mulf %parallel_loop3A_595, %parallel_loop3A_601 : vector<16xf32>
          %parallel_loop3A_603 = arith.mulf %parallel_loop3A_602, %parallel_loop3A_394 : vector<16xf32>
          %parallel_loop3A_604 = arith.addf %scan3A_385, %parallel_loop3A_603 : vector<16xf32>
          %parallel_loop3A_605 = arith.constant 7 : i32
          %parallel_loop3A_606 = arith.addi %parallel_loop3A_220, %parallel_loop3A_605 : i32
          %parallel_loop3A_607 = arith.index_cast %parallel_loop3A_606 : i32 to index
          %parallel_loop3A_608 = arith.index_cast %parallel_loop3A_389 : i32 to index
          %parallel_loop3A_609 = tpu.vector_load %arg11[%parallel_loop3A_607, %parallel_loop3A_608] {strides = array<i32>} : memref<64x128xf32, #tpu.memory_space<vmem>>, vector<1x16xf32>,
          %parallel_loop3A_610 = vector.shape_cast %parallel_loop3A_609 : vector<1x16xf32> to vector<16xf32>
          %parallel_loop3A_611 = arith.constant 7 : i32
          %parallel_loop3A_612 = arith.addi %parallel_loop3A_220, %parallel_loop3A_611 : i32
          %parallel_loop3A_613 = arith.index_cast %parallel_loop3A_612 : i32 to index
          %parallel_loop3A_614 = arith.index_cast %parallel_loop3A_389 : i32 to index
          %parallel_loop3A_615 = tpu.vector_load %arg15[%parallel_loop3A_613, %parallel_loop3A_614] {strides = array<i32>} : memref<64x128xf32, #tpu.memory_space<vmem>>, vector<1x16xf32>,
          %parallel_loop3A_616 = vector.shape_cast %parallel_loop3A_615 : vector<1x16xf32> to vector<16xf32>
          %parallel_loop3A_617 = arith.mulf %parallel_loop3A_610, %parallel_loop3A_616 : vector<16xf32>
          %parallel_loop3A_618 = arith.mulf %parallel_loop3A_617, %parallel_loop3A_394 : vector<16xf32>
          %parallel_loop3A_619 = arith.addf %scan3A_386, %parallel_loop3A_618 : vector<16xf32>
          %parallel_loop3A_620 = arith.constant 15 : i32
          %parallel_loop3A_621 = arith.addi %parallel_loop3A_220, %parallel_loop3A_620 : i32
          %parallel_loop3A_622 = arith.index_cast %parallel_loop3A_621 : i32 to index
          %parallel_loop3A_623 = arith.index_cast %parallel_loop3A_389 : i32 to index
          %parallel_loop3A_624 = tpu.vector_load %arg11[%parallel_loop3A_622, %parallel_loop3A_623] {strides = array<i32>} : memref<64x128xf32, #tpu.memory_space<vmem>>, vector<1x16xf32>,
          %parallel_loop3A_625 = vector.shape_cast %parallel_loop3A_624 : vector<1x16xf32> to vector<16xf32>
          %parallel_loop3A_626 = arith.constant 15 : i32
          %parallel_loop3A_627 = arith.addi %parallel_loop3A_220, %parallel_loop3A_626 : i32
          %parallel_loop3A_628 = arith.index_cast %parallel_loop3A_627 : i32 to index
          %parallel_loop3A_629 = arith.index_cast %parallel_loop3A_389 : i32 to index
          %parallel_loop3A_630 = tpu.vector_load %arg15[%parallel_loop3A_628, %parallel_loop3A_629] {strides = array<i32>} : memref<64x128xf32, #tpu.memory_space<vmem>>, vector<1x16xf32>,
          %parallel_loop3A_631 = vector.shape_cast %parallel_loop3A_630 : vector<1x16xf32> to vector<16xf32>
          %parallel_loop3A_632 = arith.mulf %parallel_loop3A_625, %parallel_loop3A_631 : vector<16xf32>
          %parallel_loop3A_633 = arith.mulf %parallel_loop3A_632, %parallel_loop3A_394 : vector<16xf32>
          %parallel_loop3A_634 = arith.addf %scan3A_387, %parallel_loop3A_633 : vector<16xf32>
          scf.yield %parallel_loop3A_409, %parallel_loop3A_424, %parallel_loop3A_439, %parallel_loop3A_454, %parallel_loop3A_469, %parallel_loop3A_484, %parallel_loop3A_499, %parallel_loop3A_514, %parallel_loop3A_529, %parallel_loop3A_544, %parallel_loop3A_559, %parallel_loop3A_574, %parallel_loop3A_589, %parallel_loop3A_604, %parallel_loop3A_619, %parallel_loop3A_634 : vector<16xf32>, vector<16xf32>, vector<16xf32>, vector<16xf32>, vector<16xf32>, vector<16xf32>, vector<16xf32>, vector<16xf32>, vector<16xf32>, vector<16xf32>, vector<16xf32>, vector<16xf32>, vector<16xf32>, vector<16xf32>, vector<16xf32>, vector<16xf32>
        }
        %parallel_loop3A_228 = arith.constant 8 : i32
        %parallel_loop3A_229 = vector.shape_cast %or3A : vector<16xi32> to vector<16x1xi32>
        %parallel_loop3A_230 = vector.shape_cast %parallel_loop3A_229 : vector<16x1xi32> to vector<16xi32>
        %parallel_loop3A_231 = tpu.dynamic_gather %parallel_loop3A_227#0[%parallel_loop3A_230] in [0] : vector<16xf32>, vector<16xi32> -> vector<16xf32>
        %parallel_loop3A_232 = arith.addf %parallel_loop3A_227#0, %parallel_loop3A_231 : vector<16xf32>
        %parallel_loop3A_233 = vector.shape_cast %or3A : vector<16xi32> to vector<16x1xi32>
        %parallel_loop3A_234 = vector.shape_cast %parallel_loop3A_233 : vector<16x1xi32> to vector<16xi32>
        %parallel_loop3A_235 = tpu.dynamic_gather %parallel_loop3A_227#1[%parallel_loop3A_234] in [0] : vector<16xf32>, vector<16xi32> -> vector<16xf32>
        %parallel_loop3A_236 = arith.addf %parallel_loop3A_227#1, %parallel_loop3A_235 : vector<16xf32>
        %parallel_loop3A_237 = arith.select %eq3A_63, %parallel_loop3A_232, %parallel_loop3A_236 : vector<16xi1>, vector<16xf32>
        %parallel_loop3A_238 = vector.shape_cast %or3A : vector<16xi32> to vector<16x1xi32>
        %parallel_loop3A_239 = vector.shape_cast %parallel_loop3A_238 : vector<16x1xi32> to vector<16xi32>
        %parallel_loop3A_240 = tpu.dynamic_gather %parallel_loop3A_227#2[%parallel_loop3A_239] in [0] : vector<16xf32>, vector<16xi32> -> vector<16xf32>
        %parallel_loop3A_241 = arith.addf %parallel_loop3A_227#2, %parallel_loop3A_240 : vector<16xf32>
        %parallel_loop3A_242 = vector.shape_cast %or3A : vector<16xi32> to vector<16x1xi32>
        %parallel_loop3A_243 = vector.shape_cast %parallel_loop3A_242 : vector<16x1xi32> to vector<16xi32>
        %parallel_loop3A_244 = tpu.dynamic_gather %parallel_loop3A_227#3[%parallel_loop3A_243] in [0] : vector<16xf32>, vector<16xi32> -> vector<16xf32>
        %parallel_loop3A_245 = arith.addf %parallel_loop3A_227#3, %parallel_loop3A_244 : vector<16xf32>
        %parallel_loop3A_246 = arith.select %eq3A_63, %parallel_loop3A_241, %parallel_loop3A_245 : vector<16xi1>, vector<16xf32>
        %parallel_loop3A_247 = vector.shape_cast %or3A : vector<16xi32> to vector<16x1xi32>
        %parallel_loop3A_248 = vector.shape_cast %parallel_loop3A_247 : vector<16x1xi32> to vector<16xi32>
        %parallel_loop3A_249 = tpu.dynamic_gather %parallel_loop3A_227#4[%parallel_loop3A_248] in [0] : vector<16xf32>, vector<16xi32> -> vector<16xf32>
        %parallel_loop3A_250 = arith.addf %parallel_loop3A_227#4, %parallel_loop3A_249 : vector<16xf32>
        %parallel_loop3A_251 = vector.shape_cast %or3A : vector<16xi32> to vector<16x1xi32>
        %parallel_loop3A_252 = vector.shape_cast %parallel_loop3A_251 : vector<16x1xi32> to vector<16xi32>
        %parallel_loop3A_253 = tpu.dynamic_gather %parallel_loop3A_227#5[%parallel_loop3A_252] in [0] : vector<16xf32>, vector<16xi32> -> vector<16xf32>
        %parallel_loop3A_254 = arith.addf %parallel_loop3A_227#5, %parallel_loop3A_253 : vector<16xf32>
        %parallel_loop3A_255 = arith.select %eq3A_63, %parallel_loop3A_250, %parallel_loop3A_254 : vector<16xi1>, vector<16xf32>
        %parallel_loop3A_256 = vector.shape_cast %or3A : vector<16xi32> to vector<16x1xi32>
        %parallel_loop3A_257 = vector.shape_cast %parallel_loop3A_256 : vector<16x1xi32> to vector<16xi32>
        %parallel_loop3A_258 = tpu.dynamic_gather %parallel_loop3A_227#6[%parallel_loop3A_257] in [0] : vector<16xf32>, vector<16xi32> -> vector<16xf32>
        %parallel_loop3A_259 = arith.addf %parallel_loop3A_227#6, %parallel_loop3A_258 : vector<16xf32>
        %parallel_loop3A_260 = vector.shape_cast %or3A : vector<16xi32> to vector<16x1xi32>
        %parallel_loop3A_261 = vector.shape_cast %parallel_loop3A_260 : vector<16x1xi32> to vector<16xi32>
        %parallel_loop3A_262 = tpu.dynamic_gather %parallel_loop3A_227#7[%parallel_loop3A_261] in [0] : vector<16xf32>, vector<16xi32> -> vector<16xf32>
        %parallel_loop3A_263 = arith.addf %parallel_loop3A_227#7, %parallel_loop3A_262 : vector<16xf32>
        %parallel_loop3A_264 = arith.select %eq3A_63, %parallel_loop3A_259, %parallel_loop3A_263 : vector<16xi1>, vector<16xf32>
        %parallel_loop3A_265 = vector.shape_cast %or3A : vector<16xi32> to vector<16x1xi32>
        %parallel_loop3A_266 = vector.shape_cast %parallel_loop3A_265 : vector<16x1xi32> to vector<16xi32>
        %parallel_loop3A_267 = tpu.dynamic_gather %parallel_loop3A_227#8[%parallel_loop3A_266] in [0] : vector<16xf32>, vector<16xi32> -> vector<16xf32>
        %parallel_loop3A_268 = arith.addf %parallel_loop3A_227#8, %parallel_loop3A_267 : vector<16xf32>
        %parallel_loop3A_269 = vector.shape_cast %or3A : vector<16xi32> to vector<16x1xi32>
        %parallel_loop3A_270 = vector.shape_cast %parallel_loop3A_269 : vector<16x1xi32> to vector<16xi32>
        %parallel_loop3A_271 = tpu.dynamic_gather %parallel_loop3A_227#9[%parallel_loop3A_270] in [0] : vector<16xf32>, vector<16xi32> -> vector<16xf32>
        %parallel_loop3A_272 = arith.addf %parallel_loop3A_227#9, %parallel_loop3A_271 : vector<16xf32>
        %parallel_loop3A_273 = arith.select %eq3A_63, %parallel_loop3A_268, %parallel_loop3A_272 : vector<16xi1>, vector<16xf32>
        %parallel_loop3A_274 = vector.shape_cast %or3A : vector<16xi32> to vector<16x1xi32>
        %parallel_loop3A_275 = vector.shape_cast %parallel_loop3A_274 : vector<16x1xi32> to vector<16xi32>
        %parallel_loop3A_276 = tpu.dynamic_gather %parallel_loop3A_227#10[%parallel_loop3A_275] in [0] : vector<16xf32>, vector<16xi32> -> vector<16xf32>
        %parallel_loop3A_277 = arith.addf %parallel_loop3A_227#10, %parallel_loop3A_276 : vector<16xf32>
        %parallel_loop3A_278 = vector.shape_cast %or3A : vector<16xi32> to vector<16x1xi32>
        %parallel_loop3A_279 = vector.shape_cast %parallel_loop3A_278 : vector<16x1xi32> to vector<16xi32>
        %parallel_loop3A_280 = tpu.dynamic_gather %parallel_loop3A_227#11[%parallel_loop3A_279] in [0] : vector<16xf32>, vector<16xi32> -> vector<16xf32>
        %parallel_loop3A_281 = arith.addf %parallel_loop3A_227#11, %parallel_loop3A_280 : vector<16xf32>
        %parallel_loop3A_282 = arith.select %eq3A_63, %parallel_loop3A_277, %parallel_loop3A_281 : vector<16xi1>, vector<16xf32>
        %parallel_loop3A_283 = vector.shape_cast %or3A : vector<16xi32> to vector<16x1xi32>
        %parallel_loop3A_284 = vector.shape_cast %parallel_loop3A_283 : vector<16x1xi32> to vector<16xi32>
        %parallel_loop3A_285 = tpu.dynamic_gather %parallel_loop3A_227#12[%parallel_loop3A_284] in [0] : vector<16xf32>, vector<16xi32> -> vector<16xf32>
        %parallel_loop3A_286 = arith.addf %parallel_loop3A_227#12, %parallel_loop3A_285 : vector<16xf32>
        %parallel_loop3A_287 = vector.shape_cast %or3A : vector<16xi32> to vector<16x1xi32>
        %parallel_loop3A_288 = vector.shape_cast %parallel_loop3A_287 : vector<16x1xi32> to vector<16xi32>
        %parallel_loop3A_289 = tpu.dynamic_gather %parallel_loop3A_227#13[%parallel_loop3A_288] in [0] : vector<16xf32>, vector<16xi32> -> vector<16xf32>
        %parallel_loop3A_290 = arith.addf %parallel_loop3A_227#13, %parallel_loop3A_289 : vector<16xf32>
        %parallel_loop3A_291 = arith.select %eq3A_63, %parallel_loop3A_286, %parallel_loop3A_290 : vector<16xi1>, vector<16xf32>
        %parallel_loop3A_292 = vector.shape_cast %or3A : vector<16xi32> to vector<16x1xi32>
        %parallel_loop3A_293 = vector.shape_cast %parallel_loop3A_292 : vector<16x1xi32> to vector<16xi32>
        %parallel_loop3A_294 = tpu.dynamic_gather %parallel_loop3A_227#14[%parallel_loop3A_293] in [0] : vector<16xf32>, vector<16xi32> -> vector<16xf32>
        %parallel_loop3A_295 = arith.addf %parallel_loop3A_227#14, %parallel_loop3A_294 : vector<16xf32>
        %parallel_loop3A_296 = vector.shape_cast %or3A : vector<16xi32> to vector<16x1xi32>
        %parallel_loop3A_297 = vector.shape_cast %parallel_loop3A_296 : vector<16x1xi32> to vector<16xi32>
        %parallel_loop3A_298 = tpu.dynamic_gather %parallel_loop3A_227#15[%parallel_loop3A_297] in [0] : vector<16xf32>, vector<16xi32> -> vector<16xf32>
        %parallel_loop3A_299 = arith.addf %parallel_loop3A_227#15, %parallel_loop3A_298 : vector<16xf32>
        %parallel_loop3A_300 = arith.select %eq3A_63, %parallel_loop3A_295, %parallel_loop3A_299 : vector<16xi1>, vector<16xf32>
        %parallel_loop3A_301 = vector.shape_cast %or3A_73 : vector<16xi32> to vector<16x1xi32>
        %parallel_loop3A_302 = vector.shape_cast %parallel_loop3A_301 : vector<16x1xi32> to vector<16xi32>
        %parallel_loop3A_303 = tpu.dynamic_gather %parallel_loop3A_237[%parallel_loop3A_302] in [0] : vector<16xf32>, vector<16xi32> -> vector<16xf32>
        %parallel_loop3A_304 = arith.addf %parallel_loop3A_237, %parallel_loop3A_303 : vector<16xf32>
        %parallel_loop3A_305 = vector.shape_cast %or3A_73 : vector<16xi32> to vector<16x1xi32>
        %parallel_loop3A_306 = vector.shape_cast %parallel_loop3A_305 : vector<16x1xi32> to vector<16xi32>
        %parallel_loop3A_307 = tpu.dynamic_gather %parallel_loop3A_246[%parallel_loop3A_306] in [0] : vector<16xf32>, vector<16xi32> -> vector<16xf32>
        %parallel_loop3A_308 = arith.addf %parallel_loop3A_246, %parallel_loop3A_307 : vector<16xf32>
        %parallel_loop3A_309 = arith.select %eq3A_79, %parallel_loop3A_304, %parallel_loop3A_308 : vector<16xi1>, vector<16xf32>
        %parallel_loop3A_310 = vector.shape_cast %or3A_73 : vector<16xi32> to vector<16x1xi32>
        %parallel_loop3A_311 = vector.shape_cast %parallel_loop3A_310 : vector<16x1xi32> to vector<16xi32>
        %parallel_loop3A_312 = tpu.dynamic_gather %parallel_loop3A_255[%parallel_loop3A_311] in [0] : vector<16xf32>, vector<16xi32> -> vector<16xf32>
        %parallel_loop3A_313 = arith.addf %parallel_loop3A_255, %parallel_loop3A_312 : vector<16xf32>
        %parallel_loop3A_314 = vector.shape_cast %or3A_73 : vector<16xi32> to vector<16x1xi32>
        %parallel_loop3A_315 = vector.shape_cast %parallel_loop3A_314 : vector<16x1xi32> to vector<16xi32>
        %parallel_loop3A_316 = tpu.dynamic_gather %parallel_loop3A_264[%parallel_loop3A_315] in [0] : vector<16xf32>, vector<16xi32> -> vector<16xf32>
        %parallel_loop3A_317 = arith.addf %parallel_loop3A_264, %parallel_loop3A_316 : vector<16xf32>
        %parallel_loop3A_318 = arith.select %eq3A_79, %parallel_loop3A_313, %parallel_loop3A_317 : vector<16xi1>, vector<16xf32>
        %parallel_loop3A_319 = vector.shape_cast %or3A_73 : vector<16xi32> to vector<16x1xi32>
        %parallel_loop3A_320 = vector.shape_cast %parallel_loop3A_319 : vector<16x1xi32> to vector<16xi32>
        %parallel_loop3A_321 = tpu.dynamic_gather %parallel_loop3A_273[%parallel_loop3A_320] in [0] : vector<16xf32>, vector<16xi32> -> vector<16xf32>
        %parallel_loop3A_322 = arith.addf %parallel_loop3A_273, %parallel_loop3A_321 : vector<16xf32>
        %parallel_loop3A_323 = vector.shape_cast %or3A_73 : vector<16xi32> to vector<16x1xi32>
        %parallel_loop3A_324 = vector.shape_cast %parallel_loop3A_323 : vector<16x1xi32> to vector<16xi32>
        %parallel_loop3A_325 = tpu.dynamic_gather %parallel_loop3A_282[%parallel_loop3A_324] in [0] : vector<16xf32>, vector<16xi32> -> vector<16xf32>
        %parallel_loop3A_326 = arith.addf %parallel_loop3A_282, %parallel_loop3A_325 : vector<16xf32>
        %parallel_loop3A_327 = arith.select %eq3A_79, %parallel_loop3A_322, %parallel_loop3A_326 : vector<16xi1>, vector<16xf32>
        %parallel_loop3A_328 = vector.shape_cast %or3A_73 : vector<16xi32> to vector<16x1xi32>
        %parallel_loop3A_329 = vector.shape_cast %parallel_loop3A_328 : vector<16x1xi32> to vector<16xi32>
        %parallel_loop3A_330 = tpu.dynamic_gather %parallel_loop3A_291[%parallel_loop3A_329] in [0] : vector<16xf32>, vector<16xi32> -> vector<16xf32>
        %parallel_loop3A_331 = arith.addf %parallel_loop3A_291, %parallel_loop3A_330 : vector<16xf32>
        %parallel_loop3A_332 = vector.shape_cast %or3A_73 : vector<16xi32> to vector<16x1xi32>
        %parallel_loop3A_333 = vector.shape_cast %parallel_loop3A_332 : vector<16x1xi32> to vector<16xi32>
        %parallel_loop3A_334 = tpu.dynamic_gather %parallel_loop3A_300[%parallel_loop3A_333] in [0] : vector<16xf32>, vector<16xi32> -> vector<16xf32>
        %parallel_loop3A_335 = arith.addf %parallel_loop3A_300, %parallel_loop3A_334 : vector<16xf32>
        %parallel_loop3A_336 = arith.select %eq3A_79, %parallel_loop3A_331, %parallel_loop3A_335 : vector<16xi1>, vector<16xf32>
        %parallel_loop3A_337 = vector.shape_cast %or3A_89 : vector<16xi32> to vector<16x1xi32>
        %parallel_loop3A_338 = vector.shape_cast %parallel_loop3A_337 : vector<16x1xi32> to vector<16xi32>
        %parallel_loop3A_339 = tpu.dynamic_gather %parallel_loop3A_309[%parallel_loop3A_338] in [0] : vector<16xf32>, vector<16xi32> -> vector<16xf32>
        %parallel_loop3A_340 = arith.addf %parallel_loop3A_309, %parallel_loop3A_339 : vector<16xf32>
        %parallel_loop3A_341 = vector.shape_cast %or3A_89 : vector<16xi32> to vector<16x1xi32>
        %parallel_loop3A_342 = vector.shape_cast %parallel_loop3A_341 : vector<16x1xi32> to vector<16xi32>
        %parallel_loop3A_343 = tpu.dynamic_gather %parallel_loop3A_318[%parallel_loop3A_342] in [0] : vector<16xf32>, vector<16xi32> -> vector<16xf32>
        %parallel_loop3A_344 = arith.addf %parallel_loop3A_318, %parallel_loop3A_343 : vector<16xf32>
        %parallel_loop3A_345 = arith.select %eq3A_95, %parallel_loop3A_340, %parallel_loop3A_344 : vector<16xi1>, vector<16xf32>
        %parallel_loop3A_346 = vector.shape_cast %or3A_89 : vector<16xi32> to vector<16x1xi32>
        %parallel_loop3A_347 = vector.shape_cast %parallel_loop3A_346 : vector<16x1xi32> to vector<16xi32>
        %parallel_loop3A_348 = tpu.dynamic_gather %parallel_loop3A_327[%parallel_loop3A_347] in [0] : vector<16xf32>, vector<16xi32> -> vector<16xf32>
        %parallel_loop3A_349 = arith.addf %parallel_loop3A_327, %parallel_loop3A_348 : vector<16xf32>
        %parallel_loop3A_350 = vector.shape_cast %or3A_89 : vector<16xi32> to vector<16x1xi32>
        %parallel_loop3A_351 = vector.shape_cast %parallel_loop3A_350 : vector<16x1xi32> to vector<16xi32>
        %parallel_loop3A_352 = tpu.dynamic_gather %parallel_loop3A_336[%parallel_loop3A_351] in [0] : vector<16xf32>, vector<16xi32> -> vector<16xf32>
        %parallel_loop3A_353 = arith.addf %parallel_loop3A_336, %parallel_loop3A_352 : vector<16xf32>
        %parallel_loop3A_354 = arith.select %eq3A_95, %parallel_loop3A_349, %parallel_loop3A_353 : vector<16xi1>, vector<16xf32>
        %parallel_loop3A_355 = vector.shape_cast %or3A_105 : vector<16xi32> to vector<16x1xi32>
        %parallel_loop3A_356 = vector.shape_cast %parallel_loop3A_355 : vector<16x1xi32> to vector<16xi32>
        %parallel_loop3A_357 = tpu.dynamic_gather %parallel_loop3A_345[%parallel_loop3A_356] in [0] : vector<16xf32>, vector<16xi32> -> vector<16xf32>
        %parallel_loop3A_358 = arith.addf %parallel_loop3A_345, %parallel_loop3A_357 : vector<16xf32>
        %parallel_loop3A_359 = vector.shape_cast %or3A_105 : vector<16xi32> to vector<16x1xi32>
        %parallel_loop3A_360 = vector.shape_cast %parallel_loop3A_359 : vector<16x1xi32> to vector<16xi32>
        %parallel_loop3A_361 = tpu.dynamic_gather %parallel_loop3A_354[%parallel_loop3A_360] in [0] : vector<16xf32>, vector<16xi32> -> vector<16xf32>
        %parallel_loop3A_362 = arith.addf %parallel_loop3A_354, %parallel_loop3A_361 : vector<16xf32>
        %parallel_loop3A_363 = arith.select %eq3A_111, %parallel_loop3A_358, %parallel_loop3A_362 : vector<16xi1>, vector<16xf32>
        %parallel_loop3A_364 = arith.constant 64 : i32
        %parallel_loop3A_365 = arith.muli %add3A_143, %parallel_loop3A_364 : i32
        %parallel_loop3A_366 = arith.addi %parallel_loop3A_365, %parallel_loop3A_220 : i32
        %parallel_loop3A_367 = arith.index_cast %parallel_loop3A_366 : i32 to index
        %parallel_loop3A_368 = tpu.vector_load %arg20[%parallel_loop3A_367] {strides = array<i32>} : memref<512xf32, #tpu.memory_space<vmem>>, vector<16xf32>,
        %parallel_loop3A_369 = vector.shape_cast %parallel_loop3A_368 : vector<16xf32> to vector<16xf32>
        %parallel_loop3A_370 = vector.shape_cast %parallel_loop3A_363 : vector<16xf32> to vector<16xf32>
        tpu.vector_store %arg20[%parallel_loop3A_367], %parallel_loop3A_370 {strides = array<i32>} : memref<512xf32, #tpu.memory_space<vmem>>, vector<16xf32>,
      } {sc.loop_unroll_factor = 1 : i64, sc.parallel_access}
      %add3A_159 = arith.constant 4 : i32
      %add3A_160 = arith.addi %add3A_143, %add3A_159 : i32
      %lt3A_161 = arith.constant 8 : i32
      %lt3A_162 = arith.cmpi slt, %add3A_160, %lt3A_161 : i32
      %convert_element_type3A_163 = arith.extui %lt3A_162 : i1 to i32
      %cond3A_164 = arith.constant 0 : i32
      %cond3A_165 = arith.cmpi ne, %convert_element_type3A_163, %cond3A_164 : i32
      scf.if %cond3A_165 {
        %add3A_218 = arith.constant 4 : i32
        %add3A_219 = arith.addi %add3A_143, %add3A_218 : i32
        %mul3A_220 = arith.constant 64 : i32
        %mul3A_221 = arith.muli %add3A_219, %mul3A_220 : i32
        %dma_start3A_222 = tpu.memref_slice %arg8[%mul3A_221] : memref<512xi32, #tpu.memory_space<vmem>> -> memref<64xi32, #tpu.memory_space<vmem>>
        %dma_start3A_223 = arith.constant 0 : i32
        %dma_start3A_224 = arith.constant 0 : i32
        %dma_start3A_225 = tpu.memref_slice %arg2[%dma_start3A_223, %dma_start3A_224] : memref<14541x128xf32, #tpu.memory_space<hbm>> -> memref<14541x128xf32, #tpu.memory_space<hbm>>
        tpu.enqueue_indirect_dma source(%dma_start3A_225 : memref<14541x128xf32, #tpu.memory_space<hbm>>) target(%arg11 : memref<64x128xf32, #tpu.memory_space<vmem>>) offsets(%dma_start3A_222 : memref<64xi32, #tpu.memory_space<vmem>>) semaphore(%arg22 : memref<!tpu.dma_semaphore, #tpu.memory_space<semaphore_mem>>)
        %mul3A_226 = arith.constant 64 : i32
        %mul3A_227 = arith.muli %add3A_219, %mul3A_226 : i32
        %dma_start3A_228 = tpu.memref_slice %arg9[%mul3A_227] : memref<512xi32, #tpu.memory_space<vmem>> -> memref<64xi32, #tpu.memory_space<vmem>>
        %dma_start3A_229 = arith.constant 0 : i32
        %dma_start3A_230 = arith.constant 0 : i32
        %dma_start3A_231 = tpu.memref_slice %arg2[%dma_start3A_229, %dma_start3A_230] : memref<14541x128xf32, #tpu.memory_space<hbm>> -> memref<14541x128xf32, #tpu.memory_space<hbm>>
        tpu.enqueue_indirect_dma source(%dma_start3A_231 : memref<14541x128xf32, #tpu.memory_space<hbm>>) target(%arg15 : memref<64x128xf32, #tpu.memory_space<vmem>>) offsets(%dma_start3A_228 : memref<64xi32, #tpu.memory_space<vmem>>) semaphore(%arg26 : memref<!tpu.dma_semaphore, #tpu.memory_space<semaphore_mem>>)
      } else {
      }
      %mul3A_166 = arith.constant 4 : i32
      %mul3A_167 = arith.muli %scan3A_117, %mul3A_166 : i32
      %add3A_168 = arith.constant 2 : i32
      %add3A_169 = arith.addi %mul3A_167, %add3A_168 : i32
      %mul3A_170 = arith.constant 64 : i32
      %mul3A_171 = arith.muli %add3A_169, %mul3A_170 : i32
      %dma_wait3A_172 = tpu.memref_slice %arg8[%mul3A_171] : memref<512xi32, #tpu.memory_space<vmem>> -> memref<64xi32, #tpu.memory_space<vmem>>
      %dma_wait3A_173 = arith.constant 0 : i32
      %dma_wait3A_174 = arith.constant 0 : i32
      %dma_wait3A_175 = tpu.memref_slice %arg2[%dma_wait3A_173, %dma_wait3A_174] : memref<14541x128xf32, #tpu.memory_space<hbm>> -> memref<14541x128xf32, #tpu.memory_space<hbm>>
      tpu.wait_indirect_dma semaphore(%arg23 : memref<!tpu.dma_semaphore, #tpu.memory_space<semaphore_mem>>) src(%dma_wait3A_175 : memref<14541x128xf32, #tpu.memory_space<hbm>>) dst(%arg12 : memref<64x128xf32, #tpu.memory_space<vmem>>)
      %mul3A_176 = arith.constant 64 : i32
      %mul3A_177 = arith.muli %add3A_169, %mul3A_176 : i32
      %dma_wait3A_178 = tpu.memref_slice %arg9[%mul3A_177] : memref<512xi32, #tpu.memory_space<vmem>> -> memref<64xi32, #tpu.memory_space<vmem>>
      %dma_wait3A_179 = arith.constant 0 : i32
      %dma_wait3A_180 = arith.constant 0 : i32
      %dma_wait3A_181 = tpu.memref_slice %arg2[%dma_wait3A_179, %dma_wait3A_180] : memref<14541x128xf32, #tpu.memory_space<hbm>> -> memref<14541x128xf32, #tpu.memory_space<hbm>>
      tpu.wait_indirect_dma semaphore(%arg27 : memref<!tpu.dma_semaphore, #tpu.memory_space<semaphore_mem>>) src(%dma_wait3A_181 : memref<14541x128xf32, #tpu.memory_space<hbm>>) dst(%arg16 : memref<64x128xf32, #tpu.memory_space<vmem>>)
      %parallel_loop3A_182 = arith.constant 0 : i32
      %parallel_loop3A_183 = arith.constant 4 : i32
      %parallel_loop3A_184 = arith.constant 1 : i32
      scf.for %parallel_loop3A_218 = %parallel_loop3A_182 to %parallel_loop3A_183 step %parallel_loop3A_184  : i32 {
        %parallel_loop3A_219 = arith.constant 16 : i32
        %parallel_loop3A_220 = arith.muli %parallel_loop3A_218, %parallel_loop3A_219 : i32
        %parallel_loop3A_221 = arith.constant 0.000000e+00 : f32
        %parallel_loop3A_222 = vector.broadcast %parallel_loop3A_221 : f32 to vector<16xf32>
        %parallel_loop3A_223 = arith.constant 0 : i32
        %parallel_loop3A_224 = arith.constant 8 : i32
        %parallel_loop3A_225 = arith.addi %parallel_loop3A_223, %parallel_loop3A_224 : i32
        %parallel_loop3A_226 = arith.constant 1 : i32
        %parallel_loop3A_227:16 = scf.for %scan3A_371 = %parallel_loop3A_223 to %parallel_loop3A_225 step %parallel_loop3A_226 iter_args(%scan3A_372 = %parallel_loop3A_222, %scan3A_373 = %parallel_loop3A_222, %scan3A_374 = %parallel_loop3A_222, %scan3A_375 = %parallel_loop3A_222, %scan3A_376 = %parallel_loop3A_222, %scan3A_377 = %parallel_loop3A_222, %scan3A_378 = %parallel_loop3A_222, %scan3A_379 = %parallel_loop3A_222, %scan3A_380 = %parallel_loop3A_222, %scan3A_381 = %parallel_loop3A_222, %scan3A_382 = %parallel_loop3A_222, %scan3A_383 = %parallel_loop3A_222, %scan3A_384 = %parallel_loop3A_222, %scan3A_385 = %parallel_loop3A_222, %scan3A_386 = %parallel_loop3A_222, %scan3A_387 = %parallel_loop3A_222) -> (vector<16xf32>, vector<16xf32>, vector<16xf32>, vector<16xf32>, vector<16xf32>, vector<16xf32>, vector<16xf32>, vector<16xf32>, vector<16xf32>, vector<16xf32>, vector<16xf32>, vector<16xf32>, vector<16xf32>, vector<16xf32>, vector<16xf32>, vector<16xf32>)  : i32 {
          %parallel_loop3A_388 = arith.constant 16 : i32
          %parallel_loop3A_389 = arith.muli %scan3A_371, %parallel_loop3A_388 : i32
          %parallel_loop3A_390 = arith.constant 0 : i32
          %parallel_loop3A_391 = arith.index_cast %parallel_loop3A_390 : i32 to index
          %parallel_loop3A_392 = arith.index_cast %parallel_loop3A_389 : i32 to index
          %parallel_loop3A_393 = tpu.vector_load %arg18[%parallel_loop3A_391, %parallel_loop3A_392] {strides = array<i32>} : memref<1x128xf32, #tpu.memory_space<vmem>>, vector<1x16xf32>,
          %parallel_loop3A_394 = vector.shape_cast %parallel_loop3A_393 : vector<1x16xf32> to vector<16xf32>
          %parallel_loop3A_395 = arith.constant 0 : i32
          %parallel_loop3A_396 = arith.addi %parallel_loop3A_220, %parallel_loop3A_395 : i32
          %parallel_loop3A_397 = arith.index_cast %parallel_loop3A_396 : i32 to index
          %parallel_loop3A_398 = arith.index_cast %parallel_loop3A_389 : i32 to index
          %parallel_loop3A_399 = tpu.vector_load %arg12[%parallel_loop3A_397, %parallel_loop3A_398] {strides = array<i32>} : memref<64x128xf32, #tpu.memory_space<vmem>>, vector<1x16xf32>,
          %parallel_loop3A_400 = vector.shape_cast %parallel_loop3A_399 : vector<1x16xf32> to vector<16xf32>
          %parallel_loop3A_401 = arith.constant 0 : i32
          %parallel_loop3A_402 = arith.addi %parallel_loop3A_220, %parallel_loop3A_401 : i32
          %parallel_loop3A_403 = arith.index_cast %parallel_loop3A_402 : i32 to index
          %parallel_loop3A_404 = arith.index_cast %parallel_loop3A_389 : i32 to index
          %parallel_loop3A_405 = tpu.vector_load %arg16[%parallel_loop3A_403, %parallel_loop3A_404] {strides = array<i32>} : memref<64x128xf32, #tpu.memory_space<vmem>>, vector<1x16xf32>,
          %parallel_loop3A_406 = vector.shape_cast %parallel_loop3A_405 : vector<1x16xf32> to vector<16xf32>
          %parallel_loop3A_407 = arith.mulf %parallel_loop3A_400, %parallel_loop3A_406 : vector<16xf32>
          %parallel_loop3A_408 = arith.mulf %parallel_loop3A_407, %parallel_loop3A_394 : vector<16xf32>
          %parallel_loop3A_409 = arith.addf %scan3A_372, %parallel_loop3A_408 : vector<16xf32>
          %parallel_loop3A_410 = arith.constant 8 : i32
          %parallel_loop3A_411 = arith.addi %parallel_loop3A_220, %parallel_loop3A_410 : i32
          %parallel_loop3A_412 = arith.index_cast %parallel_loop3A_411 : i32 to index
          %parallel_loop3A_413 = arith.index_cast %parallel_loop3A_389 : i32 to index
          %parallel_loop3A_414 = tpu.vector_load %arg12[%parallel_loop3A_412, %parallel_loop3A_413] {strides = array<i32>} : memref<64x128xf32, #tpu.memory_space<vmem>>, vector<1x16xf32>,
          %parallel_loop3A_415 = vector.shape_cast %parallel_loop3A_414 : vector<1x16xf32> to vector<16xf32>
          %parallel_loop3A_416 = arith.constant 8 : i32
          %parallel_loop3A_417 = arith.addi %parallel_loop3A_220, %parallel_loop3A_416 : i32
          %parallel_loop3A_418 = arith.index_cast %parallel_loop3A_417 : i32 to index
          %parallel_loop3A_419 = arith.index_cast %parallel_loop3A_389 : i32 to index
          %parallel_loop3A_420 = tpu.vector_load %arg16[%parallel_loop3A_418, %parallel_loop3A_419] {strides = array<i32>} : memref<64x128xf32, #tpu.memory_space<vmem>>, vector<1x16xf32>,
          %parallel_loop3A_421 = vector.shape_cast %parallel_loop3A_420 : vector<1x16xf32> to vector<16xf32>
          %parallel_loop3A_422 = arith.mulf %parallel_loop3A_415, %parallel_loop3A_421 : vector<16xf32>
          %parallel_loop3A_423 = arith.mulf %parallel_loop3A_422, %parallel_loop3A_394 : vector<16xf32>
          %parallel_loop3A_424 = arith.addf %scan3A_373, %parallel_loop3A_423 : vector<16xf32>
          %parallel_loop3A_425 = arith.constant 4 : i32
          %parallel_loop3A_426 = arith.addi %parallel_loop3A_220, %parallel_loop3A_425 : i32
          %parallel_loop3A_427 = arith.index_cast %parallel_loop3A_426 : i32 to index
          %parallel_loop3A_428 = arith.index_cast %parallel_loop3A_389 : i32 to index
          %parallel_loop3A_429 = tpu.vector_load %arg12[%parallel_loop3A_427, %parallel_loop3A_428] {strides = array<i32>} : memref<64x128xf32, #tpu.memory_space<vmem>>, vector<1x16xf32>,
          %parallel_loop3A_430 = vector.shape_cast %parallel_loop3A_429 : vector<1x16xf32> to vector<16xf32>
          %parallel_loop3A_431 = arith.constant 4 : i32
          %parallel_loop3A_432 = arith.addi %parallel_loop3A_220, %parallel_loop3A_431 : i32
          %parallel_loop3A_433 = arith.index_cast %parallel_loop3A_432 : i32 to index
          %parallel_loop3A_434 = arith.index_cast %parallel_loop3A_389 : i32 to index
          %parallel_loop3A_435 = tpu.vector_load %arg16[%parallel_loop3A_433, %parallel_loop3A_434] {strides = array<i32>} : memref<64x128xf32, #tpu.memory_space<vmem>>, vector<1x16xf32>,
          %parallel_loop3A_436 = vector.shape_cast %parallel_loop3A_435 : vector<1x16xf32> to vector<16xf32>
          %parallel_loop3A_437 = arith.mulf %parallel_loop3A_430, %parallel_loop3A_436 : vector<16xf32>
          %parallel_loop3A_438 = arith.mulf %parallel_loop3A_437, %parallel_loop3A_394 : vector<16xf32>
          %parallel_loop3A_439 = arith.addf %scan3A_374, %parallel_loop3A_438 : vector<16xf32>
          %parallel_loop3A_440 = arith.constant 12 : i32
          %parallel_loop3A_441 = arith.addi %parallel_loop3A_220, %parallel_loop3A_440 : i32
          %parallel_loop3A_442 = arith.index_cast %parallel_loop3A_441 : i32 to index
          %parallel_loop3A_443 = arith.index_cast %parallel_loop3A_389 : i32 to index
          %parallel_loop3A_444 = tpu.vector_load %arg12[%parallel_loop3A_442, %parallel_loop3A_443] {strides = array<i32>} : memref<64x128xf32, #tpu.memory_space<vmem>>, vector<1x16xf32>,
          %parallel_loop3A_445 = vector.shape_cast %parallel_loop3A_444 : vector<1x16xf32> to vector<16xf32>
          %parallel_loop3A_446 = arith.constant 12 : i32
          %parallel_loop3A_447 = arith.addi %parallel_loop3A_220, %parallel_loop3A_446 : i32
          %parallel_loop3A_448 = arith.index_cast %parallel_loop3A_447 : i32 to index
          %parallel_loop3A_449 = arith.index_cast %parallel_loop3A_389 : i32 to index
          %parallel_loop3A_450 = tpu.vector_load %arg16[%parallel_loop3A_448, %parallel_loop3A_449] {strides = array<i32>} : memref<64x128xf32, #tpu.memory_space<vmem>>, vector<1x16xf32>,
          %parallel_loop3A_451 = vector.shape_cast %parallel_loop3A_450 : vector<1x16xf32> to vector<16xf32>
          %parallel_loop3A_452 = arith.mulf %parallel_loop3A_445, %parallel_loop3A_451 : vector<16xf32>
          %parallel_loop3A_453 = arith.mulf %parallel_loop3A_452, %parallel_loop3A_394 : vector<16xf32>
          %parallel_loop3A_454 = arith.addf %scan3A_375, %parallel_loop3A_453 : vector<16xf32>
          %parallel_loop3A_455 = arith.constant 2 : i32
          %parallel_loop3A_456 = arith.addi %parallel_loop3A_220, %parallel_loop3A_455 : i32
          %parallel_loop3A_457 = arith.index_cast %parallel_loop3A_456 : i32 to index
          %parallel_loop3A_458 = arith.index_cast %parallel_loop3A_389 : i32 to index
          %parallel_loop3A_459 = tpu.vector_load %arg12[%parallel_loop3A_457, %parallel_loop3A_458] {strides = array<i32>} : memref<64x128xf32, #tpu.memory_space<vmem>>, vector<1x16xf32>,
          %parallel_loop3A_460 = vector.shape_cast %parallel_loop3A_459 : vector<1x16xf32> to vector<16xf32>
          %parallel_loop3A_461 = arith.constant 2 : i32
          %parallel_loop3A_462 = arith.addi %parallel_loop3A_220, %parallel_loop3A_461 : i32
          %parallel_loop3A_463 = arith.index_cast %parallel_loop3A_462 : i32 to index
          %parallel_loop3A_464 = arith.index_cast %parallel_loop3A_389 : i32 to index
          %parallel_loop3A_465 = tpu.vector_load %arg16[%parallel_loop3A_463, %parallel_loop3A_464] {strides = array<i32>} : memref<64x128xf32, #tpu.memory_space<vmem>>, vector<1x16xf32>,
          %parallel_loop3A_466 = vector.shape_cast %parallel_loop3A_465 : vector<1x16xf32> to vector<16xf32>
          %parallel_loop3A_467 = arith.mulf %parallel_loop3A_460, %parallel_loop3A_466 : vector<16xf32>
          %parallel_loop3A_468 = arith.mulf %parallel_loop3A_467, %parallel_loop3A_394 : vector<16xf32>
          %parallel_loop3A_469 = arith.addf %scan3A_376, %parallel_loop3A_468 : vector<16xf32>
          %parallel_loop3A_470 = arith.constant 10 : i32
          %parallel_loop3A_471 = arith.addi %parallel_loop3A_220, %parallel_loop3A_470 : i32
          %parallel_loop3A_472 = arith.index_cast %parallel_loop3A_471 : i32 to index
          %parallel_loop3A_473 = arith.index_cast %parallel_loop3A_389 : i32 to index
          %parallel_loop3A_474 = tpu.vector_load %arg12[%parallel_loop3A_472, %parallel_loop3A_473] {strides = array<i32>} : memref<64x128xf32, #tpu.memory_space<vmem>>, vector<1x16xf32>,
          %parallel_loop3A_475 = vector.shape_cast %parallel_loop3A_474 : vector<1x16xf32> to vector<16xf32>
          %parallel_loop3A_476 = arith.constant 10 : i32
          %parallel_loop3A_477 = arith.addi %parallel_loop3A_220, %parallel_loop3A_476 : i32
          %parallel_loop3A_478 = arith.index_cast %parallel_loop3A_477 : i32 to index
          %parallel_loop3A_479 = arith.index_cast %parallel_loop3A_389 : i32 to index
          %parallel_loop3A_480 = tpu.vector_load %arg16[%parallel_loop3A_478, %parallel_loop3A_479] {strides = array<i32>} : memref<64x128xf32, #tpu.memory_space<vmem>>, vector<1x16xf32>,
          %parallel_loop3A_481 = vector.shape_cast %parallel_loop3A_480 : vector<1x16xf32> to vector<16xf32>
          %parallel_loop3A_482 = arith.mulf %parallel_loop3A_475, %parallel_loop3A_481 : vector<16xf32>
          %parallel_loop3A_483 = arith.mulf %parallel_loop3A_482, %parallel_loop3A_394 : vector<16xf32>
          %parallel_loop3A_484 = arith.addf %scan3A_377, %parallel_loop3A_483 : vector<16xf32>
          %parallel_loop3A_485 = arith.constant 6 : i32
          %parallel_loop3A_486 = arith.addi %parallel_loop3A_220, %parallel_loop3A_485 : i32
          %parallel_loop3A_487 = arith.index_cast %parallel_loop3A_486 : i32 to index
          %parallel_loop3A_488 = arith.index_cast %parallel_loop3A_389 : i32 to index
          %parallel_loop3A_489 = tpu.vector_load %arg12[%parallel_loop3A_487, %parallel_loop3A_488] {strides = array<i32>} : memref<64x128xf32, #tpu.memory_space<vmem>>, vector<1x16xf32>,
          %parallel_loop3A_490 = vector.shape_cast %parallel_loop3A_489 : vector<1x16xf32> to vector<16xf32>
          %parallel_loop3A_491 = arith.constant 6 : i32
          %parallel_loop3A_492 = arith.addi %parallel_loop3A_220, %parallel_loop3A_491 : i32
          %parallel_loop3A_493 = arith.index_cast %parallel_loop3A_492 : i32 to index
          %parallel_loop3A_494 = arith.index_cast %parallel_loop3A_389 : i32 to index
          %parallel_loop3A_495 = tpu.vector_load %arg16[%parallel_loop3A_493, %parallel_loop3A_494] {strides = array<i32>} : memref<64x128xf32, #tpu.memory_space<vmem>>, vector<1x16xf32>,
          %parallel_loop3A_496 = vector.shape_cast %parallel_loop3A_495 : vector<1x16xf32> to vector<16xf32>
          %parallel_loop3A_497 = arith.mulf %parallel_loop3A_490, %parallel_loop3A_496 : vector<16xf32>
          %parallel_loop3A_498 = arith.mulf %parallel_loop3A_497, %parallel_loop3A_394 : vector<16xf32>
          %parallel_loop3A_499 = arith.addf %scan3A_378, %parallel_loop3A_498 : vector<16xf32>
          %parallel_loop3A_500 = arith.constant 14 : i32
          %parallel_loop3A_501 = arith.addi %parallel_loop3A_220, %parallel_loop3A_500 : i32
          %parallel_loop3A_502 = arith.index_cast %parallel_loop3A_501 : i32 to index
          %parallel_loop3A_503 = arith.index_cast %parallel_loop3A_389 : i32 to index
          %parallel_loop3A_504 = tpu.vector_load %arg12[%parallel_loop3A_502, %parallel_loop3A_503] {strides = array<i32>} : memref<64x128xf32, #tpu.memory_space<vmem>>, vector<1x16xf32>,
          %parallel_loop3A_505 = vector.shape_cast %parallel_loop3A_504 : vector<1x16xf32> to vector<16xf32>
          %parallel_loop3A_506 = arith.constant 14 : i32
          %parallel_loop3A_507 = arith.addi %parallel_loop3A_220, %parallel_loop3A_506 : i32
          %parallel_loop3A_508 = arith.index_cast %parallel_loop3A_507 : i32 to index
          %parallel_loop3A_509 = arith.index_cast %parallel_loop3A_389 : i32 to index
          %parallel_loop3A_510 = tpu.vector_load %arg16[%parallel_loop3A_508, %parallel_loop3A_509] {strides = array<i32>} : memref<64x128xf32, #tpu.memory_space<vmem>>, vector<1x16xf32>,
          %parallel_loop3A_511 = vector.shape_cast %parallel_loop3A_510 : vector<1x16xf32> to vector<16xf32>
          %parallel_loop3A_512 = arith.mulf %parallel_loop3A_505, %parallel_loop3A_511 : vector<16xf32>
          %parallel_loop3A_513 = arith.mulf %parallel_loop3A_512, %parallel_loop3A_394 : vector<16xf32>
          %parallel_loop3A_514 = arith.addf %scan3A_379, %parallel_loop3A_513 : vector<16xf32>
          %parallel_loop3A_515 = arith.constant 1 : i32
          %parallel_loop3A_516 = arith.addi %parallel_loop3A_220, %parallel_loop3A_515 : i32
          %parallel_loop3A_517 = arith.index_cast %parallel_loop3A_516 : i32 to index
          %parallel_loop3A_518 = arith.index_cast %parallel_loop3A_389 : i32 to index
          %parallel_loop3A_519 = tpu.vector_load %arg12[%parallel_loop3A_517, %parallel_loop3A_518] {strides = array<i32>} : memref<64x128xf32, #tpu.memory_space<vmem>>, vector<1x16xf32>,
          %parallel_loop3A_520 = vector.shape_cast %parallel_loop3A_519 : vector<1x16xf32> to vector<16xf32>
          %parallel_loop3A_521 = arith.constant 1 : i32
          %parallel_loop3A_522 = arith.addi %parallel_loop3A_220, %parallel_loop3A_521 : i32
          %parallel_loop3A_523 = arith.index_cast %parallel_loop3A_522 : i32 to index
          %parallel_loop3A_524 = arith.index_cast %parallel_loop3A_389 : i32 to index
          %parallel_loop3A_525 = tpu.vector_load %arg16[%parallel_loop3A_523, %parallel_loop3A_524] {strides = array<i32>} : memref<64x128xf32, #tpu.memory_space<vmem>>, vector<1x16xf32>,
          %parallel_loop3A_526 = vector.shape_cast %parallel_loop3A_525 : vector<1x16xf32> to vector<16xf32>
          %parallel_loop3A_527 = arith.mulf %parallel_loop3A_520, %parallel_loop3A_526 : vector<16xf32>
          %parallel_loop3A_528 = arith.mulf %parallel_loop3A_527, %parallel_loop3A_394 : vector<16xf32>
          %parallel_loop3A_529 = arith.addf %scan3A_380, %parallel_loop3A_528 : vector<16xf32>
          %parallel_loop3A_530 = arith.constant 9 : i32
          %parallel_loop3A_531 = arith.addi %parallel_loop3A_220, %parallel_loop3A_530 : i32
          %parallel_loop3A_532 = arith.index_cast %parallel_loop3A_531 : i32 to index
          %parallel_loop3A_533 = arith.index_cast %parallel_loop3A_389 : i32 to index
          %parallel_loop3A_534 = tpu.vector_load %arg12[%parallel_loop3A_532, %parallel_loop3A_533] {strides = array<i32>} : memref<64x128xf32, #tpu.memory_space<vmem>>, vector<1x16xf32>,
          %parallel_loop3A_535 = vector.shape_cast %parallel_loop3A_534 : vector<1x16xf32> to vector<16xf32>
          %parallel_loop3A_536 = arith.constant 9 : i32
          %parallel_loop3A_537 = arith.addi %parallel_loop3A_220, %parallel_loop3A_536 : i32
          %parallel_loop3A_538 = arith.index_cast %parallel_loop3A_537 : i32 to index
          %parallel_loop3A_539 = arith.index_cast %parallel_loop3A_389 : i32 to index
          %parallel_loop3A_540 = tpu.vector_load %arg16[%parallel_loop3A_538, %parallel_loop3A_539] {strides = array<i32>} : memref<64x128xf32, #tpu.memory_space<vmem>>, vector<1x16xf32>,
          %parallel_loop3A_541 = vector.shape_cast %parallel_loop3A_540 : vector<1x16xf32> to vector<16xf32>
          %parallel_loop3A_542 = arith.mulf %parallel_loop3A_535, %parallel_loop3A_541 : vector<16xf32>
          %parallel_loop3A_543 = arith.mulf %parallel_loop3A_542, %parallel_loop3A_394 : vector<16xf32>
          %parallel_loop3A_544 = arith.addf %scan3A_381, %parallel_loop3A_543 : vector<16xf32>
          %parallel_loop3A_545 = arith.constant 5 : i32
          %parallel_loop3A_546 = arith.addi %parallel_loop3A_220, %parallel_loop3A_545 : i32
          %parallel_loop3A_547 = arith.index_cast %parallel_loop3A_546 : i32 to index
          %parallel_loop3A_548 = arith.index_cast %parallel_loop3A_389 : i32 to index
          %parallel_loop3A_549 = tpu.vector_load %arg12[%parallel_loop3A_547, %parallel_loop3A_548] {strides = array<i32>} : memref<64x128xf32, #tpu.memory_space<vmem>>, vector<1x16xf32>,
          %parallel_loop3A_550 = vector.shape_cast %parallel_loop3A_549 : vector<1x16xf32> to vector<16xf32>
          %parallel_loop3A_551 = arith.constant 5 : i32
          %parallel_loop3A_552 = arith.addi %parallel_loop3A_220, %parallel_loop3A_551 : i32
          %parallel_loop3A_553 = arith.index_cast %parallel_loop3A_552 : i32 to index
          %parallel_loop3A_554 = arith.index_cast %parallel_loop3A_389 : i32 to index
          %parallel_loop3A_555 = tpu.vector_load %arg16[%parallel_loop3A_553, %parallel_loop3A_554] {strides = array<i32>} : memref<64x128xf32, #tpu.memory_space<vmem>>, vector<1x16xf32>,
          %parallel_loop3A_556 = vector.shape_cast %parallel_loop3A_555 : vector<1x16xf32> to vector<16xf32>
          %parallel_loop3A_557 = arith.mulf %parallel_loop3A_550, %parallel_loop3A_556 : vector<16xf32>
          %parallel_loop3A_558 = arith.mulf %parallel_loop3A_557, %parallel_loop3A_394 : vector<16xf32>
          %parallel_loop3A_559 = arith.addf %scan3A_382, %parallel_loop3A_558 : vector<16xf32>
          %parallel_loop3A_560 = arith.constant 13 : i32
          %parallel_loop3A_561 = arith.addi %parallel_loop3A_220, %parallel_loop3A_560 : i32
          %parallel_loop3A_562 = arith.index_cast %parallel_loop3A_561 : i32 to index
          %parallel_loop3A_563 = arith.index_cast %parallel_loop3A_389 : i32 to index
          %parallel_loop3A_564 = tpu.vector_load %arg12[%parallel_loop3A_562, %parallel_loop3A_563] {strides = array<i32>} : memref<64x128xf32, #tpu.memory_space<vmem>>, vector<1x16xf32>,
          %parallel_loop3A_565 = vector.shape_cast %parallel_loop3A_564 : vector<1x16xf32> to vector<16xf32>
          %parallel_loop3A_566 = arith.constant 13 : i32
          %parallel_loop3A_567 = arith.addi %parallel_loop3A_220, %parallel_loop3A_566 : i32
          %parallel_loop3A_568 = arith.index_cast %parallel_loop3A_567 : i32 to index
          %parallel_loop3A_569 = arith.index_cast %parallel_loop3A_389 : i32 to index
          %parallel_loop3A_570 = tpu.vector_load %arg16[%parallel_loop3A_568, %parallel_loop3A_569] {strides = array<i32>} : memref<64x128xf32, #tpu.memory_space<vmem>>, vector<1x16xf32>,
          %parallel_loop3A_571 = vector.shape_cast %parallel_loop3A_570 : vector<1x16xf32> to vector<16xf32>
          %parallel_loop3A_572 = arith.mulf %parallel_loop3A_565, %parallel_loop3A_571 : vector<16xf32>
          %parallel_loop3A_573 = arith.mulf %parallel_loop3A_572, %parallel_loop3A_394 : vector<16xf32>
          %parallel_loop3A_574 = arith.addf %scan3A_383, %parallel_loop3A_573 : vector<16xf32>
          %parallel_loop3A_575 = arith.constant 3 : i32
          %parallel_loop3A_576 = arith.addi %parallel_loop3A_220, %parallel_loop3A_575 : i32
          %parallel_loop3A_577 = arith.index_cast %parallel_loop3A_576 : i32 to index
          %parallel_loop3A_578 = arith.index_cast %parallel_loop3A_389 : i32 to index
          %parallel_loop3A_579 = tpu.vector_load %arg12[%parallel_loop3A_577, %parallel_loop3A_578] {strides = array<i32>} : memref<64x128xf32, #tpu.memory_space<vmem>>, vector<1x16xf32>,
          %parallel_loop3A_580 = vector.shape_cast %parallel_loop3A_579 : vector<1x16xf32> to vector<16xf32>
          %parallel_loop3A_581 = arith.constant 3 : i32
          %parallel_loop3A_582 = arith.addi %parallel_loop3A_220, %parallel_loop3A_581 : i32
          %parallel_loop3A_583 = arith.index_cast %parallel_loop3A_582 : i32 to index
          %parallel_loop3A_584 = arith.index_cast %parallel_loop3A_389 : i32 to index
          %parallel_loop3A_585 = tpu.vector_load %arg16[%parallel_loop3A_583, %parallel_loop3A_584] {strides = array<i32>} : memref<64x128xf32, #tpu.memory_space<vmem>>, vector<1x16xf32>,
          %parallel_loop3A_586 = vector.shape_cast %parallel_loop3A_585 : vector<1x16xf32> to vector<16xf32>
          %parallel_loop3A_587 = arith.mulf %parallel_loop3A_580, %parallel_loop3A_586 : vector<16xf32>
          %parallel_loop3A_588 = arith.mulf %parallel_loop3A_587, %parallel_loop3A_394 : vector<16xf32>
          %parallel_loop3A_589 = arith.addf %scan3A_384, %parallel_loop3A_588 : vector<16xf32>
          %parallel_loop3A_590 = arith.constant 11 : i32
          %parallel_loop3A_591 = arith.addi %parallel_loop3A_220, %parallel_loop3A_590 : i32
          %parallel_loop3A_592 = arith.index_cast %parallel_loop3A_591 : i32 to index
          %parallel_loop3A_593 = arith.index_cast %parallel_loop3A_389 : i32 to index
          %parallel_loop3A_594 = tpu.vector_load %arg12[%parallel_loop3A_592, %parallel_loop3A_593] {strides = array<i32>} : memref<64x128xf32, #tpu.memory_space<vmem>>, vector<1x16xf32>,
          %parallel_loop3A_595 = vector.shape_cast %parallel_loop3A_594 : vector<1x16xf32> to vector<16xf32>
          %parallel_loop3A_596 = arith.constant 11 : i32
          %parallel_loop3A_597 = arith.addi %parallel_loop3A_220, %parallel_loop3A_596 : i32
          %parallel_loop3A_598 = arith.index_cast %parallel_loop3A_597 : i32 to index
          %parallel_loop3A_599 = arith.index_cast %parallel_loop3A_389 : i32 to index
          %parallel_loop3A_600 = tpu.vector_load %arg16[%parallel_loop3A_598, %parallel_loop3A_599] {strides = array<i32>} : memref<64x128xf32, #tpu.memory_space<vmem>>, vector<1x16xf32>,
          %parallel_loop3A_601 = vector.shape_cast %parallel_loop3A_600 : vector<1x16xf32> to vector<16xf32>
          %parallel_loop3A_602 = arith.mulf %parallel_loop3A_595, %parallel_loop3A_601 : vector<16xf32>
          %parallel_loop3A_603 = arith.mulf %parallel_loop3A_602, %parallel_loop3A_394 : vector<16xf32>
          %parallel_loop3A_604 = arith.addf %scan3A_385, %parallel_loop3A_603 : vector<16xf32>
          %parallel_loop3A_605 = arith.constant 7 : i32
          %parallel_loop3A_606 = arith.addi %parallel_loop3A_220, %parallel_loop3A_605 : i32
          %parallel_loop3A_607 = arith.index_cast %parallel_loop3A_606 : i32 to index
          %parallel_loop3A_608 = arith.index_cast %parallel_loop3A_389 : i32 to index
          %parallel_loop3A_609 = tpu.vector_load %arg12[%parallel_loop3A_607, %parallel_loop3A_608] {strides = array<i32>} : memref<64x128xf32, #tpu.memory_space<vmem>>, vector<1x16xf32>,
          %parallel_loop3A_610 = vector.shape_cast %parallel_loop3A_609 : vector<1x16xf32> to vector<16xf32>
          %parallel_loop3A_611 = arith.constant 7 : i32
          %parallel_loop3A_612 = arith.addi %parallel_loop3A_220, %parallel_loop3A_611 : i32
          %parallel_loop3A_613 = arith.index_cast %parallel_loop3A_612 : i32 to index
          %parallel_loop3A_614 = arith.index_cast %parallel_loop3A_389 : i32 to index
          %parallel_loop3A_615 = tpu.vector_load %arg16[%parallel_loop3A_613, %parallel_loop3A_614] {strides = array<i32>} : memref<64x128xf32, #tpu.memory_space<vmem>>, vector<1x16xf32>,
          %parallel_loop3A_616 = vector.shape_cast %parallel_loop3A_615 : vector<1x16xf32> to vector<16xf32>
          %parallel_loop3A_617 = arith.mulf %parallel_loop3A_610, %parallel_loop3A_616 : vector<16xf32>
          %parallel_loop3A_618 = arith.mulf %parallel_loop3A_617, %parallel_loop3A_394 : vector<16xf32>
          %parallel_loop3A_619 = arith.addf %scan3A_386, %parallel_loop3A_618 : vector<16xf32>
          %parallel_loop3A_620 = arith.constant 15 : i32
          %parallel_loop3A_621 = arith.addi %parallel_loop3A_220, %parallel_loop3A_620 : i32
          %parallel_loop3A_622 = arith.index_cast %parallel_loop3A_621 : i32 to index
          %parallel_loop3A_623 = arith.index_cast %parallel_loop3A_389 : i32 to index
          %parallel_loop3A_624 = tpu.vector_load %arg12[%parallel_loop3A_622, %parallel_loop3A_623] {strides = array<i32>} : memref<64x128xf32, #tpu.memory_space<vmem>>, vector<1x16xf32>,
          %parallel_loop3A_625 = vector.shape_cast %parallel_loop3A_624 : vector<1x16xf32> to vector<16xf32>
          %parallel_loop3A_626 = arith.constant 15 : i32
          %parallel_loop3A_627 = arith.addi %parallel_loop3A_220, %parallel_loop3A_626 : i32
          %parallel_loop3A_628 = arith.index_cast %parallel_loop3A_627 : i32 to index
          %parallel_loop3A_629 = arith.index_cast %parallel_loop3A_389 : i32 to index
          %parallel_loop3A_630 = tpu.vector_load %arg16[%parallel_loop3A_628, %parallel_loop3A_629] {strides = array<i32>} : memref<64x128xf32, #tpu.memory_space<vmem>>, vector<1x16xf32>,
          %parallel_loop3A_631 = vector.shape_cast %parallel_loop3A_630 : vector<1x16xf32> to vector<16xf32>
          %parallel_loop3A_632 = arith.mulf %parallel_loop3A_625, %parallel_loop3A_631 : vector<16xf32>
          %parallel_loop3A_633 = arith.mulf %parallel_loop3A_632, %parallel_loop3A_394 : vector<16xf32>
          %parallel_loop3A_634 = arith.addf %scan3A_387, %parallel_loop3A_633 : vector<16xf32>
          scf.yield %parallel_loop3A_409, %parallel_loop3A_424, %parallel_loop3A_439, %parallel_loop3A_454, %parallel_loop3A_469, %parallel_loop3A_484, %parallel_loop3A_499, %parallel_loop3A_514, %parallel_loop3A_529, %parallel_loop3A_544, %parallel_loop3A_559, %parallel_loop3A_574, %parallel_loop3A_589, %parallel_loop3A_604, %parallel_loop3A_619, %parallel_loop3A_634 : vector<16xf32>, vector<16xf32>, vector<16xf32>, vector<16xf32>, vector<16xf32>, vector<16xf32>, vector<16xf32>, vector<16xf32>, vector<16xf32>, vector<16xf32>, vector<16xf32>, vector<16xf32>, vector<16xf32>, vector<16xf32>, vector<16xf32>, vector<16xf32>
        }
        %parallel_loop3A_228 = arith.constant 8 : i32
        %parallel_loop3A_229 = vector.shape_cast %or3A : vector<16xi32> to vector<16x1xi32>
        %parallel_loop3A_230 = vector.shape_cast %parallel_loop3A_229 : vector<16x1xi32> to vector<16xi32>
        %parallel_loop3A_231 = tpu.dynamic_gather %parallel_loop3A_227#0[%parallel_loop3A_230] in [0] : vector<16xf32>, vector<16xi32> -> vector<16xf32>
        %parallel_loop3A_232 = arith.addf %parallel_loop3A_227#0, %parallel_loop3A_231 : vector<16xf32>
        %parallel_loop3A_233 = vector.shape_cast %or3A : vector<16xi32> to vector<16x1xi32>
        %parallel_loop3A_234 = vector.shape_cast %parallel_loop3A_233 : vector<16x1xi32> to vector<16xi32>
        %parallel_loop3A_235 = tpu.dynamic_gather %parallel_loop3A_227#1[%parallel_loop3A_234] in [0] : vector<16xf32>, vector<16xi32> -> vector<16xf32>
        %parallel_loop3A_236 = arith.addf %parallel_loop3A_227#1, %parallel_loop3A_235 : vector<16xf32>
        %parallel_loop3A_237 = arith.select %eq3A_63, %parallel_loop3A_232, %parallel_loop3A_236 : vector<16xi1>, vector<16xf32>
        %parallel_loop3A_238 = vector.shape_cast %or3A : vector<16xi32> to vector<16x1xi32>
        %parallel_loop3A_239 = vector.shape_cast %parallel_loop3A_238 : vector<16x1xi32> to vector<16xi32>
        %parallel_loop3A_240 = tpu.dynamic_gather %parallel_loop3A_227#2[%parallel_loop3A_239] in [0] : vector<16xf32>, vector<16xi32> -> vector<16xf32>
        %parallel_loop3A_241 = arith.addf %parallel_loop3A_227#2, %parallel_loop3A_240 : vector<16xf32>
        %parallel_loop3A_242 = vector.shape_cast %or3A : vector<16xi32> to vector<16x1xi32>
        %parallel_loop3A_243 = vector.shape_cast %parallel_loop3A_242 : vector<16x1xi32> to vector<16xi32>
        %parallel_loop3A_244 = tpu.dynamic_gather %parallel_loop3A_227#3[%parallel_loop3A_243] in [0] : vector<16xf32>, vector<16xi32> -> vector<16xf32>
        %parallel_loop3A_245 = arith.addf %parallel_loop3A_227#3, %parallel_loop3A_244 : vector<16xf32>
        %parallel_loop3A_246 = arith.select %eq3A_63, %parallel_loop3A_241, %parallel_loop3A_245 : vector<16xi1>, vector<16xf32>
        %parallel_loop3A_247 = vector.shape_cast %or3A : vector<16xi32> to vector<16x1xi32>
        %parallel_loop3A_248 = vector.shape_cast %parallel_loop3A_247 : vector<16x1xi32> to vector<16xi32>
        %parallel_loop3A_249 = tpu.dynamic_gather %parallel_loop3A_227#4[%parallel_loop3A_248] in [0] : vector<16xf32>, vector<16xi32> -> vector<16xf32>
        %parallel_loop3A_250 = arith.addf %parallel_loop3A_227#4, %parallel_loop3A_249 : vector<16xf32>
        %parallel_loop3A_251 = vector.shape_cast %or3A : vector<16xi32> to vector<16x1xi32>
        %parallel_loop3A_252 = vector.shape_cast %parallel_loop3A_251 : vector<16x1xi32> to vector<16xi32>
        %parallel_loop3A_253 = tpu.dynamic_gather %parallel_loop3A_227#5[%parallel_loop3A_252] in [0] : vector<16xf32>, vector<16xi32> -> vector<16xf32>
        %parallel_loop3A_254 = arith.addf %parallel_loop3A_227#5, %parallel_loop3A_253 : vector<16xf32>
        %parallel_loop3A_255 = arith.select %eq3A_63, %parallel_loop3A_250, %parallel_loop3A_254 : vector<16xi1>, vector<16xf32>
        %parallel_loop3A_256 = vector.shape_cast %or3A : vector<16xi32> to vector<16x1xi32>
        %parallel_loop3A_257 = vector.shape_cast %parallel_loop3A_256 : vector<16x1xi32> to vector<16xi32>
        %parallel_loop3A_258 = tpu.dynamic_gather %parallel_loop3A_227#6[%parallel_loop3A_257] in [0] : vector<16xf32>, vector<16xi32> -> vector<16xf32>
        %parallel_loop3A_259 = arith.addf %parallel_loop3A_227#6, %parallel_loop3A_258 : vector<16xf32>
        %parallel_loop3A_260 = vector.shape_cast %or3A : vector<16xi32> to vector<16x1xi32>
        %parallel_loop3A_261 = vector.shape_cast %parallel_loop3A_260 : vector<16x1xi32> to vector<16xi32>
        %parallel_loop3A_262 = tpu.dynamic_gather %parallel_loop3A_227#7[%parallel_loop3A_261] in [0] : vector<16xf32>, vector<16xi32> -> vector<16xf32>
        %parallel_loop3A_263 = arith.addf %parallel_loop3A_227#7, %parallel_loop3A_262 : vector<16xf32>
        %parallel_loop3A_264 = arith.select %eq3A_63, %parallel_loop3A_259, %parallel_loop3A_263 : vector<16xi1>, vector<16xf32>
        %parallel_loop3A_265 = vector.shape_cast %or3A : vector<16xi32> to vector<16x1xi32>
        %parallel_loop3A_266 = vector.shape_cast %parallel_loop3A_265 : vector<16x1xi32> to vector<16xi32>
        %parallel_loop3A_267 = tpu.dynamic_gather %parallel_loop3A_227#8[%parallel_loop3A_266] in [0] : vector<16xf32>, vector<16xi32> -> vector<16xf32>
        %parallel_loop3A_268 = arith.addf %parallel_loop3A_227#8, %parallel_loop3A_267 : vector<16xf32>
        %parallel_loop3A_269 = vector.shape_cast %or3A : vector<16xi32> to vector<16x1xi32>
        %parallel_loop3A_270 = vector.shape_cast %parallel_loop3A_269 : vector<16x1xi32> to vector<16xi32>
        %parallel_loop3A_271 = tpu.dynamic_gather %parallel_loop3A_227#9[%parallel_loop3A_270] in [0] : vector<16xf32>, vector<16xi32> -> vector<16xf32>
        %parallel_loop3A_272 = arith.addf %parallel_loop3A_227#9, %parallel_loop3A_271 : vector<16xf32>
        %parallel_loop3A_273 = arith.select %eq3A_63, %parallel_loop3A_268, %parallel_loop3A_272 : vector<16xi1>, vector<16xf32>
        %parallel_loop3A_274 = vector.shape_cast %or3A : vector<16xi32> to vector<16x1xi32>
        %parallel_loop3A_275 = vector.shape_cast %parallel_loop3A_274 : vector<16x1xi32> to vector<16xi32>
        %parallel_loop3A_276 = tpu.dynamic_gather %parallel_loop3A_227#10[%parallel_loop3A_275] in [0] : vector<16xf32>, vector<16xi32> -> vector<16xf32>
        %parallel_loop3A_277 = arith.addf %parallel_loop3A_227#10, %parallel_loop3A_276 : vector<16xf32>
        %parallel_loop3A_278 = vector.shape_cast %or3A : vector<16xi32> to vector<16x1xi32>
        %parallel_loop3A_279 = vector.shape_cast %parallel_loop3A_278 : vector<16x1xi32> to vector<16xi32>
        %parallel_loop3A_280 = tpu.dynamic_gather %parallel_loop3A_227#11[%parallel_loop3A_279] in [0] : vector<16xf32>, vector<16xi32> -> vector<16xf32>
        %parallel_loop3A_281 = arith.addf %parallel_loop3A_227#11, %parallel_loop3A_280 : vector<16xf32>
        %parallel_loop3A_282 = arith.select %eq3A_63, %parallel_loop3A_277, %parallel_loop3A_281 : vector<16xi1>, vector<16xf32>
        %parallel_loop3A_283 = vector.shape_cast %or3A : vector<16xi32> to vector<16x1xi32>
        %parallel_loop3A_284 = vector.shape_cast %parallel_loop3A_283 : vector<16x1xi32> to vector<16xi32>
        %parallel_loop3A_285 = tpu.dynamic_gather %parallel_loop3A_227#12[%parallel_loop3A_284] in [0] : vector<16xf32>, vector<16xi32> -> vector<16xf32>
        %parallel_loop3A_286 = arith.addf %parallel_loop3A_227#12, %parallel_loop3A_285 : vector<16xf32>
        %parallel_loop3A_287 = vector.shape_cast %or3A : vector<16xi32> to vector<16x1xi32>
        %parallel_loop3A_288 = vector.shape_cast %parallel_loop3A_287 : vector<16x1xi32> to vector<16xi32>
        %parallel_loop3A_289 = tpu.dynamic_gather %parallel_loop3A_227#13[%parallel_loop3A_288] in [0] : vector<16xf32>, vector<16xi32> -> vector<16xf32>
        %parallel_loop3A_290 = arith.addf %parallel_loop3A_227#13, %parallel_loop3A_289 : vector<16xf32>
        %parallel_loop3A_291 = arith.select %eq3A_63, %parallel_loop3A_286, %parallel_loop3A_290 : vector<16xi1>, vector<16xf32>
        %parallel_loop3A_292 = vector.shape_cast %or3A : vector<16xi32> to vector<16x1xi32>
        %parallel_loop3A_293 = vector.shape_cast %parallel_loop3A_292 : vector<16x1xi32> to vector<16xi32>
        %parallel_loop3A_294 = tpu.dynamic_gather %parallel_loop3A_227#14[%parallel_loop3A_293] in [0] : vector<16xf32>, vector<16xi32> -> vector<16xf32>
        %parallel_loop3A_295 = arith.addf %parallel_loop3A_227#14, %parallel_loop3A_294 : vector<16xf32>
        %parallel_loop3A_296 = vector.shape_cast %or3A : vector<16xi32> to vector<16x1xi32>
        %parallel_loop3A_297 = vector.shape_cast %parallel_loop3A_296 : vector<16x1xi32> to vector<16xi32>
        %parallel_loop3A_298 = tpu.dynamic_gather %parallel_loop3A_227#15[%parallel_loop3A_297] in [0] : vector<16xf32>, vector<16xi32> -> vector<16xf32>
        %parallel_loop3A_299 = arith.addf %parallel_loop3A_227#15, %parallel_loop3A_298 : vector<16xf32>
        %parallel_loop3A_300 = arith.select %eq3A_63, %parallel_loop3A_295, %parallel_loop3A_299 : vector<16xi1>, vector<16xf32>
        %parallel_loop3A_301 = vector.shape_cast %or3A_73 : vector<16xi32> to vector<16x1xi32>
        %parallel_loop3A_302 = vector.shape_cast %parallel_loop3A_301 : vector<16x1xi32> to vector<16xi32>
        %parallel_loop3A_303 = tpu.dynamic_gather %parallel_loop3A_237[%parallel_loop3A_302] in [0] : vector<16xf32>, vector<16xi32> -> vector<16xf32>
        %parallel_loop3A_304 = arith.addf %parallel_loop3A_237, %parallel_loop3A_303 : vector<16xf32>
        %parallel_loop3A_305 = vector.shape_cast %or3A_73 : vector<16xi32> to vector<16x1xi32>
        %parallel_loop3A_306 = vector.shape_cast %parallel_loop3A_305 : vector<16x1xi32> to vector<16xi32>
        %parallel_loop3A_307 = tpu.dynamic_gather %parallel_loop3A_246[%parallel_loop3A_306] in [0] : vector<16xf32>, vector<16xi32> -> vector<16xf32>
        %parallel_loop3A_308 = arith.addf %parallel_loop3A_246, %parallel_loop3A_307 : vector<16xf32>
        %parallel_loop3A_309 = arith.select %eq3A_79, %parallel_loop3A_304, %parallel_loop3A_308 : vector<16xi1>, vector<16xf32>
        %parallel_loop3A_310 = vector.shape_cast %or3A_73 : vector<16xi32> to vector<16x1xi32>
        %parallel_loop3A_311 = vector.shape_cast %parallel_loop3A_310 : vector<16x1xi32> to vector<16xi32>
        %parallel_loop3A_312 = tpu.dynamic_gather %parallel_loop3A_255[%parallel_loop3A_311] in [0] : vector<16xf32>, vector<16xi32> -> vector<16xf32>
        %parallel_loop3A_313 = arith.addf %parallel_loop3A_255, %parallel_loop3A_312 : vector<16xf32>
        %parallel_loop3A_314 = vector.shape_cast %or3A_73 : vector<16xi32> to vector<16x1xi32>
        %parallel_loop3A_315 = vector.shape_cast %parallel_loop3A_314 : vector<16x1xi32> to vector<16xi32>
        %parallel_loop3A_316 = tpu.dynamic_gather %parallel_loop3A_264[%parallel_loop3A_315] in [0] : vector<16xf32>, vector<16xi32> -> vector<16xf32>
        %parallel_loop3A_317 = arith.addf %parallel_loop3A_264, %parallel_loop3A_316 : vector<16xf32>
        %parallel_loop3A_318 = arith.select %eq3A_79, %parallel_loop3A_313, %parallel_loop3A_317 : vector<16xi1>, vector<16xf32>
        %parallel_loop3A_319 = vector.shape_cast %or3A_73 : vector<16xi32> to vector<16x1xi32>
        %parallel_loop3A_320 = vector.shape_cast %parallel_loop3A_319 : vector<16x1xi32> to vector<16xi32>
        %parallel_loop3A_321 = tpu.dynamic_gather %parallel_loop3A_273[%parallel_loop3A_320] in [0] : vector<16xf32>, vector<16xi32> -> vector<16xf32>
        %parallel_loop3A_322 = arith.addf %parallel_loop3A_273, %parallel_loop3A_321 : vector<16xf32>
        %parallel_loop3A_323 = vector.shape_cast %or3A_73 : vector<16xi32> to vector<16x1xi32>
        %parallel_loop3A_324 = vector.shape_cast %parallel_loop3A_323 : vector<16x1xi32> to vector<16xi32>
        %parallel_loop3A_325 = tpu.dynamic_gather %parallel_loop3A_282[%parallel_loop3A_324] in [0] : vector<16xf32>, vector<16xi32> -> vector<16xf32>
        %parallel_loop3A_326 = arith.addf %parallel_loop3A_282, %parallel_loop3A_325 : vector<16xf32>
        %parallel_loop3A_327 = arith.select %eq3A_79, %parallel_loop3A_322, %parallel_loop3A_326 : vector<16xi1>, vector<16xf32>
        %parallel_loop3A_328 = vector.shape_cast %or3A_73 : vector<16xi32> to vector<16x1xi32>
        %parallel_loop3A_329 = vector.shape_cast %parallel_loop3A_328 : vector<16x1xi32> to vector<16xi32>
        %parallel_loop3A_330 = tpu.dynamic_gather %parallel_loop3A_291[%parallel_loop3A_329] in [0] : vector<16xf32>, vector<16xi32> -> vector<16xf32>
        %parallel_loop3A_331 = arith.addf %parallel_loop3A_291, %parallel_loop3A_330 : vector<16xf32>
        %parallel_loop3A_332 = vector.shape_cast %or3A_73 : vector<16xi32> to vector<16x1xi32>
        %parallel_loop3A_333 = vector.shape_cast %parallel_loop3A_332 : vector<16x1xi32> to vector<16xi32>
        %parallel_loop3A_334 = tpu.dynamic_gather %parallel_loop3A_300[%parallel_loop3A_333] in [0] : vector<16xf32>, vector<16xi32> -> vector<16xf32>
        %parallel_loop3A_335 = arith.addf %parallel_loop3A_300, %parallel_loop3A_334 : vector<16xf32>
        %parallel_loop3A_336 = arith.select %eq3A_79, %parallel_loop3A_331, %parallel_loop3A_335 : vector<16xi1>, vector<16xf32>
        %parallel_loop3A_337 = vector.shape_cast %or3A_89 : vector<16xi32> to vector<16x1xi32>
        %parallel_loop3A_338 = vector.shape_cast %parallel_loop3A_337 : vector<16x1xi32> to vector<16xi32>
        %parallel_loop3A_339 = tpu.dynamic_gather %parallel_loop3A_309[%parallel_loop3A_338] in [0] : vector<16xf32>, vector<16xi32> -> vector<16xf32>
        %parallel_loop3A_340 = arith.addf %parallel_loop3A_309, %parallel_loop3A_339 : vector<16xf32>
        %parallel_loop3A_341 = vector.shape_cast %or3A_89 : vector<16xi32> to vector<16x1xi32>
        %parallel_loop3A_342 = vector.shape_cast %parallel_loop3A_341 : vector<16x1xi32> to vector<16xi32>
        %parallel_loop3A_343 = tpu.dynamic_gather %parallel_loop3A_318[%parallel_loop3A_342] in [0] : vector<16xf32>, vector<16xi32> -> vector<16xf32>
        %parallel_loop3A_344 = arith.addf %parallel_loop3A_318, %parallel_loop3A_343 : vector<16xf32>
        %parallel_loop3A_345 = arith.select %eq3A_95, %parallel_loop3A_340, %parallel_loop3A_344 : vector<16xi1>, vector<16xf32>
        %parallel_loop3A_346 = vector.shape_cast %or3A_89 : vector<16xi32> to vector<16x1xi32>
        %parallel_loop3A_347 = vector.shape_cast %parallel_loop3A_346 : vector<16x1xi32> to vector<16xi32>
        %parallel_loop3A_348 = tpu.dynamic_gather %parallel_loop3A_327[%parallel_loop3A_347] in [0] : vector<16xf32>, vector<16xi32> -> vector<16xf32>
        %parallel_loop3A_349 = arith.addf %parallel_loop3A_327, %parallel_loop3A_348 : vector<16xf32>
        %parallel_loop3A_350 = vector.shape_cast %or3A_89 : vector<16xi32> to vector<16x1xi32>
        %parallel_loop3A_351 = vector.shape_cast %parallel_loop3A_350 : vector<16x1xi32> to vector<16xi32>
        %parallel_loop3A_352 = tpu.dynamic_gather %parallel_loop3A_336[%parallel_loop3A_351] in [0] : vector<16xf32>, vector<16xi32> -> vector<16xf32>
        %parallel_loop3A_353 = arith.addf %parallel_loop3A_336, %parallel_loop3A_352 : vector<16xf32>
        %parallel_loop3A_354 = arith.select %eq3A_95, %parallel_loop3A_349, %parallel_loop3A_353 : vector<16xi1>, vector<16xf32>
        %parallel_loop3A_355 = vector.shape_cast %or3A_105 : vector<16xi32> to vector<16x1xi32>
        %parallel_loop3A_356 = vector.shape_cast %parallel_loop3A_355 : vector<16x1xi32> to vector<16xi32>
        %parallel_loop3A_357 = tpu.dynamic_gather %parallel_loop3A_345[%parallel_loop3A_356] in [0] : vector<16xf32>, vector<16xi32> -> vector<16xf32>
        %parallel_loop3A_358 = arith.addf %parallel_loop3A_345, %parallel_loop3A_357 : vector<16xf32>
        %parallel_loop3A_359 = vector.shape_cast %or3A_105 : vector<16xi32> to vector<16x1xi32>
        %parallel_loop3A_360 = vector.shape_cast %parallel_loop3A_359 : vector<16x1xi32> to vector<16xi32>
        %parallel_loop3A_361 = tpu.dynamic_gather %parallel_loop3A_354[%parallel_loop3A_360] in [0] : vector<16xf32>, vector<16xi32> -> vector<16xf32>
        %parallel_loop3A_362 = arith.addf %parallel_loop3A_354, %parallel_loop3A_361 : vector<16xf32>
        %parallel_loop3A_363 = arith.select %eq3A_111, %parallel_loop3A_358, %parallel_loop3A_362 : vector<16xi1>, vector<16xf32>
        %parallel_loop3A_364 = arith.constant 64 : i32
        %parallel_loop3A_365 = arith.muli %add3A_169, %parallel_loop3A_364 : i32
        %parallel_loop3A_366 = arith.addi %parallel_loop3A_365, %parallel_loop3A_220 : i32
        %parallel_loop3A_367 = arith.index_cast %parallel_loop3A_366 : i32 to index
        %parallel_loop3A_368 = tpu.vector_load %arg20[%parallel_loop3A_367] {strides = array<i32>} : memref<512xf32, #tpu.memory_space<vmem>>, vector<16xf32>,
        %parallel_loop3A_369 = vector.shape_cast %parallel_loop3A_368 : vector<16xf32> to vector<16xf32>
        %parallel_loop3A_370 = vector.shape_cast %parallel_loop3A_363 : vector<16xf32> to vector<16xf32>
        tpu.vector_store %arg20[%parallel_loop3A_367], %parallel_loop3A_370 {strides = array<i32>} : memref<512xf32, #tpu.memory_space<vmem>>, vector<16xf32>,
      } {sc.loop_unroll_factor = 1 : i64, sc.parallel_access}
      %add3A_185 = arith.constant 4 : i32
      %add3A_186 = arith.addi %add3A_169, %add3A_185 : i32
      %lt3A_187 = arith.constant 8 : i32
      %lt3A_188 = arith.cmpi slt, %add3A_186, %lt3A_187 : i32
      %convert_element_type3A_189 = arith.extui %lt3A_188 : i1 to i32
      %cond3A_190 = arith.constant 0 : i32
      %cond3A_191 = arith.cmpi ne, %convert_element_type3A_189, %cond3A_190 : i32
      scf.if %cond3A_191 {
        %add3A_218 = arith.constant 4 : i32
        %add3A_219 = arith.addi %add3A_169, %add3A_218 : i32
        %mul3A_220 = arith.constant 64 : i32
        %mul3A_221 = arith.muli %add3A_219, %mul3A_220 : i32
        %dma_start3A_222 = tpu.memref_slice %arg8[%mul3A_221] : memref<512xi32, #tpu.memory_space<vmem>> -> memref<64xi32, #tpu.memory_space<vmem>>
        %dma_start3A_223 = arith.constant 0 : i32
        %dma_start3A_224 = arith.constant 0 : i32
        %dma_start3A_225 = tpu.memref_slice %arg2[%dma_start3A_223, %dma_start3A_224] : memref<14541x128xf32, #tpu.memory_space<hbm>> -> memref<14541x128xf32, #tpu.memory_space<hbm>>
        tpu.enqueue_indirect_dma source(%dma_start3A_225 : memref<14541x128xf32, #tpu.memory_space<hbm>>) target(%arg12 : memref<64x128xf32, #tpu.memory_space<vmem>>) offsets(%dma_start3A_222 : memref<64xi32, #tpu.memory_space<vmem>>) semaphore(%arg23 : memref<!tpu.dma_semaphore, #tpu.memory_space<semaphore_mem>>)
        %mul3A_226 = arith.constant 64 : i32
        %mul3A_227 = arith.muli %add3A_219, %mul3A_226 : i32
        %dma_start3A_228 = tpu.memref_slice %arg9[%mul3A_227] : memref<512xi32, #tpu.memory_space<vmem>> -> memref<64xi32, #tpu.memory_space<vmem>>
        %dma_start3A_229 = arith.constant 0 : i32
        %dma_start3A_230 = arith.constant 0 : i32
        %dma_start3A_231 = tpu.memref_slice %arg2[%dma_start3A_229, %dma_start3A_230] : memref<14541x128xf32, #tpu.memory_space<hbm>> -> memref<14541x128xf32, #tpu.memory_space<hbm>>
        tpu.enqueue_indirect_dma source(%dma_start3A_231 : memref<14541x128xf32, #tpu.memory_space<hbm>>) target(%arg16 : memref<64x128xf32, #tpu.memory_space<vmem>>) offsets(%dma_start3A_228 : memref<64xi32, #tpu.memory_space<vmem>>) semaphore(%arg27 : memref<!tpu.dma_semaphore, #tpu.memory_space<semaphore_mem>>)
      } else {
      }
      %mul3A_192 = arith.constant 4 : i32
      %mul3A_193 = arith.muli %scan3A_117, %mul3A_192 : i32
      %add3A_194 = arith.constant 3 : i32
      %add3A_195 = arith.addi %mul3A_193, %add3A_194 : i32
      %mul3A_196 = arith.constant 64 : i32
      %mul3A_197 = arith.muli %add3A_195, %mul3A_196 : i32
      %dma_wait3A_198 = tpu.memref_slice %arg8[%mul3A_197] : memref<512xi32, #tpu.memory_space<vmem>> -> memref<64xi32, #tpu.memory_space<vmem>>
      %dma_wait3A_199 = arith.constant 0 : i32
      %dma_wait3A_200 = arith.constant 0 : i32
      %dma_wait3A_201 = tpu.memref_slice %arg2[%dma_wait3A_199, %dma_wait3A_200] : memref<14541x128xf32, #tpu.memory_space<hbm>> -> memref<14541x128xf32, #tpu.memory_space<hbm>>
      tpu.wait_indirect_dma semaphore(%arg24 : memref<!tpu.dma_semaphore, #tpu.memory_space<semaphore_mem>>) src(%dma_wait3A_201 : memref<14541x128xf32, #tpu.memory_space<hbm>>) dst(%arg13 : memref<64x128xf32, #tpu.memory_space<vmem>>)
      %mul3A_202 = arith.constant 64 : i32
      %mul3A_203 = arith.muli %add3A_195, %mul3A_202 : i32
      %dma_wait3A_204 = tpu.memref_slice %arg9[%mul3A_203] : memref<512xi32, #tpu.memory_space<vmem>> -> memref<64xi32, #tpu.memory_space<vmem>>
      %dma_wait3A_205 = arith.constant 0 : i32
      %dma_wait3A_206 = arith.constant 0 : i32
      %dma_wait3A_207 = tpu.memref_slice %arg2[%dma_wait3A_205, %dma_wait3A_206] : memref<14541x128xf32, #tpu.memory_space<hbm>> -> memref<14541x128xf32, #tpu.memory_space<hbm>>
      tpu.wait_indirect_dma semaphore(%arg28 : memref<!tpu.dma_semaphore, #tpu.memory_space<semaphore_mem>>) src(%dma_wait3A_207 : memref<14541x128xf32, #tpu.memory_space<hbm>>) dst(%arg17 : memref<64x128xf32, #tpu.memory_space<vmem>>)
      %parallel_loop3A_208 = arith.constant 0 : i32
      %parallel_loop3A_209 = arith.constant 4 : i32
      %parallel_loop3A_210 = arith.constant 1 : i32
      scf.for %parallel_loop3A_218 = %parallel_loop3A_208 to %parallel_loop3A_209 step %parallel_loop3A_210  : i32 {
        %parallel_loop3A_219 = arith.constant 16 : i32
        %parallel_loop3A_220 = arith.muli %parallel_loop3A_218, %parallel_loop3A_219 : i32
        %parallel_loop3A_221 = arith.constant 0.000000e+00 : f32
        %parallel_loop3A_222 = vector.broadcast %parallel_loop3A_221 : f32 to vector<16xf32>
        %parallel_loop3A_223 = arith.constant 0 : i32
        %parallel_loop3A_224 = arith.constant 8 : i32
        %parallel_loop3A_225 = arith.addi %parallel_loop3A_223, %parallel_loop3A_224 : i32
        %parallel_loop3A_226 = arith.constant 1 : i32
        %parallel_loop3A_227:16 = scf.for %scan3A_371 = %parallel_loop3A_223 to %parallel_loop3A_225 step %parallel_loop3A_226 iter_args(%scan3A_372 = %parallel_loop3A_222, %scan3A_373 = %parallel_loop3A_222, %scan3A_374 = %parallel_loop3A_222, %scan3A_375 = %parallel_loop3A_222, %scan3A_376 = %parallel_loop3A_222, %scan3A_377 = %parallel_loop3A_222, %scan3A_378 = %parallel_loop3A_222, %scan3A_379 = %parallel_loop3A_222, %scan3A_380 = %parallel_loop3A_222, %scan3A_381 = %parallel_loop3A_222, %scan3A_382 = %parallel_loop3A_222, %scan3A_383 = %parallel_loop3A_222, %scan3A_384 = %parallel_loop3A_222, %scan3A_385 = %parallel_loop3A_222, %scan3A_386 = %parallel_loop3A_222, %scan3A_387 = %parallel_loop3A_222) -> (vector<16xf32>, vector<16xf32>, vector<16xf32>, vector<16xf32>, vector<16xf32>, vector<16xf32>, vector<16xf32>, vector<16xf32>, vector<16xf32>, vector<16xf32>, vector<16xf32>, vector<16xf32>, vector<16xf32>, vector<16xf32>, vector<16xf32>, vector<16xf32>)  : i32 {
          %parallel_loop3A_388 = arith.constant 16 : i32
          %parallel_loop3A_389 = arith.muli %scan3A_371, %parallel_loop3A_388 : i32
          %parallel_loop3A_390 = arith.constant 0 : i32
          %parallel_loop3A_391 = arith.index_cast %parallel_loop3A_390 : i32 to index
          %parallel_loop3A_392 = arith.index_cast %parallel_loop3A_389 : i32 to index
          %parallel_loop3A_393 = tpu.vector_load %arg18[%parallel_loop3A_391, %parallel_loop3A_392] {strides = array<i32>} : memref<1x128xf32, #tpu.memory_space<vmem>>, vector<1x16xf32>,
          %parallel_loop3A_394 = vector.shape_cast %parallel_loop3A_393 : vector<1x16xf32> to vector<16xf32>
          %parallel_loop3A_395 = arith.constant 0 : i32
          %parallel_loop3A_396 = arith.addi %parallel_loop3A_220, %parallel_loop3A_395 : i32
          %parallel_loop3A_397 = arith.index_cast %parallel_loop3A_396 : i32 to index
          %parallel_loop3A_398 = arith.index_cast %parallel_loop3A_389 : i32 to index
          %parallel_loop3A_399 = tpu.vector_load %arg13[%parallel_loop3A_397, %parallel_loop3A_398] {strides = array<i32>} : memref<64x128xf32, #tpu.memory_space<vmem>>, vector<1x16xf32>,
          %parallel_loop3A_400 = vector.shape_cast %parallel_loop3A_399 : vector<1x16xf32> to vector<16xf32>
          %parallel_loop3A_401 = arith.constant 0 : i32
          %parallel_loop3A_402 = arith.addi %parallel_loop3A_220, %parallel_loop3A_401 : i32
          %parallel_loop3A_403 = arith.index_cast %parallel_loop3A_402 : i32 to index
          %parallel_loop3A_404 = arith.index_cast %parallel_loop3A_389 : i32 to index
          %parallel_loop3A_405 = tpu.vector_load %arg17[%parallel_loop3A_403, %parallel_loop3A_404] {strides = array<i32>} : memref<64x128xf32, #tpu.memory_space<vmem>>, vector<1x16xf32>,
          %parallel_loop3A_406 = vector.shape_cast %parallel_loop3A_405 : vector<1x16xf32> to vector<16xf32>
          %parallel_loop3A_407 = arith.mulf %parallel_loop3A_400, %parallel_loop3A_406 : vector<16xf32>
          %parallel_loop3A_408 = arith.mulf %parallel_loop3A_407, %parallel_loop3A_394 : vector<16xf32>
          %parallel_loop3A_409 = arith.addf %scan3A_372, %parallel_loop3A_408 : vector<16xf32>
          %parallel_loop3A_410 = arith.constant 8 : i32
          %parallel_loop3A_411 = arith.addi %parallel_loop3A_220, %parallel_loop3A_410 : i32
          %parallel_loop3A_412 = arith.index_cast %parallel_loop3A_411 : i32 to index
          %parallel_loop3A_413 = arith.index_cast %parallel_loop3A_389 : i32 to index
          %parallel_loop3A_414 = tpu.vector_load %arg13[%parallel_loop3A_412, %parallel_loop3A_413] {strides = array<i32>} : memref<64x128xf32, #tpu.memory_space<vmem>>, vector<1x16xf32>,
          %parallel_loop3A_415 = vector.shape_cast %parallel_loop3A_414 : vector<1x16xf32> to vector<16xf32>
          %parallel_loop3A_416 = arith.constant 8 : i32
          %parallel_loop3A_417 = arith.addi %parallel_loop3A_220, %parallel_loop3A_416 : i32
          %parallel_loop3A_418 = arith.index_cast %parallel_loop3A_417 : i32 to index
          %parallel_loop3A_419 = arith.index_cast %parallel_loop3A_389 : i32 to index
          %parallel_loop3A_420 = tpu.vector_load %arg17[%parallel_loop3A_418, %parallel_loop3A_419] {strides = array<i32>} : memref<64x128xf32, #tpu.memory_space<vmem>>, vector<1x16xf32>,
          %parallel_loop3A_421 = vector.shape_cast %parallel_loop3A_420 : vector<1x16xf32> to vector<16xf32>
          %parallel_loop3A_422 = arith.mulf %parallel_loop3A_415, %parallel_loop3A_421 : vector<16xf32>
          %parallel_loop3A_423 = arith.mulf %parallel_loop3A_422, %parallel_loop3A_394 : vector<16xf32>
          %parallel_loop3A_424 = arith.addf %scan3A_373, %parallel_loop3A_423 : vector<16xf32>
          %parallel_loop3A_425 = arith.constant 4 : i32
          %parallel_loop3A_426 = arith.addi %parallel_loop3A_220, %parallel_loop3A_425 : i32
          %parallel_loop3A_427 = arith.index_cast %parallel_loop3A_426 : i32 to index
          %parallel_loop3A_428 = arith.index_cast %parallel_loop3A_389 : i32 to index
          %parallel_loop3A_429 = tpu.vector_load %arg13[%parallel_loop3A_427, %parallel_loop3A_428] {strides = array<i32>} : memref<64x128xf32, #tpu.memory_space<vmem>>, vector<1x16xf32>,
          %parallel_loop3A_430 = vector.shape_cast %parallel_loop3A_429 : vector<1x16xf32> to vector<16xf32>
          %parallel_loop3A_431 = arith.constant 4 : i32
          %parallel_loop3A_432 = arith.addi %parallel_loop3A_220, %parallel_loop3A_431 : i32
          %parallel_loop3A_433 = arith.index_cast %parallel_loop3A_432 : i32 to index
          %parallel_loop3A_434 = arith.index_cast %parallel_loop3A_389 : i32 to index
          %parallel_loop3A_435 = tpu.vector_load %arg17[%parallel_loop3A_433, %parallel_loop3A_434] {strides = array<i32>} : memref<64x128xf32, #tpu.memory_space<vmem>>, vector<1x16xf32>,
          %parallel_loop3A_436 = vector.shape_cast %parallel_loop3A_435 : vector<1x16xf32> to vector<16xf32>
          %parallel_loop3A_437 = arith.mulf %parallel_loop3A_430, %parallel_loop3A_436 : vector<16xf32>
          %parallel_loop3A_438 = arith.mulf %parallel_loop3A_437, %parallel_loop3A_394 : vector<16xf32>
          %parallel_loop3A_439 = arith.addf %scan3A_374, %parallel_loop3A_438 : vector<16xf32>
          %parallel_loop3A_440 = arith.constant 12 : i32
          %parallel_loop3A_441 = arith.addi %parallel_loop3A_220, %parallel_loop3A_440 : i32
          %parallel_loop3A_442 = arith.index_cast %parallel_loop3A_441 : i32 to index
          %parallel_loop3A_443 = arith.index_cast %parallel_loop3A_389 : i32 to index
          %parallel_loop3A_444 = tpu.vector_load %arg13[%parallel_loop3A_442, %parallel_loop3A_443] {strides = array<i32>} : memref<64x128xf32, #tpu.memory_space<vmem>>, vector<1x16xf32>,
          %parallel_loop3A_445 = vector.shape_cast %parallel_loop3A_444 : vector<1x16xf32> to vector<16xf32>
          %parallel_loop3A_446 = arith.constant 12 : i32
          %parallel_loop3A_447 = arith.addi %parallel_loop3A_220, %parallel_loop3A_446 : i32
          %parallel_loop3A_448 = arith.index_cast %parallel_loop3A_447 : i32 to index
          %parallel_loop3A_449 = arith.index_cast %parallel_loop3A_389 : i32 to index
          %parallel_loop3A_450 = tpu.vector_load %arg17[%parallel_loop3A_448, %parallel_loop3A_449] {strides = array<i32>} : memref<64x128xf32, #tpu.memory_space<vmem>>, vector<1x16xf32>,
          %parallel_loop3A_451 = vector.shape_cast %parallel_loop3A_450 : vector<1x16xf32> to vector<16xf32>
          %parallel_loop3A_452 = arith.mulf %parallel_loop3A_445, %parallel_loop3A_451 : vector<16xf32>
          %parallel_loop3A_453 = arith.mulf %parallel_loop3A_452, %parallel_loop3A_394 : vector<16xf32>
          %parallel_loop3A_454 = arith.addf %scan3A_375, %parallel_loop3A_453 : vector<16xf32>
          %parallel_loop3A_455 = arith.constant 2 : i32
          %parallel_loop3A_456 = arith.addi %parallel_loop3A_220, %parallel_loop3A_455 : i32
          %parallel_loop3A_457 = arith.index_cast %parallel_loop3A_456 : i32 to index
          %parallel_loop3A_458 = arith.index_cast %parallel_loop3A_389 : i32 to index
          %parallel_loop3A_459 = tpu.vector_load %arg13[%parallel_loop3A_457, %parallel_loop3A_458] {strides = array<i32>} : memref<64x128xf32, #tpu.memory_space<vmem>>, vector<1x16xf32>,
          %parallel_loop3A_460 = vector.shape_cast %parallel_loop3A_459 : vector<1x16xf32> to vector<16xf32>
          %parallel_loop3A_461 = arith.constant 2 : i32
          %parallel_loop3A_462 = arith.addi %parallel_loop3A_220, %parallel_loop3A_461 : i32
          %parallel_loop3A_463 = arith.index_cast %parallel_loop3A_462 : i32 to index
          %parallel_loop3A_464 = arith.index_cast %parallel_loop3A_389 : i32 to index
          %parallel_loop3A_465 = tpu.vector_load %arg17[%parallel_loop3A_463, %parallel_loop3A_464] {strides = array<i32>} : memref<64x128xf32, #tpu.memory_space<vmem>>, vector<1x16xf32>,
          %parallel_loop3A_466 = vector.shape_cast %parallel_loop3A_465 : vector<1x16xf32> to vector<16xf32>
          %parallel_loop3A_467 = arith.mulf %parallel_loop3A_460, %parallel_loop3A_466 : vector<16xf32>
          %parallel_loop3A_468 = arith.mulf %parallel_loop3A_467, %parallel_loop3A_394 : vector<16xf32>
          %parallel_loop3A_469 = arith.addf %scan3A_376, %parallel_loop3A_468 : vector<16xf32>
          %parallel_loop3A_470 = arith.constant 10 : i32
          %parallel_loop3A_471 = arith.addi %parallel_loop3A_220, %parallel_loop3A_470 : i32
          %parallel_loop3A_472 = arith.index_cast %parallel_loop3A_471 : i32 to index
          %parallel_loop3A_473 = arith.index_cast %parallel_loop3A_389 : i32 to index
          %parallel_loop3A_474 = tpu.vector_load %arg13[%parallel_loop3A_472, %parallel_loop3A_473] {strides = array<i32>} : memref<64x128xf32, #tpu.memory_space<vmem>>, vector<1x16xf32>,
          %parallel_loop3A_475 = vector.shape_cast %parallel_loop3A_474 : vector<1x16xf32> to vector<16xf32>
          %parallel_loop3A_476 = arith.constant 10 : i32
          %parallel_loop3A_477 = arith.addi %parallel_loop3A_220, %parallel_loop3A_476 : i32
          %parallel_loop3A_478 = arith.index_cast %parallel_loop3A_477 : i32 to index
          %parallel_loop3A_479 = arith.index_cast %parallel_loop3A_389 : i32 to index
          %parallel_loop3A_480 = tpu.vector_load %arg17[%parallel_loop3A_478, %parallel_loop3A_479] {strides = array<i32>} : memref<64x128xf32, #tpu.memory_space<vmem>>, vector<1x16xf32>,
          %parallel_loop3A_481 = vector.shape_cast %parallel_loop3A_480 : vector<1x16xf32> to vector<16xf32>
          %parallel_loop3A_482 = arith.mulf %parallel_loop3A_475, %parallel_loop3A_481 : vector<16xf32>
          %parallel_loop3A_483 = arith.mulf %parallel_loop3A_482, %parallel_loop3A_394 : vector<16xf32>
          %parallel_loop3A_484 = arith.addf %scan3A_377, %parallel_loop3A_483 : vector<16xf32>
          %parallel_loop3A_485 = arith.constant 6 : i32
          %parallel_loop3A_486 = arith.addi %parallel_loop3A_220, %parallel_loop3A_485 : i32
          %parallel_loop3A_487 = arith.index_cast %parallel_loop3A_486 : i32 to index
          %parallel_loop3A_488 = arith.index_cast %parallel_loop3A_389 : i32 to index
          %parallel_loop3A_489 = tpu.vector_load %arg13[%parallel_loop3A_487, %parallel_loop3A_488] {strides = array<i32>} : memref<64x128xf32, #tpu.memory_space<vmem>>, vector<1x16xf32>,
          %parallel_loop3A_490 = vector.shape_cast %parallel_loop3A_489 : vector<1x16xf32> to vector<16xf32>
          %parallel_loop3A_491 = arith.constant 6 : i32
          %parallel_loop3A_492 = arith.addi %parallel_loop3A_220, %parallel_loop3A_491 : i32
          %parallel_loop3A_493 = arith.index_cast %parallel_loop3A_492 : i32 to index
          %parallel_loop3A_494 = arith.index_cast %parallel_loop3A_389 : i32 to index
          %parallel_loop3A_495 = tpu.vector_load %arg17[%parallel_loop3A_493, %parallel_loop3A_494] {strides = array<i32>} : memref<64x128xf32, #tpu.memory_space<vmem>>, vector<1x16xf32>,
          %parallel_loop3A_496 = vector.shape_cast %parallel_loop3A_495 : vector<1x16xf32> to vector<16xf32>
          %parallel_loop3A_497 = arith.mulf %parallel_loop3A_490, %parallel_loop3A_496 : vector<16xf32>
          %parallel_loop3A_498 = arith.mulf %parallel_loop3A_497, %parallel_loop3A_394 : vector<16xf32>
          %parallel_loop3A_499 = arith.addf %scan3A_378, %parallel_loop3A_498 : vector<16xf32>
          %parallel_loop3A_500 = arith.constant 14 : i32
          %parallel_loop3A_501 = arith.addi %parallel_loop3A_220, %parallel_loop3A_500 : i32
          %parallel_loop3A_502 = arith.index_cast %parallel_loop3A_501 : i32 to index
          %parallel_loop3A_503 = arith.index_cast %parallel_loop3A_389 : i32 to index
          %parallel_loop3A_504 = tpu.vector_load %arg13[%parallel_loop3A_502, %parallel_loop3A_503] {strides = array<i32>} : memref<64x128xf32, #tpu.memory_space<vmem>>, vector<1x16xf32>,
          %parallel_loop3A_505 = vector.shape_cast %parallel_loop3A_504 : vector<1x16xf32> to vector<16xf32>
          %parallel_loop3A_506 = arith.constant 14 : i32
          %parallel_loop3A_507 = arith.addi %parallel_loop3A_220, %parallel_loop3A_506 : i32
          %parallel_loop3A_508 = arith.index_cast %parallel_loop3A_507 : i32 to index
          %parallel_loop3A_509 = arith.index_cast %parallel_loop3A_389 : i32 to index
          %parallel_loop3A_510 = tpu.vector_load %arg17[%parallel_loop3A_508, %parallel_loop3A_509] {strides = array<i32>} : memref<64x128xf32, #tpu.memory_space<vmem>>, vector<1x16xf32>,
          %parallel_loop3A_511 = vector.shape_cast %parallel_loop3A_510 : vector<1x16xf32> to vector<16xf32>
          %parallel_loop3A_512 = arith.mulf %parallel_loop3A_505, %parallel_loop3A_511 : vector<16xf32>
          %parallel_loop3A_513 = arith.mulf %parallel_loop3A_512, %parallel_loop3A_394 : vector<16xf32>
          %parallel_loop3A_514 = arith.addf %scan3A_379, %parallel_loop3A_513 : vector<16xf32>
          %parallel_loop3A_515 = arith.constant 1 : i32
          %parallel_loop3A_516 = arith.addi %parallel_loop3A_220, %parallel_loop3A_515 : i32
          %parallel_loop3A_517 = arith.index_cast %parallel_loop3A_516 : i32 to index
          %parallel_loop3A_518 = arith.index_cast %parallel_loop3A_389 : i32 to index
          %parallel_loop3A_519 = tpu.vector_load %arg13[%parallel_loop3A_517, %parallel_loop3A_518] {strides = array<i32>} : memref<64x128xf32, #tpu.memory_space<vmem>>, vector<1x16xf32>,
          %parallel_loop3A_520 = vector.shape_cast %parallel_loop3A_519 : vector<1x16xf32> to vector<16xf32>
          %parallel_loop3A_521 = arith.constant 1 : i32
          %parallel_loop3A_522 = arith.addi %parallel_loop3A_220, %parallel_loop3A_521 : i32
          %parallel_loop3A_523 = arith.index_cast %parallel_loop3A_522 : i32 to index
          %parallel_loop3A_524 = arith.index_cast %parallel_loop3A_389 : i32 to index
          %parallel_loop3A_525 = tpu.vector_load %arg17[%parallel_loop3A_523, %parallel_loop3A_524] {strides = array<i32>} : memref<64x128xf32, #tpu.memory_space<vmem>>, vector<1x16xf32>,
          %parallel_loop3A_526 = vector.shape_cast %parallel_loop3A_525 : vector<1x16xf32> to vector<16xf32>
          %parallel_loop3A_527 = arith.mulf %parallel_loop3A_520, %parallel_loop3A_526 : vector<16xf32>
          %parallel_loop3A_528 = arith.mulf %parallel_loop3A_527, %parallel_loop3A_394 : vector<16xf32>
          %parallel_loop3A_529 = arith.addf %scan3A_380, %parallel_loop3A_528 : vector<16xf32>
          %parallel_loop3A_530 = arith.constant 9 : i32
          %parallel_loop3A_531 = arith.addi %parallel_loop3A_220, %parallel_loop3A_530 : i32
          %parallel_loop3A_532 = arith.index_cast %parallel_loop3A_531 : i32 to index
          %parallel_loop3A_533 = arith.index_cast %parallel_loop3A_389 : i32 to index
          %parallel_loop3A_534 = tpu.vector_load %arg13[%parallel_loop3A_532, %parallel_loop3A_533] {strides = array<i32>} : memref<64x128xf32, #tpu.memory_space<vmem>>, vector<1x16xf32>,
          %parallel_loop3A_535 = vector.shape_cast %parallel_loop3A_534 : vector<1x16xf32> to vector<16xf32>
          %parallel_loop3A_536 = arith.constant 9 : i32
          %parallel_loop3A_537 = arith.addi %parallel_loop3A_220, %parallel_loop3A_536 : i32
          %parallel_loop3A_538 = arith.index_cast %parallel_loop3A_537 : i32 to index
          %parallel_loop3A_539 = arith.index_cast %parallel_loop3A_389 : i32 to index
          %parallel_loop3A_540 = tpu.vector_load %arg17[%parallel_loop3A_538, %parallel_loop3A_539] {strides = array<i32>} : memref<64x128xf32, #tpu.memory_space<vmem>>, vector<1x16xf32>,
          %parallel_loop3A_541 = vector.shape_cast %parallel_loop3A_540 : vector<1x16xf32> to vector<16xf32>
          %parallel_loop3A_542 = arith.mulf %parallel_loop3A_535, %parallel_loop3A_541 : vector<16xf32>
          %parallel_loop3A_543 = arith.mulf %parallel_loop3A_542, %parallel_loop3A_394 : vector<16xf32>
          %parallel_loop3A_544 = arith.addf %scan3A_381, %parallel_loop3A_543 : vector<16xf32>
          %parallel_loop3A_545 = arith.constant 5 : i32
          %parallel_loop3A_546 = arith.addi %parallel_loop3A_220, %parallel_loop3A_545 : i32
          %parallel_loop3A_547 = arith.index_cast %parallel_loop3A_546 : i32 to index
          %parallel_loop3A_548 = arith.index_cast %parallel_loop3A_389 : i32 to index
          %parallel_loop3A_549 = tpu.vector_load %arg13[%parallel_loop3A_547, %parallel_loop3A_548] {strides = array<i32>} : memref<64x128xf32, #tpu.memory_space<vmem>>, vector<1x16xf32>,
          %parallel_loop3A_550 = vector.shape_cast %parallel_loop3A_549 : vector<1x16xf32> to vector<16xf32>
          %parallel_loop3A_551 = arith.constant 5 : i32
          %parallel_loop3A_552 = arith.addi %parallel_loop3A_220, %parallel_loop3A_551 : i32
          %parallel_loop3A_553 = arith.index_cast %parallel_loop3A_552 : i32 to index
          %parallel_loop3A_554 = arith.index_cast %parallel_loop3A_389 : i32 to index
          %parallel_loop3A_555 = tpu.vector_load %arg17[%parallel_loop3A_553, %parallel_loop3A_554] {strides = array<i32>} : memref<64x128xf32, #tpu.memory_space<vmem>>, vector<1x16xf32>,
          %parallel_loop3A_556 = vector.shape_cast %parallel_loop3A_555 : vector<1x16xf32> to vector<16xf32>
          %parallel_loop3A_557 = arith.mulf %parallel_loop3A_550, %parallel_loop3A_556 : vector<16xf32>
          %parallel_loop3A_558 = arith.mulf %parallel_loop3A_557, %parallel_loop3A_394 : vector<16xf32>
          %parallel_loop3A_559 = arith.addf %scan3A_382, %parallel_loop3A_558 : vector<16xf32>
          %parallel_loop3A_560 = arith.constant 13 : i32
          %parallel_loop3A_561 = arith.addi %parallel_loop3A_220, %parallel_loop3A_560 : i32
          %parallel_loop3A_562 = arith.index_cast %parallel_loop3A_561 : i32 to index
          %parallel_loop3A_563 = arith.index_cast %parallel_loop3A_389 : i32 to index
          %parallel_loop3A_564 = tpu.vector_load %arg13[%parallel_loop3A_562, %parallel_loop3A_563] {strides = array<i32>} : memref<64x128xf32, #tpu.memory_space<vmem>>, vector<1x16xf32>,
          %parallel_loop3A_565 = vector.shape_cast %parallel_loop3A_564 : vector<1x16xf32> to vector<16xf32>
          %parallel_loop3A_566 = arith.constant 13 : i32
          %parallel_loop3A_567 = arith.addi %parallel_loop3A_220, %parallel_loop3A_566 : i32
          %parallel_loop3A_568 = arith.index_cast %parallel_loop3A_567 : i32 to index
          %parallel_loop3A_569 = arith.index_cast %parallel_loop3A_389 : i32 to index
          %parallel_loop3A_570 = tpu.vector_load %arg17[%parallel_loop3A_568, %parallel_loop3A_569] {strides = array<i32>} : memref<64x128xf32, #tpu.memory_space<vmem>>, vector<1x16xf32>,
          %parallel_loop3A_571 = vector.shape_cast %parallel_loop3A_570 : vector<1x16xf32> to vector<16xf32>
          %parallel_loop3A_572 = arith.mulf %parallel_loop3A_565, %parallel_loop3A_571 : vector<16xf32>
          %parallel_loop3A_573 = arith.mulf %parallel_loop3A_572, %parallel_loop3A_394 : vector<16xf32>
          %parallel_loop3A_574 = arith.addf %scan3A_383, %parallel_loop3A_573 : vector<16xf32>
          %parallel_loop3A_575 = arith.constant 3 : i32
          %parallel_loop3A_576 = arith.addi %parallel_loop3A_220, %parallel_loop3A_575 : i32
          %parallel_loop3A_577 = arith.index_cast %parallel_loop3A_576 : i32 to index
          %parallel_loop3A_578 = arith.index_cast %parallel_loop3A_389 : i32 to index
          %parallel_loop3A_579 = tpu.vector_load %arg13[%parallel_loop3A_577, %parallel_loop3A_578] {strides = array<i32>} : memref<64x128xf32, #tpu.memory_space<vmem>>, vector<1x16xf32>,
          %parallel_loop3A_580 = vector.shape_cast %parallel_loop3A_579 : vector<1x16xf32> to vector<16xf32>
          %parallel_loop3A_581 = arith.constant 3 : i32
          %parallel_loop3A_582 = arith.addi %parallel_loop3A_220, %parallel_loop3A_581 : i32
          %parallel_loop3A_583 = arith.index_cast %parallel_loop3A_582 : i32 to index
          %parallel_loop3A_584 = arith.index_cast %parallel_loop3A_389 : i32 to index
          %parallel_loop3A_585 = tpu.vector_load %arg17[%parallel_loop3A_583, %parallel_loop3A_584] {strides = array<i32>} : memref<64x128xf32, #tpu.memory_space<vmem>>, vector<1x16xf32>,
          %parallel_loop3A_586 = vector.shape_cast %parallel_loop3A_585 : vector<1x16xf32> to vector<16xf32>
          %parallel_loop3A_587 = arith.mulf %parallel_loop3A_580, %parallel_loop3A_586 : vector<16xf32>
          %parallel_loop3A_588 = arith.mulf %parallel_loop3A_587, %parallel_loop3A_394 : vector<16xf32>
          %parallel_loop3A_589 = arith.addf %scan3A_384, %parallel_loop3A_588 : vector<16xf32>
          %parallel_loop3A_590 = arith.constant 11 : i32
          %parallel_loop3A_591 = arith.addi %parallel_loop3A_220, %parallel_loop3A_590 : i32
          %parallel_loop3A_592 = arith.index_cast %parallel_loop3A_591 : i32 to index
          %parallel_loop3A_593 = arith.index_cast %parallel_loop3A_389 : i32 to index
          %parallel_loop3A_594 = tpu.vector_load %arg13[%parallel_loop3A_592, %parallel_loop3A_593] {strides = array<i32>} : memref<64x128xf32, #tpu.memory_space<vmem>>, vector<1x16xf32>,
          %parallel_loop3A_595 = vector.shape_cast %parallel_loop3A_594 : vector<1x16xf32> to vector<16xf32>
          %parallel_loop3A_596 = arith.constant 11 : i32
          %parallel_loop3A_597 = arith.addi %parallel_loop3A_220, %parallel_loop3A_596 : i32
          %parallel_loop3A_598 = arith.index_cast %parallel_loop3A_597 : i32 to index
          %parallel_loop3A_599 = arith.index_cast %parallel_loop3A_389 : i32 to index
          %parallel_loop3A_600 = tpu.vector_load %arg17[%parallel_loop3A_598, %parallel_loop3A_599] {strides = array<i32>} : memref<64x128xf32, #tpu.memory_space<vmem>>, vector<1x16xf32>,
          %parallel_loop3A_601 = vector.shape_cast %parallel_loop3A_600 : vector<1x16xf32> to vector<16xf32>
          %parallel_loop3A_602 = arith.mulf %parallel_loop3A_595, %parallel_loop3A_601 : vector<16xf32>
          %parallel_loop3A_603 = arith.mulf %parallel_loop3A_602, %parallel_loop3A_394 : vector<16xf32>
          %parallel_loop3A_604 = arith.addf %scan3A_385, %parallel_loop3A_603 : vector<16xf32>
          %parallel_loop3A_605 = arith.constant 7 : i32
          %parallel_loop3A_606 = arith.addi %parallel_loop3A_220, %parallel_loop3A_605 : i32
          %parallel_loop3A_607 = arith.index_cast %parallel_loop3A_606 : i32 to index
          %parallel_loop3A_608 = arith.index_cast %parallel_loop3A_389 : i32 to index
          %parallel_loop3A_609 = tpu.vector_load %arg13[%parallel_loop3A_607, %parallel_loop3A_608] {strides = array<i32>} : memref<64x128xf32, #tpu.memory_space<vmem>>, vector<1x16xf32>,
          %parallel_loop3A_610 = vector.shape_cast %parallel_loop3A_609 : vector<1x16xf32> to vector<16xf32>
          %parallel_loop3A_611 = arith.constant 7 : i32
          %parallel_loop3A_612 = arith.addi %parallel_loop3A_220, %parallel_loop3A_611 : i32
          %parallel_loop3A_613 = arith.index_cast %parallel_loop3A_612 : i32 to index
          %parallel_loop3A_614 = arith.index_cast %parallel_loop3A_389 : i32 to index
          %parallel_loop3A_615 = tpu.vector_load %arg17[%parallel_loop3A_613, %parallel_loop3A_614] {strides = array<i32>} : memref<64x128xf32, #tpu.memory_space<vmem>>, vector<1x16xf32>,
          %parallel_loop3A_616 = vector.shape_cast %parallel_loop3A_615 : vector<1x16xf32> to vector<16xf32>
          %parallel_loop3A_617 = arith.mulf %parallel_loop3A_610, %parallel_loop3A_616 : vector<16xf32>
          %parallel_loop3A_618 = arith.mulf %parallel_loop3A_617, %parallel_loop3A_394 : vector<16xf32>
          %parallel_loop3A_619 = arith.addf %scan3A_386, %parallel_loop3A_618 : vector<16xf32>
          %parallel_loop3A_620 = arith.constant 15 : i32
          %parallel_loop3A_621 = arith.addi %parallel_loop3A_220, %parallel_loop3A_620 : i32
          %parallel_loop3A_622 = arith.index_cast %parallel_loop3A_621 : i32 to index
          %parallel_loop3A_623 = arith.index_cast %parallel_loop3A_389 : i32 to index
          %parallel_loop3A_624 = tpu.vector_load %arg13[%parallel_loop3A_622, %parallel_loop3A_623] {strides = array<i32>} : memref<64x128xf32, #tpu.memory_space<vmem>>, vector<1x16xf32>,
          %parallel_loop3A_625 = vector.shape_cast %parallel_loop3A_624 : vector<1x16xf32> to vector<16xf32>
          %parallel_loop3A_626 = arith.constant 15 : i32
          %parallel_loop3A_627 = arith.addi %parallel_loop3A_220, %parallel_loop3A_626 : i32
          %parallel_loop3A_628 = arith.index_cast %parallel_loop3A_627 : i32 to index
          %parallel_loop3A_629 = arith.index_cast %parallel_loop3A_389 : i32 to index
          %parallel_loop3A_630 = tpu.vector_load %arg17[%parallel_loop3A_628, %parallel_loop3A_629] {strides = array<i32>} : memref<64x128xf32, #tpu.memory_space<vmem>>, vector<1x16xf32>,
          %parallel_loop3A_631 = vector.shape_cast %parallel_loop3A_630 : vector<1x16xf32> to vector<16xf32>
          %parallel_loop3A_632 = arith.mulf %parallel_loop3A_625, %parallel_loop3A_631 : vector<16xf32>
          %parallel_loop3A_633 = arith.mulf %parallel_loop3A_632, %parallel_loop3A_394 : vector<16xf32>
          %parallel_loop3A_634 = arith.addf %scan3A_387, %parallel_loop3A_633 : vector<16xf32>
          scf.yield %parallel_loop3A_409, %parallel_loop3A_424, %parallel_loop3A_439, %parallel_loop3A_454, %parallel_loop3A_469, %parallel_loop3A_484, %parallel_loop3A_499, %parallel_loop3A_514, %parallel_loop3A_529, %parallel_loop3A_544, %parallel_loop3A_559, %parallel_loop3A_574, %parallel_loop3A_589, %parallel_loop3A_604, %parallel_loop3A_619, %parallel_loop3A_634 : vector<16xf32>, vector<16xf32>, vector<16xf32>, vector<16xf32>, vector<16xf32>, vector<16xf32>, vector<16xf32>, vector<16xf32>, vector<16xf32>, vector<16xf32>, vector<16xf32>, vector<16xf32>, vector<16xf32>, vector<16xf32>, vector<16xf32>, vector<16xf32>
        }
        %parallel_loop3A_228 = arith.constant 8 : i32
        %parallel_loop3A_229 = vector.shape_cast %or3A : vector<16xi32> to vector<16x1xi32>
        %parallel_loop3A_230 = vector.shape_cast %parallel_loop3A_229 : vector<16x1xi32> to vector<16xi32>
        %parallel_loop3A_231 = tpu.dynamic_gather %parallel_loop3A_227#0[%parallel_loop3A_230] in [0] : vector<16xf32>, vector<16xi32> -> vector<16xf32>
        %parallel_loop3A_232 = arith.addf %parallel_loop3A_227#0, %parallel_loop3A_231 : vector<16xf32>
        %parallel_loop3A_233 = vector.shape_cast %or3A : vector<16xi32> to vector<16x1xi32>
        %parallel_loop3A_234 = vector.shape_cast %parallel_loop3A_233 : vector<16x1xi32> to vector<16xi32>
        %parallel_loop3A_235 = tpu.dynamic_gather %parallel_loop3A_227#1[%parallel_loop3A_234] in [0] : vector<16xf32>, vector<16xi32> -> vector<16xf32>
        %parallel_loop3A_236 = arith.addf %parallel_loop3A_227#1, %parallel_loop3A_235 : vector<16xf32>
        %parallel_loop3A_237 = arith.select %eq3A_63, %parallel_loop3A_232, %parallel_loop3A_236 : vector<16xi1>, vector<16xf32>
        %parallel_loop3A_238 = vector.shape_cast %or3A : vector<16xi32> to vector<16x1xi32>
        %parallel_loop3A_239 = vector.shape_cast %parallel_loop3A_238 : vector<16x1xi32> to vector<16xi32>
        %parallel_loop3A_240 = tpu.dynamic_gather %parallel_loop3A_227#2[%parallel_loop3A_239] in [0] : vector<16xf32>, vector<16xi32> -> vector<16xf32>
        %parallel_loop3A_241 = arith.addf %parallel_loop3A_227#2, %parallel_loop3A_240 : vector<16xf32>
        %parallel_loop3A_242 = vector.shape_cast %or3A : vector<16xi32> to vector<16x1xi32>
        %parallel_loop3A_243 = vector.shape_cast %parallel_loop3A_242 : vector<16x1xi32> to vector<16xi32>
        %parallel_loop3A_244 = tpu.dynamic_gather %parallel_loop3A_227#3[%parallel_loop3A_243] in [0] : vector<16xf32>, vector<16xi32> -> vector<16xf32>
        %parallel_loop3A_245 = arith.addf %parallel_loop3A_227#3, %parallel_loop3A_244 : vector<16xf32>
        %parallel_loop3A_246 = arith.select %eq3A_63, %parallel_loop3A_241, %parallel_loop3A_245 : vector<16xi1>, vector<16xf32>
        %parallel_loop3A_247 = vector.shape_cast %or3A : vector<16xi32> to vector<16x1xi32>
        %parallel_loop3A_248 = vector.shape_cast %parallel_loop3A_247 : vector<16x1xi32> to vector<16xi32>
        %parallel_loop3A_249 = tpu.dynamic_gather %parallel_loop3A_227#4[%parallel_loop3A_248] in [0] : vector<16xf32>, vector<16xi32> -> vector<16xf32>
        %parallel_loop3A_250 = arith.addf %parallel_loop3A_227#4, %parallel_loop3A_249 : vector<16xf32>
        %parallel_loop3A_251 = vector.shape_cast %or3A : vector<16xi32> to vector<16x1xi32>
        %parallel_loop3A_252 = vector.shape_cast %parallel_loop3A_251 : vector<16x1xi32> to vector<16xi32>
        %parallel_loop3A_253 = tpu.dynamic_gather %parallel_loop3A_227#5[%parallel_loop3A_252] in [0] : vector<16xf32>, vector<16xi32> -> vector<16xf32>
        %parallel_loop3A_254 = arith.addf %parallel_loop3A_227#5, %parallel_loop3A_253 : vector<16xf32>
        %parallel_loop3A_255 = arith.select %eq3A_63, %parallel_loop3A_250, %parallel_loop3A_254 : vector<16xi1>, vector<16xf32>
        %parallel_loop3A_256 = vector.shape_cast %or3A : vector<16xi32> to vector<16x1xi32>
        %parallel_loop3A_257 = vector.shape_cast %parallel_loop3A_256 : vector<16x1xi32> to vector<16xi32>
        %parallel_loop3A_258 = tpu.dynamic_gather %parallel_loop3A_227#6[%parallel_loop3A_257] in [0] : vector<16xf32>, vector<16xi32> -> vector<16xf32>
        %parallel_loop3A_259 = arith.addf %parallel_loop3A_227#6, %parallel_loop3A_258 : vector<16xf32>
        %parallel_loop3A_260 = vector.shape_cast %or3A : vector<16xi32> to vector<16x1xi32>
        %parallel_loop3A_261 = vector.shape_cast %parallel_loop3A_260 : vector<16x1xi32> to vector<16xi32>
        %parallel_loop3A_262 = tpu.dynamic_gather %parallel_loop3A_227#7[%parallel_loop3A_261] in [0] : vector<16xf32>, vector<16xi32> -> vector<16xf32>
        %parallel_loop3A_263 = arith.addf %parallel_loop3A_227#7, %parallel_loop3A_262 : vector<16xf32>
        %parallel_loop3A_264 = arith.select %eq3A_63, %parallel_loop3A_259, %parallel_loop3A_263 : vector<16xi1>, vector<16xf32>
        %parallel_loop3A_265 = vector.shape_cast %or3A : vector<16xi32> to vector<16x1xi32>
        %parallel_loop3A_266 = vector.shape_cast %parallel_loop3A_265 : vector<16x1xi32> to vector<16xi32>
        %parallel_loop3A_267 = tpu.dynamic_gather %parallel_loop3A_227#8[%parallel_loop3A_266] in [0] : vector<16xf32>, vector<16xi32> -> vector<16xf32>
        %parallel_loop3A_268 = arith.addf %parallel_loop3A_227#8, %parallel_loop3A_267 : vector<16xf32>
        %parallel_loop3A_269 = vector.shape_cast %or3A : vector<16xi32> to vector<16x1xi32>
        %parallel_loop3A_270 = vector.shape_cast %parallel_loop3A_269 : vector<16x1xi32> to vector<16xi32>
        %parallel_loop3A_271 = tpu.dynamic_gather %parallel_loop3A_227#9[%parallel_loop3A_270] in [0] : vector<16xf32>, vector<16xi32> -> vector<16xf32>
        %parallel_loop3A_272 = arith.addf %parallel_loop3A_227#9, %parallel_loop3A_271 : vector<16xf32>
        %parallel_loop3A_273 = arith.select %eq3A_63, %parallel_loop3A_268, %parallel_loop3A_272 : vector<16xi1>, vector<16xf32>
        %parallel_loop3A_274 = vector.shape_cast %or3A : vector<16xi32> to vector<16x1xi32>
        %parallel_loop3A_275 = vector.shape_cast %parallel_loop3A_274 : vector<16x1xi32> to vector<16xi32>
        %parallel_loop3A_276 = tpu.dynamic_gather %parallel_loop3A_227#10[%parallel_loop3A_275] in [0] : vector<16xf32>, vector<16xi32> -> vector<16xf32>
        %parallel_loop3A_277 = arith.addf %parallel_loop3A_227#10, %parallel_loop3A_276 : vector<16xf32>
        %parallel_loop3A_278 = vector.shape_cast %or3A : vector<16xi32> to vector<16x1xi32>
        %parallel_loop3A_279 = vector.shape_cast %parallel_loop3A_278 : vector<16x1xi32> to vector<16xi32>
        %parallel_loop3A_280 = tpu.dynamic_gather %parallel_loop3A_227#11[%parallel_loop3A_279] in [0] : vector<16xf32>, vector<16xi32> -> vector<16xf32>
        %parallel_loop3A_281 = arith.addf %parallel_loop3A_227#11, %parallel_loop3A_280 : vector<16xf32>
        %parallel_loop3A_282 = arith.select %eq3A_63, %parallel_loop3A_277, %parallel_loop3A_281 : vector<16xi1>, vector<16xf32>
        %parallel_loop3A_283 = vector.shape_cast %or3A : vector<16xi32> to vector<16x1xi32>
        %parallel_loop3A_284 = vector.shape_cast %parallel_loop3A_283 : vector<16x1xi32> to vector<16xi32>
        %parallel_loop3A_285 = tpu.dynamic_gather %parallel_loop3A_227#12[%parallel_loop3A_284] in [0] : vector<16xf32>, vector<16xi32> -> vector<16xf32>
        %parallel_loop3A_286 = arith.addf %parallel_loop3A_227#12, %parallel_loop3A_285 : vector<16xf32>
        %parallel_loop3A_287 = vector.shape_cast %or3A : vector<16xi32> to vector<16x1xi32>
        %parallel_loop3A_288 = vector.shape_cast %parallel_loop3A_287 : vector<16x1xi32> to vector<16xi32>
        %parallel_loop3A_289 = tpu.dynamic_gather %parallel_loop3A_227#13[%parallel_loop3A_288] in [0] : vector<16xf32>, vector<16xi32> -> vector<16xf32>
        %parallel_loop3A_290 = arith.addf %parallel_loop3A_227#13, %parallel_loop3A_289 : vector<16xf32>
        %parallel_loop3A_291 = arith.select %eq3A_63, %parallel_loop3A_286, %parallel_loop3A_290 : vector<16xi1>, vector<16xf32>
        %parallel_loop3A_292 = vector.shape_cast %or3A : vector<16xi32> to vector<16x1xi32>
        %parallel_loop3A_293 = vector.shape_cast %parallel_loop3A_292 : vector<16x1xi32> to vector<16xi32>
        %parallel_loop3A_294 = tpu.dynamic_gather %parallel_loop3A_227#14[%parallel_loop3A_293] in [0] : vector<16xf32>, vector<16xi32> -> vector<16xf32>
        %parallel_loop3A_295 = arith.addf %parallel_loop3A_227#14, %parallel_loop3A_294 : vector<16xf32>
        %parallel_loop3A_296 = vector.shape_cast %or3A : vector<16xi32> to vector<16x1xi32>
        %parallel_loop3A_297 = vector.shape_cast %parallel_loop3A_296 : vector<16x1xi32> to vector<16xi32>
        %parallel_loop3A_298 = tpu.dynamic_gather %parallel_loop3A_227#15[%parallel_loop3A_297] in [0] : vector<16xf32>, vector<16xi32> -> vector<16xf32>
        %parallel_loop3A_299 = arith.addf %parallel_loop3A_227#15, %parallel_loop3A_298 : vector<16xf32>
        %parallel_loop3A_300 = arith.select %eq3A_63, %parallel_loop3A_295, %parallel_loop3A_299 : vector<16xi1>, vector<16xf32>
        %parallel_loop3A_301 = vector.shape_cast %or3A_73 : vector<16xi32> to vector<16x1xi32>
        %parallel_loop3A_302 = vector.shape_cast %parallel_loop3A_301 : vector<16x1xi32> to vector<16xi32>
        %parallel_loop3A_303 = tpu.dynamic_gather %parallel_loop3A_237[%parallel_loop3A_302] in [0] : vector<16xf32>, vector<16xi32> -> vector<16xf32>
        %parallel_loop3A_304 = arith.addf %parallel_loop3A_237, %parallel_loop3A_303 : vector<16xf32>
        %parallel_loop3A_305 = vector.shape_cast %or3A_73 : vector<16xi32> to vector<16x1xi32>
        %parallel_loop3A_306 = vector.shape_cast %parallel_loop3A_305 : vector<16x1xi32> to vector<16xi32>
        %parallel_loop3A_307 = tpu.dynamic_gather %parallel_loop3A_246[%parallel_loop3A_306] in [0] : vector<16xf32>, vector<16xi32> -> vector<16xf32>
        %parallel_loop3A_308 = arith.addf %parallel_loop3A_246, %parallel_loop3A_307 : vector<16xf32>
        %parallel_loop3A_309 = arith.select %eq3A_79, %parallel_loop3A_304, %parallel_loop3A_308 : vector<16xi1>, vector<16xf32>
        %parallel_loop3A_310 = vector.shape_cast %or3A_73 : vector<16xi32> to vector<16x1xi32>
        %parallel_loop3A_311 = vector.shape_cast %parallel_loop3A_310 : vector<16x1xi32> to vector<16xi32>
        %parallel_loop3A_312 = tpu.dynamic_gather %parallel_loop3A_255[%parallel_loop3A_311] in [0] : vector<16xf32>, vector<16xi32> -> vector<16xf32>
        %parallel_loop3A_313 = arith.addf %parallel_loop3A_255, %parallel_loop3A_312 : vector<16xf32>
        %parallel_loop3A_314 = vector.shape_cast %or3A_73 : vector<16xi32> to vector<16x1xi32>
        %parallel_loop3A_315 = vector.shape_cast %parallel_loop3A_314 : vector<16x1xi32> to vector<16xi32>
        %parallel_loop3A_316 = tpu.dynamic_gather %parallel_loop3A_264[%parallel_loop3A_315] in [0] : vector<16xf32>, vector<16xi32> -> vector<16xf32>
        %parallel_loop3A_317 = arith.addf %parallel_loop3A_264, %parallel_loop3A_316 : vector<16xf32>
        %parallel_loop3A_318 = arith.select %eq3A_79, %parallel_loop3A_313, %parallel_loop3A_317 : vector<16xi1>, vector<16xf32>
        %parallel_loop3A_319 = vector.shape_cast %or3A_73 : vector<16xi32> to vector<16x1xi32>
        %parallel_loop3A_320 = vector.shape_cast %parallel_loop3A_319 : vector<16x1xi32> to vector<16xi32>
        %parallel_loop3A_321 = tpu.dynamic_gather %parallel_loop3A_273[%parallel_loop3A_320] in [0] : vector<16xf32>, vector<16xi32> -> vector<16xf32>
        %parallel_loop3A_322 = arith.addf %parallel_loop3A_273, %parallel_loop3A_321 : vector<16xf32>
        %parallel_loop3A_323 = vector.shape_cast %or3A_73 : vector<16xi32> to vector<16x1xi32>
        %parallel_loop3A_324 = vector.shape_cast %parallel_loop3A_323 : vector<16x1xi32> to vector<16xi32>
        %parallel_loop3A_325 = tpu.dynamic_gather %parallel_loop3A_282[%parallel_loop3A_324] in [0] : vector<16xf32>, vector<16xi32> -> vector<16xf32>
        %parallel_loop3A_326 = arith.addf %parallel_loop3A_282, %parallel_loop3A_325 : vector<16xf32>
        %parallel_loop3A_327 = arith.select %eq3A_79, %parallel_loop3A_322, %parallel_loop3A_326 : vector<16xi1>, vector<16xf32>
        %parallel_loop3A_328 = vector.shape_cast %or3A_73 : vector<16xi32> to vector<16x1xi32>
        %parallel_loop3A_329 = vector.shape_cast %parallel_loop3A_328 : vector<16x1xi32> to vector<16xi32>
        %parallel_loop3A_330 = tpu.dynamic_gather %parallel_loop3A_291[%parallel_loop3A_329] in [0] : vector<16xf32>, vector<16xi32> -> vector<16xf32>
        %parallel_loop3A_331 = arith.addf %parallel_loop3A_291, %parallel_loop3A_330 : vector<16xf32>
        %parallel_loop3A_332 = vector.shape_cast %or3A_73 : vector<16xi32> to vector<16x1xi32>
        %parallel_loop3A_333 = vector.shape_cast %parallel_loop3A_332 : vector<16x1xi32> to vector<16xi32>
        %parallel_loop3A_334 = tpu.dynamic_gather %parallel_loop3A_300[%parallel_loop3A_333] in [0] : vector<16xf32>, vector<16xi32> -> vector<16xf32>
        %parallel_loop3A_335 = arith.addf %parallel_loop3A_300, %parallel_loop3A_334 : vector<16xf32>
        %parallel_loop3A_336 = arith.select %eq3A_79, %parallel_loop3A_331, %parallel_loop3A_335 : vector<16xi1>, vector<16xf32>
        %parallel_loop3A_337 = vector.shape_cast %or3A_89 : vector<16xi32> to vector<16x1xi32>
        %parallel_loop3A_338 = vector.shape_cast %parallel_loop3A_337 : vector<16x1xi32> to vector<16xi32>
        %parallel_loop3A_339 = tpu.dynamic_gather %parallel_loop3A_309[%parallel_loop3A_338] in [0] : vector<16xf32>, vector<16xi32> -> vector<16xf32>
        %parallel_loop3A_340 = arith.addf %parallel_loop3A_309, %parallel_loop3A_339 : vector<16xf32>
        %parallel_loop3A_341 = vector.shape_cast %or3A_89 : vector<16xi32> to vector<16x1xi32>
        %parallel_loop3A_342 = vector.shape_cast %parallel_loop3A_341 : vector<16x1xi32> to vector<16xi32>
        %parallel_loop3A_343 = tpu.dynamic_gather %parallel_loop3A_318[%parallel_loop3A_342] in [0] : vector<16xf32>, vector<16xi32> -> vector<16xf32>
        %parallel_loop3A_344 = arith.addf %parallel_loop3A_318, %parallel_loop3A_343 : vector<16xf32>
        %parallel_loop3A_345 = arith.select %eq3A_95, %parallel_loop3A_340, %parallel_loop3A_344 : vector<16xi1>, vector<16xf32>
        %parallel_loop3A_346 = vector.shape_cast %or3A_89 : vector<16xi32> to vector<16x1xi32>
        %parallel_loop3A_347 = vector.shape_cast %parallel_loop3A_346 : vector<16x1xi32> to vector<16xi32>
        %parallel_loop3A_348 = tpu.dynamic_gather %parallel_loop3A_327[%parallel_loop3A_347] in [0] : vector<16xf32>, vector<16xi32> -> vector<16xf32>
        %parallel_loop3A_349 = arith.addf %parallel_loop3A_327, %parallel_loop3A_348 : vector<16xf32>
        %parallel_loop3A_350 = vector.shape_cast %or3A_89 : vector<16xi32> to vector<16x1xi32>
        %parallel_loop3A_351 = vector.shape_cast %parallel_loop3A_350 : vector<16x1xi32> to vector<16xi32>
        %parallel_loop3A_352 = tpu.dynamic_gather %parallel_loop3A_336[%parallel_loop3A_351] in [0] : vector<16xf32>, vector<16xi32> -> vector<16xf32>
        %parallel_loop3A_353 = arith.addf %parallel_loop3A_336, %parallel_loop3A_352 : vector<16xf32>
        %parallel_loop3A_354 = arith.select %eq3A_95, %parallel_loop3A_349, %parallel_loop3A_353 : vector<16xi1>, vector<16xf32>
        %parallel_loop3A_355 = vector.shape_cast %or3A_105 : vector<16xi32> to vector<16x1xi32>
        %parallel_loop3A_356 = vector.shape_cast %parallel_loop3A_355 : vector<16x1xi32> to vector<16xi32>
        %parallel_loop3A_357 = tpu.dynamic_gather %parallel_loop3A_345[%parallel_loop3A_356] in [0] : vector<16xf32>, vector<16xi32> -> vector<16xf32>
        %parallel_loop3A_358 = arith.addf %parallel_loop3A_345, %parallel_loop3A_357 : vector<16xf32>
        %parallel_loop3A_359 = vector.shape_cast %or3A_105 : vector<16xi32> to vector<16x1xi32>
        %parallel_loop3A_360 = vector.shape_cast %parallel_loop3A_359 : vector<16x1xi32> to vector<16xi32>
        %parallel_loop3A_361 = tpu.dynamic_gather %parallel_loop3A_354[%parallel_loop3A_360] in [0] : vector<16xf32>, vector<16xi32> -> vector<16xf32>
        %parallel_loop3A_362 = arith.addf %parallel_loop3A_354, %parallel_loop3A_361 : vector<16xf32>
        %parallel_loop3A_363 = arith.select %eq3A_111, %parallel_loop3A_358, %parallel_loop3A_362 : vector<16xi1>, vector<16xf32>
        %parallel_loop3A_364 = arith.constant 64 : i32
        %parallel_loop3A_365 = arith.muli %add3A_195, %parallel_loop3A_364 : i32
        %parallel_loop3A_366 = arith.addi %parallel_loop3A_365, %parallel_loop3A_220 : i32
        %parallel_loop3A_367 = arith.index_cast %parallel_loop3A_366 : i32 to index
        %parallel_loop3A_368 = tpu.vector_load %arg20[%parallel_loop3A_367] {strides = array<i32>} : memref<512xf32, #tpu.memory_space<vmem>>, vector<16xf32>,
        %parallel_loop3A_369 = vector.shape_cast %parallel_loop3A_368 : vector<16xf32> to vector<16xf32>
        %parallel_loop3A_370 = vector.shape_cast %parallel_loop3A_363 : vector<16xf32> to vector<16xf32>
        tpu.vector_store %arg20[%parallel_loop3A_367], %parallel_loop3A_370 {strides = array<i32>} : memref<512xf32, #tpu.memory_space<vmem>>, vector<16xf32>,
      } {sc.loop_unroll_factor = 1 : i64, sc.parallel_access}
      %add3A_211 = arith.constant 4 : i32
      %add3A_212 = arith.addi %add3A_195, %add3A_211 : i32
      %lt3A_213 = arith.constant 8 : i32
      %lt3A_214 = arith.cmpi slt, %add3A_212, %lt3A_213 : i32
      %convert_element_type3A_215 = arith.extui %lt3A_214 : i1 to i32
      %cond3A_216 = arith.constant 0 : i32
      %cond3A_217 = arith.cmpi ne, %convert_element_type3A_215, %cond3A_216 : i32
      scf.if %cond3A_217 {
        %add3A_218 = arith.constant 4 : i32
        %add3A_219 = arith.addi %add3A_195, %add3A_218 : i32
        %mul3A_220 = arith.constant 64 : i32
        %mul3A_221 = arith.muli %add3A_219, %mul3A_220 : i32
        %dma_start3A_222 = tpu.memref_slice %arg8[%mul3A_221] : memref<512xi32, #tpu.memory_space<vmem>> -> memref<64xi32, #tpu.memory_space<vmem>>
        %dma_start3A_223 = arith.constant 0 : i32
        %dma_start3A_224 = arith.constant 0 : i32
        %dma_start3A_225 = tpu.memref_slice %arg2[%dma_start3A_223, %dma_start3A_224] : memref<14541x128xf32, #tpu.memory_space<hbm>> -> memref<14541x128xf32, #tpu.memory_space<hbm>>
        tpu.enqueue_indirect_dma source(%dma_start3A_225 : memref<14541x128xf32, #tpu.memory_space<hbm>>) target(%arg13 : memref<64x128xf32, #tpu.memory_space<vmem>>) offsets(%dma_start3A_222 : memref<64xi32, #tpu.memory_space<vmem>>) semaphore(%arg24 : memref<!tpu.dma_semaphore, #tpu.memory_space<semaphore_mem>>)
        %mul3A_226 = arith.constant 64 : i32
        %mul3A_227 = arith.muli %add3A_219, %mul3A_226 : i32
        %dma_start3A_228 = tpu.memref_slice %arg9[%mul3A_227] : memref<512xi32, #tpu.memory_space<vmem>> -> memref<64xi32, #tpu.memory_space<vmem>>
        %dma_start3A_229 = arith.constant 0 : i32
        %dma_start3A_230 = arith.constant 0 : i32
        %dma_start3A_231 = tpu.memref_slice %arg2[%dma_start3A_229, %dma_start3A_230] : memref<14541x128xf32, #tpu.memory_space<hbm>> -> memref<14541x128xf32, #tpu.memory_space<hbm>>
        tpu.enqueue_indirect_dma source(%dma_start3A_231 : memref<14541x128xf32, #tpu.memory_space<hbm>>) target(%arg17 : memref<64x128xf32, #tpu.memory_space<vmem>>) offsets(%dma_start3A_228 : memref<64xi32, #tpu.memory_space<vmem>>) semaphore(%arg28 : memref<!tpu.dma_semaphore, #tpu.memory_space<semaphore_mem>>)
      } else {
      }
    }
    %scan3A_116 = arith.constant 2 : i32
    "tpu.region"() ({
      %run_scoped3A = tpu.sem_alloc : memref<!tpu.dma_semaphore, #tpu.memory_space<semaphore_mem>>
      %dma_start3A_117 = tpu.memref_slice %arg7[%mul3A_2] : memref<16384xf32, #tpu.memory_space<hbm>> -> memref<512xf32, #tpu.memory_space<hbm>>
      %dma_start3A_118 = tpu.memref_slice %arg7[%mul3A_2] : memref<16384xf32, #tpu.memory_space<hbm>> -> memref<512xf32, #tpu.memory_space<hbm>>
      tpu.enqueue_dma source(%arg20 : memref<512xf32, #tpu.memory_space<vmem>>) target(%dma_start3A_118 : memref<512xf32, #tpu.memory_space<hbm>>) target_semaphore(%run_scoped3A : memref<!tpu.dma_semaphore, #tpu.memory_space<semaphore_mem>>)
      %dma_wait3A_119 = tpu.memref_slice %arg7[%mul3A_2] : memref<16384xf32, #tpu.memory_space<hbm>> -> memref<512xf32, #tpu.memory_space<hbm>>
      %dma_wait3A_120 = tpu.memref_slice %arg7[%mul3A_2] : memref<16384xf32, #tpu.memory_space<hbm>> -> memref<512xf32, #tpu.memory_space<hbm>>
      tpu.wait_dma2 semaphore(%run_scoped3A : memref<!tpu.dma_semaphore, #tpu.memory_space<semaphore_mem>>) src(%arg20 : memref<512xf32, #tpu.memory_space<vmem>>) dst(%dma_wait3A_120 : memref<512xf32, #tpu.memory_space<hbm>>)
      tpu.yield
    }) : () -> ()
    return
  }
}

</mosaic_0001>

<sc_bundles>
// kernel: _distmult_sc.3.cloned.1.call-start
scs
__scs_entry_jumppad:
0x0: {  	(pc) =	sbr.rel $0x88, $3  }
0x1: {  	(tag) =	ssettag $0x0;
	lr =	simm.s32 $0x1  }
0x2: {  	[smem:$0x3F9C] =	sst lr;
	_ =	strace $0xD0000000  }
0x3: {  	_ = 	snop  }
0x4: {  	_ = 	snop  }
0x5: {  	_ = 	snop  }
0x6: {  	_ = 	snop  }
0x7: {  	_ = 	snop  }
__scs_overlays_trampoline_lowered:
0x8: {  	[smem:$0x3FAB] =	sst s0  }
0x9: {  	[smem:$0x3FAC] =	sst s1  }
0xa: {  	[smem:$0x3FAD] =	sst s2  }
0xb: {  	[smem:$0x3FAE] =	sst s3  }
0xc: {  	[smem:$0x3FAF] =	sst s4  }
0xd: {  	[smem:$0x3FB0] =	sst s5  }
0xe: {  	[smem:$0x3FB1] =	sst s6  }
0xf: {  	[smem:$0x3FB2] =	sst s7  }
0x10: {  	[smem:$0x3FB3] =	sst s8  }
0x11: {  	[smem:$0x3FB4] =	sst s9;
	s0 =	simm.s32 @!p0 $0x0  }
0x12: {  	s1 =	sld [smem:$0x3F9A];
	s0 =	simm.s32 @p0 $0x1  }
0x13: {  	[smem:$0x3FB5] =	sst s0;
	s0 =	simm.s32 @!p1 $0x0  }
0x14: {  	s2 =	sld [smem:$0x3F99];
	s0 =	simm.s32 @p1 $0x1  }
0x15: {  	[smem:$0x3FB6] =	sst s0;
	s0 =	simm.s32 @!p2 $0x0  }
0x16: {  	s3 =	sld [smem:$0x3FDB];
	s0 =	simm.s32 @p2 $0x1  }
0x17: {  	s4 =	simm.s32 $0x1BF5;
	[smem:$0x3FB8] =	sst s0  }
0x18: {  	s0 =	sld [smem:$0x3F9B];
	_ =	swait.ge [sflag:s4], $0x0  }
0x19: {  	s7 =	sld [smem:$0x3F9C]  }
0x1a: {  	s8 =	sadd.s32 $0xFFFFE003, lr  }
0x1b: {  	s9 =	sadd.s32 $0xFFFFFEF7, lr;
	s5 =	simm.s32 $0xFFFFFFFF;
	p2 =	slt.u32 s8, $0xFFFFF086  }
0x1c: {  	p1 =	slt.u32 s9, $0xF7A;
	s5 =	simm.s32 @!p2 $0x0  }
0x1d: {  	s5 =	simm.s32 @p1 $0x1;
	p0 =	seq.s32 s7, s2  }
0x1e: {  	s7 =	smul.u32 @!p0 $0xF7A, s2;
	p2 =	seq.s32 @!p0 s5, $0x0  }
0x1f: {  	s9 =	smul.u32 $0xF7A, s1;
	s8 =	simm.s32 @!p0 $0x1BF5;
	p2 =	por !p2, p0  }
0x20: {  	[sflag:s8] =	ssyncset.s32 @!p0 $0xFFFFF086;
	s6 =	sadd.s32 @!p0 s3, s7;
	s7 =	simm.s32 @!p0 $0x108  }
0x21: {  	s3 =	sadd.s32 s3, s9;
	s6 =	sadd.s32 @!p0 $0x88, s6;
	s7 =	simm.s32 @p2 $0x1082  }
0x22: {  	[simem:s7], [sflag:s8] =	dma.local @!p0 [hbm:s6], $0xF7A  }
0x23: {  	s9 =	sor.u32 $0xD0000000, s2;
	s6 =	simm.s32 $0x108;
	_ =	swait.ge @!p0 [sflag:s8], $0x0  }
0x24: {  	s3 =	sadd.s32 $0x88, s3;
	s6 =	simm.s32 @!p1 $0x1082;
	[sflag:s4] =	ssyncset.s32 $0xFFFFF086  }
0x25: {  	[simem:s6], [sflag:s4] =	dma.local [hbm:s3], $0xF7A  }
0x26: {  	[smem:$0x3F9C] =	sst s1;
	(tag) =	ssettag s2;
	_ =	strace s9  }
0x27: {  	s1 =	sld [smem:$0x3FAC]  }
0x28: {  	s2 =	sld [smem:$0x3FAD]  }
0x29: {  	s4 =	sld [smem:$0x3FAF]  }
0x2a: {  	p0 =	seq.s32 s5, $0x0;
	s5 =	sld [smem:$0x3FB0]  }
0x2b: {  	s6 =	sld [smem:$0x3FB1]  }
0x2c: {  	s7 =	sld [smem:$0x3FB2]  }
0x2d: {  	s3 =	simm.s32 $0x108;
	s8 =	sld [smem:$0x3FB3]  }
0x2e: {  	s3 =	simm.s32 @!p0 $0x1082;
	s9 =	sld [smem:$0x3FB4]  }
0x2f: {  	lr =	sadd.s32 s0, s3;
	s0 =	sld [smem:$0x3FAB]  }
0x30: {  	s3 =	sld [smem:$0x3FAE]  }
0x31: {  	[smem:$0x3FB7] =	sst s10  }
0x32: {  	s10 =	sld [smem:$0x3FB5];
	_ =	sdelay $0x3  }
0x33: {  	p0 =	seq.s32 s10, $0x1;
	s10 =	sld [smem:$0x3FB7];
	_ =	sdelay $0x3  }
0x34: {  	[smem:$0x3FB7] =	sst s10  }
0x35: {  	s10 =	sld [smem:$0x3FB6];
	_ =	sdelay $0x3  }
0x36: {  	p1 =	seq.s32 s10, $0x1;
	s10 =	sld [smem:$0x3FB7];
	_ =	sdelay $0x3  }
0x37: {  	[smem:$0x3FB7] =	sst s10  }
0x38: {  	s10 =	sld [smem:$0x3FB8]  }
0x39: {  	_ = 	snop;
	(pc) =	sbr.ind lr, $3  }
0x3a: {  	_ = 	snop  }
0x3b: {  	_ = 	snop  }
0x3c: {  	p2 =	seq.s32 s10, $0x1;
	s10 =	sld [smem:$0x3FB7]  }
0x3d: {  	_ =	shalt  }
0x3e: {  	_ =	shalt  }
0x3f: {  	_ =	shalt  }
0x40: {  	_ =	shalt  }
0x41: {  	_ =	shalt  }
0x42: {  	_ =	shalt  }
0x43: {  	_ =	shalt  }
0x44: {  	_ =	shalt  }
0x45: {  	_ =	shalt  }
0x46: {  	_ =	shalt  }
0x47: {  	_ =	shalt  }
0x48: {  	_ =	shalt  }
0x49: {  	_ =	shalt  }
0x4a: {  	_ =	shalt  }
0x4b: {  	_ =	shalt  }
0x4c: {  	_ =	shalt  }
0x4d: {  	_ =	shalt  }
0x4e: {  	_ =	shalt  }
0x4f: {  	_ =	shalt  }
0x50: {  	_ =	shalt  }
0x51: {  	_ =	shalt  }
0x52: {  	_ =	shalt  }
0x53: {  	_ =	shalt  }
0x54: {  	_ =	shalt  }
0x55: {  	_ =	shalt  }
0x56: {  	_ =	shalt  }
0x57: {  	_ =	shalt  }
0x58: {  	_ =	shalt  }
0x59: {  	_ =	shalt  }
0x5a: {  	_ =	shalt  }
0x5b: {  	_ =	shalt  }
0x5c: {  	_ =	shalt  }
0x5d: {  	_ =	shalt  }
0x5e: {  	_ =	shalt  }
0x5f: {  	_ =	shalt  }
0x60: {  	_ =	shalt  }
0x61: {  	_ =	shalt  }
0x62: {  	_ =	shalt  }
0x63: {  	_ =	shalt  }
0x64: {  	_ =	shalt  }
0x65: {  	_ =	shalt  }
0x66: {  	_ =	shalt  }
0x67: {  	_ =	shalt  }
0x68: {  	_ =	shalt  }
0x69: {  	_ =	shalt  }
0x6a: {  	_ =	shalt  }
0x6b: {  	_ =	shalt  }
0x6c: {  	_ =	shalt  }
0x6d: {  	_ =	shalt  }
0x6e: {  	_ =	shalt  }
0x6f: {  	_ =	shalt  }
0x70: {  	_ =	shalt  }
0x71: {  	_ =	shalt  }
0x72: {  	_ =	shalt  }
0x73: {  	_ =	shalt  }
0x74: {  	_ =	shalt  }
0x75: {  	_ =	shalt  }
0x76: {  	_ =	shalt  }
0x77: {  	_ =	shalt  }
0x78: {  	_ =	shalt  }
0x79: {  	_ =	shalt  }
0x7a: {  	_ =	shalt  }
0x7b: {  	_ =	shalt  }
0x7c: {  	_ =	shalt  }
0x7d: {  	_ =	shalt  }
0x7e: {  	_ =	shalt  }
0x7f: {  	_ =	shalt  }
0x80: {  	_ =	shalt  }
0x81: {  	_ =	shalt  }
0x82: {  	_ =	shalt  }
0x83: {  	_ =	shalt  }
0x84: {  	_ =	shalt  }
0x85: {  	_ =	shalt  }
0x86: {  	_ =	shalt  }
0x87: {  	_ =	shalt  }
.Lfunc_end0:
.L_simem_size_0:
called_computation_lowered:
.L_overlay_start_0:
0x88: {  	s2 =	sld [smem:$0x3FD9]  }
0x89: {  	s3 =	sld [smem:$0x3FFE];
	_ =	sdelay $0x1  }
0x8a: {  	s1 =	srdreg.scid  }
0x8b: {  	s0 =	sand.u32 $0x1, s1  }
0x8c: {  	s18 =	sshll.u32 s0, $0xA;
	s2 =	sadd.s32 s3, s2  }
0x8d: {  	s2 =	sadd.s32 s2, s18  }
0x8e: {  	[smem:$0x3FC3] =	sst s2  }
0x8f: {  	_ = 	snop  }
0x90: {  	s2 =	sld [smem:$0x3FC9]  }
0x91: {  	s19 =	sld [smem:$0x3FC8]  }
0x92: {  	s4 =	sld [smem:$0x3FC7]  }
0x93: {  	s5 =	sld [smem:$0x3FC6]  }
0x94: {  	s6 =	sld [smem:$0x3FC5]  }
0x95: {  	s7 =	sld [smem:$0x3FD0];
	(tm) =	ssettm $0x1  }
0x96: {  	s8 =	sld [smem:$0x3FFB];
	_ =	sdelay $0x3  }
0x97: {  	_ =	strace s8  }
0x98: {  	s8 =	sld [smem:$0x3FFC];
	_ =	sdelay $0x3  }
0x99: {  	_ =	strace s8  }
0x9a: {  	s8 =	sld [smem:$0x3FFD];
	_ =	sdelay $0x3  }
0x9b: {  	_ =	strace s8  }
0x9c: {  	_ =	strace $0x8FFFFFFF  }
0x9d: {  	s20 =	sld [smem:$0x3FDB];
	_ =	sdelay $0x1  }
0x9e: {  	s9 =	simm.s32 $_scs_section_size  }
0x9f: {  	s10 =	simm.s32 $_size__tile_overlayer_lowered;
	s11 =	simm.s32 $_tile_overlayer_lowered  }
0xa0: {  	s23 =	simm.s32 $0x1BFF;
	s22 =	sshll.u32 s11, $0x1;
	s8 =	sadd.s32 s9, s20  }
0xa1: {  	s12 =	simm.s32 $0x0;
	s21 =	sshll.u32 s10, $0x1;
	s10 =	sadd.s32 s22, s8  }
0xa2: {  	[timem:s12], [sflag:s23] =	dma.local [hbm:s10], s21  }
0xa3: {  	_ =	swait.ge [sflag:s23], s21  }
0xa4: {  	s9 =	ssub.s32 $0x0, s21;
	[sflag:s23] =	ssyncset.done $0x0  }
0xa5: {  	[sflag:s23] =	ssyncadd.s32 s9;
	_ =	sdelay $0x1  }
0xa6: {  	s24 =	simm.s32 $0x1B8B  }
0xa7: {  	_ =	swait.ge [sflag:s24], $0x1  }
0xa8: {  	[sflag:s24] =	ssyncset.done $0x0  }
0xa9: {  	s25 =	simm.s32 $0x1B8E;
	[sflag:s24] =	ssyncadd.s32 $0xFFFFFFFF  }
0xaa: {  	s26 =	simm.s32 $execute0_lowered;
	[smem:$0x3FD2] =	sst s25  }
0xab: {  	s9 =	sshll.u32 s26, $0x1;
	_ =	strace $0x80000046;
	[dreg:$0x1] =	wrdreg $0xFFFFFFFF  }
0xac: {  	s28 =	simm.s32 $_size_execute0_lowered;
	s8 =	sadd.s32 s8, s9;
	[dreg:$0x0] =	wrdreg $0x0  }
0xad: {  	s9 =	sshll.u32 s28, $0x1;
	[dreg:$0x2] =	wrdreg s8  }
0xae: {  	[dreg:$0x3] =	wrdreg s9  }
0xaf: {  	[dreg:$0x4] =	wrdreg $0xC0  }
0xb0: {  	_ =	task [dreg:s12], $0x5FFFF  }
0xb1: {  	[dreg:$0x1] =	wrdreg $0xFFFFFFFF  }
0xb2: {  	[dreg:$0x0] =	wrdreg $0x60  }
0xb3: {  	[dreg:$0x2] =	wrdreg s2  }
0xb4: {  	[dreg:$0x3] =	wrdreg s19  }
0xb5: {  	[dreg:$0x4] =	wrdreg s4  }
0xb6: {  	[dreg:$0x5] =	wrdreg s5  }
0xb7: {  	[dreg:$0x6] =	wrdreg s6  }
0xb8: {  	[dreg:$0x7] =	wrdreg s7  }
0xb9: {  	[dreg:$0x8] =	wrdreg $0x9  }
0xba: {  	_ =	task.clear_ibuf [dreg:s12], $0x9FFFF;
	_ =	strace $0x90000046  }
0xbb: {  	s29 =	simm.s32 $0x9;
	_ =	strace $0x80000048  }
0xbc: {  	_ =	swait.ge [sflag:s29], $0x1  }
0xbd: {  	[sflag:s29] =	ssyncadd.s32 $0xFFFFFFFF  }
0xbe: {  	_ =	strace $0x90000048  }
0xbf: {  	_ =	sfence  }
0xc0: {  	s30 =	sld [smem:$0x0];
	_ =	sdelay $0x2  }
0xc1: {  	s31 =	sshll.u32 s1, $0xD;
	s1 =	sshrl.u32 s1, $0x2  }
0xc2: {  	s3 =	sand.u32 $0x4000, s31;
	s1 =	sadd.s32 s1, s30  }
0xc3: {  	s0 =	sor.u32 s3, s0;
	s1 =	sshll.u32 s1, $0x11  }
0xc4: {  	s0 =	sor.u32 s1, s0  }
0xc5: {  	s0 =	sadd.s32 $0x8F2B, s0  }
0xc6: {  	[sflag:s0] =	ssyncadd.remote.s32 $0x1  }
0xc7: {  	_ =	sfence.sel $0xFFFF  }
0xc8: {  	[dreg:$0x0] =	wrdreg $0xFFFFFFFF;
	(pc) =	sbr.abs _section_cstart, $3  }
0xc9: {  	[dreg:$0x1] =	wrdreg $0xFFFFFFFF  }
0xca: {  	_ =	task.clear_ibuf [dreg:s12], $0x2FFFF;
	_ =	strace $0x9FFFFFFF  }
0xcb: {  	(tm) =	ssettm $0x7FFFFFFF  }
tec
execute0_lowered:
.L_overlay_start_1:
0x0: {  	(tag) =	ssettag $0x1  }
0x1: {  	v0 =	vimm.s32 $0x76543210;
	v1 =	vimm.s32 $0xFEDCBA98;
	v2 =	vimm.s32 $0xBA98FEDC  }
0x2: {  	v3 =	vimm.s32 $0x32107654;
	v4 =	vimm.s32 $0xDCFE98BA;
	v5 =	vimm.s32 $0x54761032  }
0x3: {  	vm0 =	vcmask $0x2F20;
	vm1 =	vcmask $0xF00;
	vm2 =	vcmask $0x1710  }
0x4: {  	vm3 =	vcmask $0x700;
	vm4 =	vcmask $0x300;
	v1 =	vunpack.c.l.s4.s8 v1  }
0x5: {  	s0 =	rddreg [dreg:$0x0];
	v0 =	vunpack.c.l.s4.s8 v0;
	v2 =	vunpack.c.l.s4.s8 v2;
	v3 =	vunpack.c.l.s4.s8 v3  }
0x6: {  	s1 =	rddreg [dreg:$0x1];
	v4 =	vunpack.c.l.s4.s8 v4;
	vm0 =	vmor vm1, vm0;
	v1 =	vunpack.c.0.s8.s32 v1  }
0x7: {  	s2 =	rddreg [dreg:$0x2];
	v0 =	vunpack.c.0.s8.s32 v0;
	v2 =	vunpack.c.0.s8.s32 v2;
	v3 =	vunpack.c.0.s8.s32 v3  }
0x8: {  	s3 =	rddreg [dreg:$0x5];
	vm1 =	vmor vm3, vm2;
	vm3 =	vcmask $0xB08;
	v1 =	vand.u32 $0xF, v1  }
0x9: {  	s4 =	srdreg.scid;
	s5 =	simm.s32 $0x0;
	s7 =	stileid.u32;
	v0 =	vcombine.low v1, v0;
	v1 =	vcombine.low v3, v2;
	v2 =	vunpack.c.l.s4.s8 v5  }
0xa: {  	s10 =	simm.s32 $0x200;
	s12 =	simm.s32 $0x1;
	s13 =	simm.s32 $0x5;
	vm2 =	vcmask $0x2720;
	vm3 =	vmor vm4, vm3  }
0xb: {  	s14 =	simm.s32 $0x2;
	s15 =	simm.s32 $0x40;
	s26 =	simm.s32 $0x6400;
	vm4 =	vcmask $0x1310;
	v3 =	vunpack.c.0.s8.s32 v4;
	v2 =	vunpack.c.0.s8.s32 v2  }
0xc: {  	s28 =	simm.s32 $0x2C0;
	s29 =	simm.s32 $0xE400;
	s30 =	simm.s32 $0x10400;
	vm1 =	vmor vm1, vm2;
	vm2 =	vcmask $0x3730;
	vm3 =	vmor vm3, vm4  }
0xd: {  	s31 =	simm.s32 $0x9;
	s11 =	simm.s32 $0x8;
	s16 =	simm.s32 $0x1C0;
	v4 =	vimm.s32 $0x67452301;
	v2 =	vcombine.low v2, v3;
	v3 =	vimm.s32 $0xEFCDAB89  }
0xe: {  	s17 =	simm.s32 $0x3C0;
	s18 =	simm.s32 $0x10500;
	s19 =	simm.s32 $0x0;
	vm4 =	vcmask $0x1B18;
	v4 =	vunpack.c.l.s4.s8 v4;
	v3 =	vunpack.c.l.s4.s8 v3  }
0xf: {  	s4 =	sand.u32 $0x1, s4;
	s7 =	sshll.u32 s7, $0x6;
	[smem:$0x7FF] =	sst s5;
	vm1 =	vmor vm1, vm2;
	vm2 =	vmor vm3, vm4  }
.Ltmp0:
0x10: {  	s6 =	ssub.s32 $0x2, s4;
	s4 =	sshll.u32 s4, $0xA;
	vm3 =	vcmask $0x2320;
	v4 =	vunpack.c.0.s8.s32 v4;
	v3 =	vunpack.c.0.s8.s32 v3;
	(pc) =	sbr.rel .LBB2_1-.Ltmp0, $4  }
0x11: {  	_ =	strace $0x80000047;
	s8 =	sshrl.u32 s6, $0x1;
	s4 =	sor.u32 s7, s4;
	vm4 =	vcmask $0x2B28;
	vm3 =	vmor vm2, vm3;
	vm2 =	vmmov $0xff  }
0x12: {  	s9 =	ssub.s32 s6, s8;
	s6 =	sadd.s32 s1, s4;
	s7 =	sadd.s32 s2, s4;
	vm3 =	vmor vm3, vm4;
	vm4 =	vcmask $0x3330;
	v3 =	vcombine.low v4, v3  }
0x13: {  	s8 =	sadd.s32 s3, s4;
	s2 =	simm.s32 $0x6;
	s4 =	simm.s32 $0x3;
	vm3 =	vmor vm3, vm4;
	vm4 =	vcmask $0x3B38;
	v1 =	vand.u32 $0xF, v1  }
0x14: {  	s1 =	simm.s32 $0x7;
	s3 =	simm.s32 $0x4;
	s9 =	smax.u32 s9, $0x1;
	vm3 =	vmor vm3, vm4;
	v2 =	vand.u32 $0xF, v2;
	v3 =	vand.u32 $0xF, v3  }
.LBB2_20:
0x15: {  	s19 =	sadd.s32 $0x1, s19  }
0x16: {  	p0 =	sne.s32 s19, s9  }
.Ltmp1:
0x17: {  	_ = 	snop;
	(pc) =	sbr.rel @!p0 .LBB2_21-.Ltmp1, $4  }
0x18: {  	[hbm4b:s8+s5] =	stream.linear.scatter [tilespmem:s18], [sflag:$0x9], $0x200, $0x38;
	[tilespmem:$0x10700] =	vst v63  }
0x19: {  	_ =	swait.ge [sflag:s31], $0x200  }
0x1a: {  	[sflag:s31] =	ssyncset.done $0x0  }
0x1b: {  	[sflag:s31] =	ssyncadd.s32 $0xFFFFFE00  }
.LBB2_1:
0x1c: {  	[tilespmem:s5], [sflag:$0x1] =	stream.linear.gather [hbm4b:s6+s5], $0x200, $0x38;
	[tilespmem:$0x10700] =	vst v63  }
0x1d: {  	_ = 	snop  }
0x1e: {  	[tilespmem:s10], [sflag:$0x5] =	stream.linear.gather [hbm4b:s7+s5], $0x200, $0x38;
	[tilespmem:$0x10700] =	vst v63  }
0x1f: {  	s20 =	rddreg [dreg:$0x4];
	s21 =	simm.s32 $0x10480  }
0x20: {  	[tilespmem:s21], [sflag:$0x2] =	stream.linear.gather [hbm4b:s20+s5], $0x80, $0x38;
	[tilespmem:$0x10700] =	vst v63  }
0x21: {  	_ =	swait.ge [sflag:s12], $0x200  }
0x22: {  	[sflag:s12] =	ssyncset.done $0x0  }
0x23: {  	[sflag:s12] =	ssyncadd.s32 $0xFFFFFE00  }
0x24: {  	_ =	swait.ge [sflag:s13], $0x200  }
0x25: {  	[sflag:s13] =	ssyncset.done $0x0  }
0x26: {  	[sflag:s13] =	ssyncadd.s32 $0xFFFFFE00  }
0x27: {  	_ =	swait.ge [sflag:s14], $0x80  }
0x28: {  	[sflag:s14] =	ssyncset.done $0x0  }
0x29: {  	s24 =	simm.s32 $0x400;
	[sflag:s14] =	ssyncadd.s32 $0xFFFFFF80  }
0x2a: {  	[tilespmem:s24], [sflag:$0x1] =	stream.indirect.gather [hbm4b:s0+s15], $0x80, s5, s15, $0xb8;
	[tilespmem:$0x10700] =	vst v63  }
0x2b: {  	s25 =	simm.s32 $0x8400  }
0x2c: {  	[tilespmem:s25], [sflag:$0x5] =	stream.indirect.gather [hbm4b:s0+s15], $0x80, s10, s15, $0xb8;
	[tilespmem:$0x10700] =	vst v63  }
0x2d: {  	s21 =	simm.s32 $0x2400  }
0x2e: {  	[tilespmem:s21], [sflag:$0x2] =	stream.indirect.gather [hbm4b:s0+s15], $0x80, s15, s15, $0xb8;
	[tilespmem:$0x10700] =	vst v63  }
0x2f: {  	s22 =	simm.s32 $0x240;
	s23 =	simm.s32 $0xA400  }
0x30: {  	[tilespmem:s23], [sflag:$0x6] =	stream.indirect.gather [hbm4b:s0+s15], $0x80, s22, s15, $0xb8;
	[tilespmem:$0x10700] =	vst v63  }
0x31: {  	s24 =	simm.s32 $0x80;
	s25 =	simm.s32 $0x4400  }
0x32: {  	[tilespmem:s25], [sflag:$0x3] =	stream.indirect.gather [hbm4b:s0+s15], $0x80, s24, s15, $0xb8;
	[tilespmem:$0x10700] =	vst v63  }
0x33: {  	s21 =	simm.s32 $0x280;
	s22 =	simm.s32 $0xC400  }
0x34: {  	[tilespmem:s22], [sflag:$0x7] =	stream.indirect.gather [hbm4b:s0+s15], $0x80, s21, s15, $0xb8;
	[tilespmem:$0x10700] =	vst v63  }
0x35: {  	s23 =	simm.s32 $0xC0  }
0x36: {  	[tilespmem:s26], [sflag:$0x4] =	stream.indirect.gather [hbm4b:s0+s15], $0x80, s23, s15, $0xb8;
	[tilespmem:$0x10700] =	vst v63  }
0x37: {  	_ = 	snop  }
0x38: {  	[tilespmem:s29], [sflag:$0x8] =	stream.indirect.gather [hbm4b:s0+s15], $0x80, s28, s15, $0xb8;
	[tilespmem:$0x10700] =	vst v63  }
0x39: {  	v4 =	vld [tilespmem:$0x10480];
	_ =	sdelay $0x4  }
0x3a: {  	(v2sf) =	vpush v4, $0x0;
	_ =	sdelay $0xe  }
0x3b: {  	s24 =	spop (v2sf)  }
0x3c: {  	s20 =	sshll.u32 s24, $0x4  }
0x3d: {  	s25 =	rddreg [dreg:$0x3];
	s20 =	sand.u32 $0x1FFFFFF0, s20  }
0x3e: {  	s20 =	sadd.s32 s25, s20  }
0x3f: {  	[tilespmem:s30], [sflag:$0x9] =	stream.linear.gather [hbm4b:s20+s5], $0x80, $0x38;
	[tilespmem:$0x10700] =	vst v63  }
0x40: {  	_ =	swait.ge [sflag:s31], $0x80  }
0x41: {  	[sflag:s31] =	ssyncset.done $0x0  }
0x42: {  	p0 =	por $0x1, $0x1;
	s20 =	simm.s32 $0x0;
	[sflag:s31] =	ssyncadd.s32 $0xFFFFFF80  }
.LBB2_2:
0x43: {  	_ =	swait.ge [sflag:s12], $0x2000  }
0x44: {  	[sflag:s12] =	ssyncset.done $0x0  }
0x45: {  	[sflag:s12] =	ssyncadd.s32 $0xFFFFE000  }
0x46: {  	s20 =	sshra.s32 s20, $0x2;
	_ =	swait.ge [sflag:s13], $0x2000  }
0x47: {  	s21 =	simm.s32 $0x0;
	s24 =	sadd.s32 $0x10500, s20;
	[sflag:s13] =	ssyncset.done $0x0  }
0x48: {  	s22 =	simm.s32 $0x800;
	s23 =	simm.s32 $0x8800;
	v4 =	vmov s24;
	[sflag:s13] =	ssyncadd.s32 $0xFFFFE000  }
.LBB2_3:
0x49: {  	v6 =	vmov s22  }
0x4a: {  	v5 =	vmov s23;
	_ =	sdelay $0x1  }
0x4b: {  	s25 =	simm.s32 $0x0  }
0x4c: {  	v7 =	vld [tilespmem:s25+$0x10400]  }
0x4d: {  	v8 =	vld.idx.msk [tilespmem:v6+s25+$0x380 ss:$0x1], $0xffff  }
0x4e: {  	v9 =	vld.idx.msk [tilespmem:v5+s25+$0x380 ss:$0x1], $0xffff  }
0x4f: {  	v10 =	vld.idx.msk [tilespmem:v6+s25+$0xFFFFFC00 ss:$0x1], $0xffff  }
0x50: {  	v11 =	vld.idx.msk [tilespmem:v5+s25+$0xFFFFFC00 ss:$0x1], $0xffff  }
0x51: {  	v12 =	vld.idx.msk [tilespmem:v6+s25+$0x0 ss:$0x1], $0xffff  }
0x52: {  	v13 =	vld.idx.msk [tilespmem:v5+s25+$0x0 ss:$0x1], $0xffff  }
0x53: {  	v14 =	vld.idx.msk [tilespmem:v6+s25+$0xFFFFFE00 ss:$0x1], $0xffff  }
0x54: {  	v15 =	vld.idx.msk [tilespmem:v5+s25+$0xFFFFFE00 ss:$0x1], $0xffff  }
0x55: {  	v16 =	vld.idx.msk [tilespmem:v6+s25+$0x200 ss:$0x1], $0xffff  }
0x56: {  	v17 =	vld.idx.msk [tilespmem:v5+s25+$0x200 ss:$0x1], $0xffff  }
0x57: {  	v18 =	vld.idx.msk [tilespmem:v6+s25+$0xFFFFFD00 ss:$0x1], $0xffff  }
0x58: {  	v20 =	vld.idx.msk [tilespmem:v5+s25+$0xFFFFFD00 ss:$0x1], $0xffff  }
0x59: {  	v21 =	vld.idx.msk [tilespmem:v6+s25+$0x100 ss:$0x1], $0xffff  }
0x5a: {  	v22 =	vld.idx.msk [tilespmem:v5+s25+$0x100 ss:$0x1], $0xffff  }
0x5b: {  	v23 =	vld.idx.msk [tilespmem:v6+s25+$0xFFFFFF00 ss:$0x1], $0xffff  }
0x5c: {  	v24 =	vld.idx.msk [tilespmem:v5+s25+$0xFFFFFF00 ss:$0x1], $0xffff  }
0x5d: {  	v25 =	vld.idx.msk [tilespmem:v6+s25+$0x300 ss:$0x1], $0xffff  }
0x5e: {  	v26 =	vld.idx.msk [tilespmem:v5+s25+$0x300 ss:$0x1], $0xffff  }
0x5f: {  	v27 =	vld.idx.msk [tilespmem:v6+s25+$0xFFFFFC80 ss:$0x1], $0xffff;
	v8 =	vmul.f32 v9, v8  }
0x60: {  	v28 =	vld.idx.msk [tilespmem:v5+s25+$0xFFFFFC80 ss:$0x1], $0xffff;
	v9 =	vmul.f32 v11, v10;
	v10 =	vmul.f32 v13, v12  }
0x61: {  	v29 =	vld.idx.msk [tilespmem:v6+s25+$0x80 ss:$0x1], $0xffff;
	v13 =	vmul.f32 v15, v14;
	v14 =	vmul.f32 v17, v16  }
0x62: {  	v15 =	vld.idx.msk [tilespmem:v5+s25+$0x80 ss:$0x1], $0xffff;
	v16 =	vmul.f32 v22, v21;
	v17 =	vmul.f32 v24, v23  }
0x63: {  	v22 =	vld.idx.msk [tilespmem:v6+s25+$0x280 ss:$0x1], $0xffff;
	v8 =	vmul.f32 v8, v7;
	v11 =	vmul.f32 v9, v7  }
0x64: {  	v23 =	vld.idx.msk [tilespmem:v5+s25+$0x280 ss:$0x1], $0xffff;
	v12 =	vmul.f32 v10, v7;
	v13 =	vmul.f32 v13, v7  }
0x65: {  	v19 =	vimm.f32 $0.0e+00;
	v21 =	vld.idx.msk [tilespmem:v5+s25+$0xFFFFFE80 ss:$0x1], $0xffff;
	v14 =	vmul.f32 v14, v7;
	v16 =	vmul.f32 v16, v7  }
0x66: {  	v9 =	vadd.f32 v8, v19;
	v8 =	vmul.f32 v20, v18;
	v20 =	vld.idx.msk [tilespmem:v6+s25+$0xFFFFFE80 ss:$0x1], $0xffff;
	v10 =	vadd.f32 v11, v19  }
0x67: {  	v11 =	vadd.f32 v12, v19;
	v12 =	vadd.f32 v13, v19;
	v18 =	vmul.f32 v26, v25  }
0x68: {  	v30 =	vld.idx.msk [tilespmem:v5+s25+$0xFFFFFF80 ss:$0x1], $0xffff;
	v13 =	vadd.f32 v14, v19;
	v25 =	vmul.f32 v28, v27;
	v15 =	vmul.f32 v15, v29  }
0x69: {  	v24 =	vld.idx.msk [tilespmem:v6+s25+$0xFFFFFD80 ss:$0x1], $0xffff;
	v32 =	vmul.f32 v23, v22;
	v23 =	vimm.f32 $0.0e+00;
	v8 =	vmul.f32 v8, v7  }
0x6a: {  	v27 =	vld.idx.msk [tilespmem:v5+s25+$0xFFFFFD80 ss:$0x1], $0xffff;
	v22 =	vimm.f32 $0.0e+00;
	v26 =	vmul.f32 v18, v7;
	v29 =	vmul.f32 v15, v7  }
0x6b: {  	v28 =	vld.idx.msk [tilespmem:v5+s25+$0x180 ss:$0x1], $0xffff;
	v14 =	vadd.f32 v8, v19;
	v8 =	vmul.f32 v17, v7;
	v20 =	vmul.f32 v21, v20  }
0x6c: {  	v17 =	vadd.f32 v16, v19;
	v16 =	vmul.f32 v25, v7;
	v25 =	vld.idx.msk [tilespmem:v6+s25+$0x180 ss:$0x1], $0xffff;
	v15 =	vadd.f32 v26, v19  }
0x6d: {  	s24 =	simm.s32 $0x10;
	v26 =	vld.idx.msk [tilespmem:v6+s25+$0xFFFFFF80 ss:$0x1], $0xffff;
	v21 =	vimm.f32 $0.0e+00;
	v18 =	vadd.f32 v8, v19;
	v31 =	vmul.f32 v20, v7  }
0x6e: {  	s25 =	simm.s32 $0x80;
	v16 =	vadd.f32 v16, v19;
	v8 =	vadd.f32 v29, v19;
	v29 =	vld.idx.msk [tilespmem:v6+s24+$0x380 ss:$0x1], $0xffff;
	v20 =	vimm.f32 $0.0e+00  }
.LBB2_4:
0x6f: {  	p1 =	sne.s32 s25, $0x1C0;
	v33 =	vld.idx.msk [tilespmem:v5+s24+$0x380 ss:$0x1], $0xffff;
	v19 =	vadd.f32 v31, v19;
	v31 =	vmul.f32 v32, v7;
	v24 =	vmul.f32 v27, v24  }
0x70: {  	v27 =	vld.idx.msk [tilespmem:v6+s24+$0xFFFFFC00 ss:$0x1], $0xffff  }
0x71: {  	v25 =	vmul.f32 v28, v25;
	v32 =	vld.idx.msk [tilespmem:v5+s24+$0xFFFFFC00 ss:$0x1], $0xffff;
	v23 =	vadd.f32 v31, v23;
	v24 =	vmul.f32 v24, v7  }
0x72: {  	v28 =	vld [tilespmem:s24+$0x10400]  }
0x73: {  	v31 =	vld.idx.msk [tilespmem:v6+s24+$0x0 ss:$0x1], $0xffff;
	v22 =	vadd.f32 v24, v22;
	v24 =	vmul.f32 v25, v7;
	v25 =	vmul.f32 v30, v26  }
0x74: {  	v26 =	vld.idx.msk [tilespmem:v5+s24+$0x0 ss:$0x1], $0xffff  }
0x75: {  	v29 =	vmul.f32 v33, v29;
	v30 =	vld.idx.msk [tilespmem:v6+s24+$0xFFFFFE00 ss:$0x1], $0xffff;
	v21 =	vadd.f32 v24, v21;
	v33 =	vmul.f32 v25, v7  }
0x76: {  	v24 =	vld.idx.msk [tilespmem:v5+s24+$0xFFFFFE00 ss:$0x1], $0xffff  }
0x77: {  	v25 =	vmul.f32 v32, v27;
	v27 =	vld.idx.msk [tilespmem:v6+s24+$0x200 ss:$0x1], $0xffff;
	v29 =	vmul.f32 v29, v28;
	v20 =	vadd.f32 v33, v20  }
0x78: {  	v7 =	vmov v28;
	v32 =	vld.idx.msk [tilespmem:v5+s24+$0x200 ss:$0x1], $0xffff  }
0x79: {  	v25 =	vmul.f32 v25, v7;
	v28 =	vld.idx.msk [tilespmem:v6+s24+$0xFFFFFD00 ss:$0x1], $0xffff;
	v9 =	vadd.f32 v29, v9  }
0x7a: {  	v26 =	vmul.f32 v26, v31;
	v29 =	vld.idx.msk [tilespmem:v5+s24+$0xFFFFFD00 ss:$0x1], $0xffff  }
0x7b: {  	v10 =	vadd.f32 v25, v10;
	v25 =	vld.idx.msk [tilespmem:v6+s24+$0x100 ss:$0x1], $0xffff  }
0x7c: {  	v26 =	vmul.f32 v26, v7;
	v24 =	vmul.f32 v24, v30;
	v30 =	vld.idx.msk [tilespmem:v5+s24+$0x100 ss:$0x1], $0xffff  }
0x7d: {  	v31 =	vld.idx.msk [tilespmem:v6+s24+$0xFFFFFF00 ss:$0x1], $0xffff  }
0x7e: {  	v11 =	vadd.f32 v26, v11;
	v24 =	vmul.f32 v24, v7;
	v26 =	vmul.f32 v32, v27;
	v27 =	vld.idx.msk [tilespmem:v5+s24+$0xFFFFFF00 ss:$0x1], $0xffff  }
0x7f: {  	v32 =	vld.idx.msk [tilespmem:v6+s24+$0x300 ss:$0x1], $0xffff  }
0x80: {  	v12 =	vadd.f32 v24, v12;
	v24 =	vmul.f32 v26, v7;
	v26 =	vmul.f32 v29, v28;
	v28 =	vld.idx.msk [tilespmem:v5+s24+$0x300 ss:$0x1], $0xffff  }
0x81: {  	v29 =	vld.idx.msk [tilespmem:v6+s24+$0xFFFFFC80 ss:$0x1], $0xffff  }
0x82: {  	v13 =	vadd.f32 v24, v13;
	v24 =	vmul.f32 v26, v7;
	v25 =	vmul.f32 v30, v25;
	v26 =	vld.idx.msk [tilespmem:v5+s24+$0xFFFFFC80 ss:$0x1], $0xffff  }
0x83: {  	v30 =	vld.idx.msk [tilespmem:v6+s24+$0x80 ss:$0x1], $0xffff  }
0x84: {  	v14 =	vadd.f32 v24, v14;
	v24 =	vmul.f32 v25, v7;
	v25 =	vmul.f32 v27, v31;
	v27 =	vld.idx.msk [tilespmem:v5+s24+$0x80 ss:$0x1], $0xffff  }
0x85: {  	v31 =	vld.idx.msk [tilespmem:v6+s24+$0xFFFFFE80 ss:$0x1], $0xffff  }
0x86: {  	v17 =	vadd.f32 v24, v17;
	v24 =	vmul.f32 v25, v7;
	v25 =	vmul.f32 v28, v32;
	v28 =	vld.idx.msk [tilespmem:v5+s24+$0xFFFFFE80 ss:$0x1], $0xffff  }
0x87: {  	v32 =	vld.idx.msk [tilespmem:v6+s24+$0x280 ss:$0x1], $0xffff  }
0x88: {  	v18 =	vadd.f32 v24, v18;
	v25 =	vmul.f32 v25, v7;
	v26 =	vmul.f32 v26, v29;
	v29 =	vld.idx.msk [tilespmem:v5+s24+$0x280 ss:$0x1], $0xffff  }
0x89: {  	v24 =	vld.idx.msk [tilespmem:v6+s24+$0xFFFFFD80 ss:$0x1], $0xffff  }
0x8a: {  	v15 =	vadd.f32 v25, v15;
	v26 =	vmul.f32 v26, v7;
	v30 =	vmul.f32 v27, v30;
	v27 =	vld.idx.msk [tilespmem:v5+s24+$0xFFFFFD80 ss:$0x1], $0xffff  }
.Ltmp2:
0x8b: {  	v25 =	vld.idx.msk [tilespmem:v6+s24+$0x180 ss:$0x1], $0xffff;
	(pc) =	sbr.rel @p1 .LBB2_4-.Ltmp2, $4  }
0x8c: {  	v16 =	vadd.f32 v26, v16;
	v30 =	vmul.f32 v30, v7;
	v31 =	vmul.f32 v28, v31;
	v28 =	vld.idx.msk [tilespmem:v5+s24+$0x180 ss:$0x1], $0xffff  }
0x8d: {  	v26 =	vld.idx.msk [tilespmem:v6+s24+$0xFFFFFF80 ss:$0x1], $0xffff  }
0x8e: {  	v8 =	vadd.f32 v30, v8;
	v31 =	vmul.f32 v31, v7;
	v32 =	vmul.f32 v29, v32;
	v30 =	vld.idx.msk [tilespmem:v5+s24+$0xFFFFFF80 ss:$0x1], $0xffff;
	s24 =	sshra.s32 s25, $0x2  }
0x8f: {  	s25 =	sadd.s32 $0x40, s25;
	v29 =	vld.idx.msk [tilespmem:v6+s24+$0x380 ss:$0x1], $0xffff  }
0x90: {  	_ =	sdelay $0x3  }
0x91: {  	v33 =	vld.idx.msk [tilespmem:v5+s24+$0x380 ss:$0x1], $0xffff  }
0x92: {  	v34 =	vld.idx.msk [tilespmem:v6+s24+$0xFFFFFC00 ss:$0x1], $0xffff  }
0x93: {  	v35 =	vld.idx.msk [tilespmem:v5+s24+$0xFFFFFC00 ss:$0x1], $0xffff  }
0x94: {  	v36 =	vld [tilespmem:s24+$0x10400]  }
0x95: {  	v37 =	vld.idx.msk [tilespmem:v6+s24+$0x0 ss:$0x1], $0xffff  }
0x96: {  	v38 =	vld.idx.msk [tilespmem:v5+s24+$0x0 ss:$0x1], $0xffff  }
0x97: {  	v39 =	vld.idx.msk [tilespmem:v6+s24+$0xFFFFFE00 ss:$0x1], $0xffff  }
0x98: {  	v40 =	vld.idx.msk [tilespmem:v5+s24+$0xFFFFFE00 ss:$0x1], $0xffff  }
0x99: {  	v41 =	vld.idx.msk [tilespmem:v6+s24+$0x200 ss:$0x1], $0xffff  }
0x9a: {  	v42 =	vld.idx.msk [tilespmem:v5+s24+$0x200 ss:$0x1], $0xffff  }
0x9b: {  	v43 =	vld.idx.msk [tilespmem:v6+s24+$0xFFFFFD00 ss:$0x1], $0xffff  }
0x9c: {  	v44 =	vld.idx.msk [tilespmem:v5+s24+$0xFFFFFD00 ss:$0x1], $0xffff  }
0x9d: {  	v45 =	vld.idx.msk [tilespmem:v6+s24+$0x100 ss:$0x1], $0xffff  }
0x9e: {  	v46 =	vld.idx.msk [tilespmem:v5+s24+$0x100 ss:$0x1], $0xffff  }
0x9f: {  	v47 =	vld.idx.msk [tilespmem:v6+s24+$0xFFFFFF00 ss:$0x1], $0xffff  }
0xa0: {  	v48 =	vld.idx.msk [tilespmem:v5+s24+$0xFFFFFF00 ss:$0x1], $0xffff  }
0xa1: {  	v49 =	vld.idx.msk [tilespmem:v6+s24+$0x300 ss:$0x1], $0xffff  }
0xa2: {  	v50 =	vld.idx.msk [tilespmem:v5+s24+$0x300 ss:$0x1], $0xffff  }
0xa3: {  	v51 =	vld.idx.msk [tilespmem:v6+s24+$0xFFFFFC80 ss:$0x1], $0xffff;
	v24 =	vmul.f32 v27, v24;
	v25 =	vmul.f32 v28, v25  }
0xa4: {  	v27 =	vld.idx.msk [tilespmem:v5+s24+$0xFFFFFC80 ss:$0x1], $0xffff;
	v32 =	vmul.f32 v32, v7;
	v26 =	vmul.f32 v30, v26  }
0xa5: {  	v19 =	vadd.f32 v31, v19;
	v31 =	vld.idx.msk [tilespmem:v6+s24+$0xFFFFFE80 ss:$0x1], $0xffff;
	v24 =	vmul.f32 v24, v7;
	v25 =	vmul.f32 v25, v7  }
0xa6: {  	v60 =	vld.idx.msk [tilespmem:v5+s24+$0x280 ss:$0x1], $0xffff;
	v29 =	vmul.f32 v33, v29;
	v7 =	vmul.f32 v26, v7  }
0xa7: {  	v63 =	vld.idx.msk [tilespmem:v6+s24+$0xFFFFFD80 ss:$0x1], $0xffff;
	v55 =	vmul.f32 v35, v34;
	v56 =	vmul.f32 v38, v37  }
0xa8: {  	v54 =	vld.idx.msk [tilespmem:v5+s24+$0x180 ss:$0x1], $0xffff;
	v57 =	vmul.f32 v40, v39;
	v59 =	vmul.f32 v42, v41  }
0xa9: {  	v28 =	vld.idx.msk [tilespmem:v6+s24+$0x80 ss:$0x1], $0xffff;
	v62 =	vmul.f32 v44, v43;
	v44 =	vmul.f32 v46, v45  }
0xaa: {  	v23 =	vadd.f32 v32, v23;
	v32 =	vld.idx.msk [tilespmem:v5+s24+$0xFFFFFE80 ss:$0x1], $0xffff;
	v47 =	vmul.f32 v48, v47;
	v53 =	vmul.f32 v50, v49  }
0xab: {  	v30 =	vld.idx.msk [tilespmem:v5+s24+$0x80 ss:$0x1], $0xffff;
	v58 =	vmul.f32 v29, v36;
	v61 =	vmul.f32 v55, v36  }
0xac: {  	v22 =	vadd.f32 v24, v22;
	v34 =	vld.idx.msk [tilespmem:v6+s24+$0x280 ss:$0x1], $0xffff;
	v24 =	vmul.f32 v56, v36;
	v46 =	vmul.f32 v57, v36  }
0xad: {  	v45 =	vld.idx.msk [tilespmem:v5+s24+$0xFFFFFD80 ss:$0x1], $0xffff;
	v52 =	vmul.f32 v59, v36;
	v55 =	vmul.f32 v27, v51  }
0xae: {  	v21 =	vadd.f32 v25, v21;
	v48 =	vld.idx.msk [tilespmem:v6+s24+$0x180 ss:$0x1], $0xffff;
	v26 =	vmul.f32 v62, v36;
	v25 =	vmul.f32 v44, v36  }
0xaf: {  	v6 =	vld.idx.msk [tilespmem:v6+s24+$0xFFFFFF80 ss:$0x1], $0xffff;
	v7 =	vadd.f32 v7, v20;
	v57 =	vmul.f32 v32, v31;
	v59 =	vmul.f32 v53, v36  }
0xb0: {  	v5 =	vld.idx.msk [tilespmem:v5+s24+$0xFFFFFF80 ss:$0x1], $0xffff;
	v56 =	vmul.f32 v30, v28;
	v9 =	vadd.f32 v58, v9;
	v10 =	vadd.f32 v61, v10  }
0xb1: {  	v11 =	vadd.f32 v24, v11;
	v12 =	vadd.f32 v46, v12;
	v58 =	vmul.f32 v47, v36  }
0xb2: {  	v14 =	vadd.f32 v26, v14;
	v20 =	vmul.f32 v55, v36;
	v26 =	vmul.f32 v57, v36  }
0xb3: {  	v13 =	vadd.f32 v52, v13;
	v24 =	vmul.f32 v56, v36;
	v60 =	vmul.f32 v60, v34  }
0xb4: {  	v17 =	vadd.f32 v25, v17;
	v61 =	vmul.f32 v45, v63;
	v62 =	vmul.f32 v54, v48  }
0xb5: {  	v15 =	vadd.f32 v59, v15;
	v5 =	vmul.f32 v5, v6;
	v29 =	vperm.xlane v10, v0  }
0xb6: {  	v18 =	vadd.f32 v58, v18;
	v30 =	vperm.xlane v12, v0;
	v31 =	vperm.xlane v13, v0  }
0xb7: {  	v16 =	vadd.f32 v20, v16;
	v32 =	vperm.xlane v14, v0;
	v33 =	vperm.xlane v17, v0  }
0xb8: {  	v19 =	vadd.f32 v26, v19;
	v37 =	vperm.xlane v15, v0;
	v45 =	vperm.xlane v9, v0  }
0xb9: {  	v6 =	vadd.f32 v24, v8;
	v63 =	vmul.f32 v60, v36;
	v28 =	vmul.f32 v61, v36  }
0xba: {  	v20 =	vmul.f32 v62, v36;
	v10 =	vadd.f32 v29, v10;
	v12 =	vadd.f32 v30, v12  }
0xbb: {  	v5 =	vmul.f32 v5, v36;
	v13 =	vadd.f32 v31, v13;
	v34 =	vadd.f32 v32, v14  }
0xbc: {  	v35 =	vadd.f32 v33, v17;
	v36 =	vperm.xlane v18, v0;
	v14 =	vadd.f32 v37, v15  }
0xbd: {  	v38 =	vperm.xlane v16, v0;
	v9 =	vadd.f32 v45, v9;
	v8 =	vadd.f32 v63, v23  }
0xbe: {  	v40 =	vperm.xlane v19, v0;
	v22 =	vadd.f32 v28, v22;
	v20 =	vadd.f32 v20, v21  }
0xbf: {  	v5 =	vadd.f32 v5, v7;
	v7 =	vperm.xlane v11, v0;
	v39 =	vperm.xlane v6, v0  }
0xc0: {  	v12 =	vsel vm2, v12, v13;
	v13 =	vadd.f32 v36, v18;
	v15 =	vadd.f32 v40, v19  }
0xc1: {  	v7 =	vadd.f32 v7, v11;
	v11 =	vadd.f32 v38, v16;
	v41 =	vperm.xlane v8, v0  }
0xc2: {  	v6 =	vadd.f32 v39, v6;
	v42 =	vperm.xlane v22, v0;
	v43 =	vperm.xlane v20, v0  }
0xc3: {  	v44 =	vperm.xlane v5, v0;
	v49 =	vperm.xlane v12, v1;
	v13 =	vsel vm2, v13, v14  }
0xc4: {  	v7 =	vsel vm2, v10, v7;
	v10 =	vsel vm2, v34, v35;
	v8 =	vadd.f32 v41, v8  }
0xc5: {  	v46 =	vadd.f32 v42, v22;
	v47 =	vadd.f32 v43, v20;
	v6 =	vsel vm2, v11, v6  }
0xc6: {  	v5 =	vadd.f32 v44, v5;
	v52 =	vperm.xlane v13, v1;
	v48 =	vperm.xlane v7, v1  }
0xc7: {  	v51 =	vadd.f32 v49, v12;
	v50 =	vperm.xlane v10, v1;
	v53 =	vperm.xlane v6, v1  }
0xc8: {  	v8 =	vsel vm2, v15, v8;
	v14 =	vsel vm2, v46, v47;
	v5 =	vsel vm2, v5, v9  }
0xc9: {  	v12 =	vadd.f32 v52, v13;
	v7 =	vadd.f32 v48, v7;
	v54 =	vperm.xlane v8, v1  }
0xca: {  	v9 =	vadd.f32 v50, v10;
	v55 =	vperm.xlane v14, v1;
	v56 =	vperm.xlane v5, v1  }
0xcb: {  	v6 =	vadd.f32 v53, v6;
	v8 =	vadd.f32 v54, v8  }
0xcc: {  	v57 =	vadd.f32 v55, v14;
	v5 =	vadd.f32 v56, v5;
	v7 =	vsel vm0, v7, v51  }
0xcd: {  	v9 =	vsel vm0, v9, v12;
	v58 =	vperm.xlane v7, v2  }
0xce: {  	v59 =	vperm.xlane v9, v2;
	v6 =	vsel vm0, v6, v8;
	v5 =	vsel vm0, v57, v5  }
0xcf: {  	v60 =	vperm.xlane v6, v2;
	v61 =	vperm.xlane v5, v2  }
0xd0: {  	v7 =	vadd.f32 v58, v7;
	v62 =	vadd.f32 v59, v9  }
0xd1: {  	v6 =	vadd.f32 v60, v6;
	v5 =	vadd.f32 v61, v5;
	_ =	sdelay $0x1  }
0xd2: {  	s25 =	sshll.u32 s21, $0x4;
	s21 =	sadd.s32 $0x1, s21;
	v7 =	vsel vm1, v7, v62;
	v5 =	vsel vm1, v6, v5  }
0xd3: {  	p1 =	sne.s32 s21, $0x4;
	v6 =	vperm.xlane v7, v3;
	v63 =	vperm.xlane v5, v3  }
.Ltmp3:
0xd4: {  	_ = 	snop;
	(pc) =	sbr.rel @p1 .LBB2_3-.Ltmp3, $3  }
0xd5: {  	v6 =	vadd.f32 v6, v7;
	v5 =	vadd.f32 v63, v5;
	_ =	sdelay $0x1  }
0xd6: {  	s24 =	sand.u32 $0x3FFFFFF0, s25;
	v5 =	vsel vm3, v6, v5  }
0xd7: {  	s22 =	sadd.s32 $0x800, s22;
	s23 =	sadd.s32 $0x800, s23;
	[tilespmem:v4+s24+$0x0 ss:$0x1] =	vst.idx.msk $0xffff, v5  }
0xd8: {  	s21 =	simm.s32 @p0 $0x40;
	s22 =	simm.s32 @p0 $0x100;
	s23 =	simm.s32 @p0 $0x400  }
0xd9: {  	[tilespmem:s23], [sflag:$0x1] =	stream.indirect.gather @p0 [hbm4b:s0+s21], $0x80, s22, s21, $0xb8;
	[tilespmem:$0x10700] =	vst v63  }
0xda: {  	s22 =	simm.s32 @p0 $0x300;
	s23 =	simm.s32 @p0 $0x8400  }
0xdb: {  	[tilespmem:s23], [sflag:$0x5] =	stream.indirect.gather @p0 [hbm4b:s0+s21], $0x80, s22, s21, $0xb8;
	[tilespmem:$0x10700] =	vst v63  }
0xdc: {  	_ =	swait.ge [sflag:s14], $0x2000  }
0xdd: {  	[sflag:s14] =	ssyncset.done $0x0  }
0xde: {  	[sflag:s14] =	ssyncadd.s32 $0xFFFFE000  }
0xdf: {  	_ =	swait.ge [sflag:s2], $0x2000  }
0xe0: {  	s24 =	sadd.s32 $0x10540, s20;
	s21 =	simm.s32 $0x0;
	[sflag:s2] =	ssyncset.done $0x0  }
0xe1: {  	v4 =	vmov s24;
	s22 =	simm.s32 $0x2800;
	s23 =	simm.s32 $0xA800;
	[sflag:s2] =	ssyncadd.s32 $0xFFFFE000  }
.LBB2_7:
0xe2: {  	v6 =	vmov s22  }
0xe3: {  	v5 =	vmov s23;
	_ =	sdelay $0x1  }
0xe4: {  	s25 =	simm.s32 $0x0  }
0xe5: {  	v7 =	vld [tilespmem:s25+$0x10400]  }
0xe6: {  	v8 =	vld.idx.msk [tilespmem:v6+s25+$0x380 ss:$0x1], $0xffff  }
0xe7: {  	v9 =	vld.idx.msk [tilespmem:v5+s25+$0x380 ss:$0x1], $0xffff  }
0xe8: {  	v10 =	vld.idx.msk [tilespmem:v6+s25+$0xFFFFFC00 ss:$0x1], $0xffff  }
0xe9: {  	v11 =	vld.idx.msk [tilespmem:v5+s25+$0xFFFFFC00 ss:$0x1], $0xffff  }
0xea: {  	v12 =	vld.idx.msk [tilespmem:v6+s25+$0x0 ss:$0x1], $0xffff  }
0xeb: {  	v13 =	vld.idx.msk [tilespmem:v5+s25+$0x0 ss:$0x1], $0xffff  }
0xec: {  	v14 =	vld.idx.msk [tilespmem:v6+s25+$0xFFFFFE00 ss:$0x1], $0xffff  }
0xed: {  	v15 =	vld.idx.msk [tilespmem:v5+s25+$0xFFFFFE00 ss:$0x1], $0xffff  }
0xee: {  	v16 =	vld.idx.msk [tilespmem:v6+s25+$0x200 ss:$0x1], $0xffff  }
0xef: {  	v17 =	vld.idx.msk [tilespmem:v5+s25+$0x200 ss:$0x1], $0xffff  }
0xf0: {  	v18 =	vld.idx.msk [tilespmem:v6+s25+$0xFFFFFD00 ss:$0x1], $0xffff  }
0xf1: {  	v20 =	vld.idx.msk [tilespmem:v5+s25+$0xFFFFFD00 ss:$0x1], $0xffff  }
0xf2: {  	v21 =	vld.idx.msk [tilespmem:v6+s25+$0x100 ss:$0x1], $0xffff  }
0xf3: {  	v22 =	vld.idx.msk [tilespmem:v5+s25+$0x100 ss:$0x1], $0xffff  }
0xf4: {  	v23 =	vld.idx.msk [tilespmem:v6+s25+$0xFFFFFF00 ss:$0x1], $0xffff  }
0xf5: {  	v24 =	vld.idx.msk [tilespmem:v5+s25+$0xFFFFFF00 ss:$0x1], $0xffff  }
0xf6: {  	v25 =	vld.idx.msk [tilespmem:v6+s25+$0x300 ss:$0x1], $0xffff  }
0xf7: {  	v26 =	vld.idx.msk [tilespmem:v5+s25+$0x300 ss:$0x1], $0xffff  }
0xf8: {  	v27 =	vld.idx.msk [tilespmem:v6+s25+$0xFFFFFC80 ss:$0x1], $0xffff;
	v8 =	vmul.f32 v9, v8  }
0xf9: {  	v28 =	vld.idx.msk [tilespmem:v5+s25+$0xFFFFFC80 ss:$0x1], $0xffff;
	v9 =	vmul.f32 v11, v10;
	v10 =	vmul.f32 v13, v12  }
0xfa: {  	v29 =	vld.idx.msk [tilespmem:v6+s25+$0x80 ss:$0x1], $0xffff;
	v13 =	vmul.f32 v15, v14;
	v14 =	vmul.f32 v17, v16  }
0xfb: {  	v15 =	vld.idx.msk [tilespmem:v5+s25+$0x80 ss:$0x1], $0xffff;
	v16 =	vmul.f32 v22, v21;
	v17 =	vmul.f32 v24, v23  }
0xfc: {  	v22 =	vld.idx.msk [tilespmem:v6+s25+$0x280 ss:$0x1], $0xffff;
	v8 =	vmul.f32 v8, v7;
	v11 =	vmul.f32 v9, v7  }
0xfd: {  	v23 =	vld.idx.msk [tilespmem:v5+s25+$0x280 ss:$0x1], $0xffff;
	v12 =	vmul.f32 v10, v7;
	v13 =	vmul.f32 v13, v7  }
0xfe: {  	v19 =	vimm.f32 $0.0e+00;
	v21 =	vld.idx.msk [tilespmem:v5+s25+$0xFFFFFE80 ss:$0x1], $0xffff;
	v14 =	vmul.f32 v14, v7;
	v16 =	vmul.f32 v16, v7  }
0xff: {  	v9 =	vadd.f32 v8, v19;
	v8 =	vmul.f32 v20, v18;
	v20 =	vld.idx.msk [tilespmem:v6+s25+$0xFFFFFE80 ss:$0x1], $0xffff;
	v10 =	vadd.f32 v11, v19  }
0x100: {  	v11 =	vadd.f32 v12, v19;
	v12 =	vadd.f32 v13, v19;
	v18 =	vmul.f32 v26, v25  }
0x101: {  	v30 =	vld.idx.msk [tilespmem:v5+s25+$0xFFFFFF80 ss:$0x1], $0xffff;
	v13 =	vadd.f32 v14, v19;
	v25 =	vmul.f32 v28, v27;
	v15 =	vmul.f32 v15, v29  }
0x102: {  	v24 =	vld.idx.msk [tilespmem:v6+s25+$0xFFFFFD80 ss:$0x1], $0xffff;
	v32 =	vmul.f32 v23, v22;
	v23 =	vimm.f32 $0.0e+00;
	v8 =	vmul.f32 v8, v7  }
0x103: {  	v27 =	vld.idx.msk [tilespmem:v5+s25+$0xFFFFFD80 ss:$0x1], $0xffff;
	v22 =	vimm.f32 $0.0e+00;
	v26 =	vmul.f32 v18, v7;
	v29 =	vmul.f32 v15, v7  }
0x104: {  	v28 =	vld.idx.msk [tilespmem:v5+s25+$0x180 ss:$0x1], $0xffff;
	v14 =	vadd.f32 v8, v19;
	v8 =	vmul.f32 v17, v7;
	v20 =	vmul.f32 v21, v20  }
0x105: {  	v17 =	vadd.f32 v16, v19;
	v16 =	vmul.f32 v25, v7;
	v25 =	vld.idx.msk [tilespmem:v6+s25+$0x180 ss:$0x1], $0xffff;
	v15 =	vadd.f32 v26, v19  }
0x106: {  	s24 =	simm.s32 $0x10;
	v26 =	vld.idx.msk [tilespmem:v6+s25+$0xFFFFFF80 ss:$0x1], $0xffff;
	v21 =	vimm.f32 $0.0e+00;
	v18 =	vadd.f32 v8, v19;
	v31 =	vmul.f32 v20, v7  }
0x107: {  	s25 =	simm.s32 $0x80;
	v16 =	vadd.f32 v16, v19;
	v8 =	vadd.f32 v29, v19;
	v29 =	vld.idx.msk [tilespmem:v6+s24+$0x380 ss:$0x1], $0xffff;
	v20 =	vimm.f32 $0.0e+00  }
.LBB2_8:
0x108: {  	p1 =	sne.s32 s25, $0x1C0;
	v33 =	vld.idx.msk [tilespmem:v5+s24+$0x380 ss:$0x1], $0xffff;
	v19 =	vadd.f32 v31, v19;
	v31 =	vmul.f32 v32, v7;
	v24 =	vmul.f32 v27, v24  }
0x109: {  	v27 =	vld.idx.msk [tilespmem:v6+s24+$0xFFFFFC00 ss:$0x1], $0xffff  }
0x10a: {  	v25 =	vmul.f32 v28, v25;
	v32 =	vld.idx.msk [tilespmem:v5+s24+$0xFFFFFC00 ss:$0x1], $0xffff;
	v23 =	vadd.f32 v31, v23;
	v24 =	vmul.f32 v24, v7  }
0x10b: {  	v28 =	vld [tilespmem:s24+$0x10400]  }
0x10c: {  	v31 =	vld.idx.msk [tilespmem:v6+s24+$0x0 ss:$0x1], $0xffff;
	v22 =	vadd.f32 v24, v22;
	v24 =	vmul.f32 v25, v7;
	v25 =	vmul.f32 v30, v26  }
0x10d: {  	v26 =	vld.idx.msk [tilespmem:v5+s24+$0x0 ss:$0x1], $0xffff  }
0x10e: {  	v29 =	vmul.f32 v33, v29;
	v30 =	vld.idx.msk [tilespmem:v6+s24+$0xFFFFFE00 ss:$0x1], $0xffff;
	v21 =	vadd.f32 v24, v21;
	v33 =	vmul.f32 v25, v7  }
0x10f: {  	v24 =	vld.idx.msk [tilespmem:v5+s24+$0xFFFFFE00 ss:$0x1], $0xffff  }
0x110: {  	v25 =	vmul.f32 v32, v27;
	v27 =	vld.idx.msk [tilespmem:v6+s24+$0x200 ss:$0x1], $0xffff;
	v29 =	vmul.f32 v29, v28;
	v20 =	vadd.f32 v33, v20  }
0x111: {  	v7 =	vmov v28;
	v32 =	vld.idx.msk [tilespmem:v5+s24+$0x200 ss:$0x1], $0xffff  }
0x112: {  	v25 =	vmul.f32 v25, v7;
	v28 =	vld.idx.msk [tilespmem:v6+s24+$0xFFFFFD00 ss:$0x1], $0xffff;
	v9 =	vadd.f32 v29, v9  }
0x113: {  	v26 =	vmul.f32 v26, v31;
	v29 =	vld.idx.msk [tilespmem:v5+s24+$0xFFFFFD00 ss:$0x1], $0xffff  }
0x114: {  	v10 =	vadd.f32 v25, v10;
	v25 =	vld.idx.msk [tilespmem:v6+s24+$0x100 ss:$0x1], $0xffff  }
0x115: {  	v26 =	vmul.f32 v26, v7;
	v24 =	vmul.f32 v24, v30;
	v30 =	vld.idx.msk [tilespmem:v5+s24+$0x100 ss:$0x1], $0xffff  }
0x116: {  	v31 =	vld.idx.msk [tilespmem:v6+s24+$0xFFFFFF00 ss:$0x1], $0xffff  }
0x117: {  	v11 =	vadd.f32 v26, v11;
	v24 =	vmul.f32 v24, v7;
	v26 =	vmul.f32 v32, v27;
	v27 =	vld.idx.msk [tilespmem:v5+s24+$0xFFFFFF00 ss:$0x1], $0xffff  }
0x118: {  	v32 =	vld.idx.msk [tilespmem:v6+s24+$0x300 ss:$0x1], $0xffff  }
0x119: {  	v12 =	vadd.f32 v24, v12;
	v24 =	vmul.f32 v26, v7;
	v26 =	vmul.f32 v29, v28;
	v28 =	vld.idx.msk [tilespmem:v5+s24+$0x300 ss:$0x1], $0xffff  }
0x11a: {  	v29 =	vld.idx.msk [tilespmem:v6+s24+$0xFFFFFC80 ss:$0x1], $0xffff  }
0x11b: {  	v13 =	vadd.f32 v24, v13;
	v24 =	vmul.f32 v26, v7;
	v25 =	vmul.f32 v30, v25;
	v26 =	vld.idx.msk [tilespmem:v5+s24+$0xFFFFFC80 ss:$0x1], $0xffff  }
0x11c: {  	v30 =	vld.idx.msk [tilespmem:v6+s24+$0x80 ss:$0x1], $0xffff  }
0x11d: {  	v14 =	vadd.f32 v24, v14;
	v24 =	vmul.f32 v25, v7;
	v25 =	vmul.f32 v27, v31;
	v27 =	vld.idx.msk [tilespmem:v5+s24+$0x80 ss:$0x1], $0xffff  }
0x11e: {  	v31 =	vld.idx.msk [tilespmem:v6+s24+$0xFFFFFE80 ss:$0x1], $0xffff  }
0x11f: {  	v17 =	vadd.f32 v24, v17;
	v24 =	vmul.f32 v25, v7;
	v25 =	vmul.f32 v28, v32;
	v28 =	vld.idx.msk [tilespmem:v5+s24+$0xFFFFFE80 ss:$0x1], $0xffff  }
0x120: {  	v32 =	vld.idx.msk [tilespmem:v6+s24+$0x280 ss:$0x1], $0xffff  }
0x121: {  	v18 =	vadd.f32 v24, v18;
	v25 =	vmul.f32 v25, v7;
	v26 =	vmul.f32 v26, v29;
	v29 =	vld.idx.msk [tilespmem:v5+s24+$0x280 ss:$0x1], $0xffff  }
0x122: {  	v24 =	vld.idx.msk [tilespmem:v6+s24+$0xFFFFFD80 ss:$0x1], $0xffff  }
0x123: {  	v15 =	vadd.f32 v25, v15;
	v26 =	vmul.f32 v26, v7;
	v30 =	vmul.f32 v27, v30;
	v27 =	vld.idx.msk [tilespmem:v5+s24+$0xFFFFFD80 ss:$0x1], $0xffff  }
.Ltmp4:
0x124: {  	v25 =	vld.idx.msk [tilespmem:v6+s24+$0x180 ss:$0x1], $0xffff;
	(pc) =	sbr.rel @p1 .LBB2_8-.Ltmp4, $4  }
0x125: {  	v16 =	vadd.f32 v26, v16;
	v30 =	vmul.f32 v30, v7;
	v31 =	vmul.f32 v28, v31;
	v28 =	vld.idx.msk [tilespmem:v5+s24+$0x180 ss:$0x1], $0xffff  }
0x126: {  	v26 =	vld.idx.msk [tilespmem:v6+s24+$0xFFFFFF80 ss:$0x1], $0xffff  }
0x127: {  	v8 =	vadd.f32 v30, v8;
	v31 =	vmul.f32 v31, v7;
	v32 =	vmul.f32 v29, v32;
	v30 =	vld.idx.msk [tilespmem:v5+s24+$0xFFFFFF80 ss:$0x1], $0xffff;
	s24 =	sshra.s32 s25, $0x2  }
0x128: {  	s25 =	sadd.s32 $0x40, s25;
	v29 =	vld.idx.msk [tilespmem:v6+s24+$0x380 ss:$0x1], $0xffff  }
0x129: {  	_ =	sdelay $0x3  }
0x12a: {  	v33 =	vld.idx.msk [tilespmem:v5+s24+$0x380 ss:$0x1], $0xffff  }
0x12b: {  	v34 =	vld.idx.msk [tilespmem:v6+s24+$0xFFFFFC00 ss:$0x1], $0xffff  }
0x12c: {  	v35 =	vld.idx.msk [tilespmem:v5+s24+$0xFFFFFC00 ss:$0x1], $0xffff  }
0x12d: {  	v36 =	vld [tilespmem:s24+$0x10400]  }
0x12e: {  	v37 =	vld.idx.msk [tilespmem:v6+s24+$0x0 ss:$0x1], $0xffff  }
0x12f: {  	v38 =	vld.idx.msk [tilespmem:v5+s24+$0x0 ss:$0x1], $0xffff  }
0x130: {  	v39 =	vld.idx.msk [tilespmem:v6+s24+$0xFFFFFE00 ss:$0x1], $0xffff  }
0x131: {  	v40 =	vld.idx.msk [tilespmem:v5+s24+$0xFFFFFE00 ss:$0x1], $0xffff  }
0x132: {  	v41 =	vld.idx.msk [tilespmem:v6+s24+$0x200 ss:$0x1], $0xffff  }
0x133: {  	v42 =	vld.idx.msk [tilespmem:v5+s24+$0x200 ss:$0x1], $0xffff  }
0x134: {  	v43 =	vld.idx.msk [tilespmem:v6+s24+$0xFFFFFD00 ss:$0x1], $0xffff  }
0x135: {  	v44 =	vld.idx.msk [tilespmem:v5+s24+$0xFFFFFD00 ss:$0x1], $0xffff  }
0x136: {  	v45 =	vld.idx.msk [tilespmem:v6+s24+$0x100 ss:$0x1], $0xffff  }
0x137: {  	v46 =	vld.idx.msk [tilespmem:v5+s24+$0x100 ss:$0x1], $0xffff  }
0x138: {  	v47 =	vld.idx.msk [tilespmem:v6+s24+$0xFFFFFF00 ss:$0x1], $0xffff  }
0x139: {  	v48 =	vld.idx.msk [tilespmem:v5+s24+$0xFFFFFF00 ss:$0x1], $0xffff  }
0x13a: {  	v49 =	vld.idx.msk [tilespmem:v6+s24+$0x300 ss:$0x1], $0xffff  }
0x13b: {  	v50 =	vld.idx.msk [tilespmem:v5+s24+$0x300 ss:$0x1], $0xffff  }
0x13c: {  	v51 =	vld.idx.msk [tilespmem:v6+s24+$0xFFFFFC80 ss:$0x1], $0xffff;
	v24 =	vmul.f32 v27, v24;
	v25 =	vmul.f32 v28, v25  }
0x13d: {  	v27 =	vld.idx.msk [tilespmem:v5+s24+$0xFFFFFC80 ss:$0x1], $0xffff;
	v32 =	vmul.f32 v32, v7;
	v26 =	vmul.f32 v30, v26  }
0x13e: {  	v19 =	vadd.f32 v31, v19;
	v31 =	vld.idx.msk [tilespmem:v6+s24+$0xFFFFFE80 ss:$0x1], $0xffff;
	v24 =	vmul.f32 v24, v7;
	v25 =	vmul.f32 v25, v7  }
0x13f: {  	v60 =	vld.idx.msk [tilespmem:v5+s24+$0x280 ss:$0x1], $0xffff;
	v29 =	vmul.f32 v33, v29;
	v7 =	vmul.f32 v26, v7  }
0x140: {  	v63 =	vld.idx.msk [tilespmem:v6+s24+$0xFFFFFD80 ss:$0x1], $0xffff;
	v55 =	vmul.f32 v35, v34;
	v56 =	vmul.f32 v38, v37  }
0x141: {  	v54 =	vld.idx.msk [tilespmem:v5+s24+$0x180 ss:$0x1], $0xffff;
	v57 =	vmul.f32 v40, v39;
	v59 =	vmul.f32 v42, v41  }
0x142: {  	v28 =	vld.idx.msk [tilespmem:v6+s24+$0x80 ss:$0x1], $0xffff;
	v62 =	vmul.f32 v44, v43;
	v44 =	vmul.f32 v46, v45  }
0x143: {  	v23 =	vadd.f32 v32, v23;
	v32 =	vld.idx.msk [tilespmem:v5+s24+$0xFFFFFE80 ss:$0x1], $0xffff;
	v47 =	vmul.f32 v48, v47;
	v53 =	vmul.f32 v50, v49  }
0x144: {  	v30 =	vld.idx.msk [tilespmem:v5+s24+$0x80 ss:$0x1], $0xffff;
	v58 =	vmul.f32 v29, v36;
	v61 =	vmul.f32 v55, v36  }
0x145: {  	v22 =	vadd.f32 v24, v22;
	v34 =	vld.idx.msk [tilespmem:v6+s24+$0x280 ss:$0x1], $0xffff;
	v24 =	vmul.f32 v56, v36;
	v46 =	vmul.f32 v57, v36  }
0x146: {  	v45 =	vld.idx.msk [tilespmem:v5+s24+$0xFFFFFD80 ss:$0x1], $0xffff;
	v52 =	vmul.f32 v59, v36;
	v55 =	vmul.f32 v27, v51  }
0x147: {  	v21 =	vadd.f32 v25, v21;
	v48 =	vld.idx.msk [tilespmem:v6+s24+$0x180 ss:$0x1], $0xffff;
	v26 =	vmul.f32 v62, v36;
	v25 =	vmul.f32 v44, v36  }
0x148: {  	v6 =	vld.idx.msk [tilespmem:v6+s24+$0xFFFFFF80 ss:$0x1], $0xffff;
	v7 =	vadd.f32 v7, v20;
	v57 =	vmul.f32 v32, v31;
	v59 =	vmul.f32 v53, v36  }
0x149: {  	v5 =	vld.idx.msk [tilespmem:v5+s24+$0xFFFFFF80 ss:$0x1], $0xffff;
	v56 =	vmul.f32 v30, v28;
	v9 =	vadd.f32 v58, v9;
	v10 =	vadd.f32 v61, v10  }
0x14a: {  	v11 =	vadd.f32 v24, v11;
	v12 =	vadd.f32 v46, v12;
	v58 =	vmul.f32 v47, v36  }
0x14b: {  	v14 =	vadd.f32 v26, v14;
	v20 =	vmul.f32 v55, v36;
	v26 =	vmul.f32 v57, v36  }
0x14c: {  	v13 =	vadd.f32 v52, v13;
	v24 =	vmul.f32 v56, v36;
	v60 =	vmul.f32 v60, v34  }
0x14d: {  	v17 =	vadd.f32 v25, v17;
	v61 =	vmul.f32 v45, v63;
	v62 =	vmul.f32 v54, v48  }
0x14e: {  	v15 =	vadd.f32 v59, v15;
	v5 =	vmul.f32 v5, v6;
	v29 =	vperm.xlane v10, v0  }
0x14f: {  	v18 =	vadd.f32 v58, v18;
	v30 =	vperm.xlane v12, v0;
	v31 =	vperm.xlane v13, v0  }
0x150: {  	v16 =	vadd.f32 v20, v16;
	v32 =	vperm.xlane v14, v0;
	v33 =	vperm.xlane v17, v0  }
0x151: {  	v19 =	vadd.f32 v26, v19;
	v37 =	vperm.xlane v15, v0;
	v45 =	vperm.xlane v9, v0  }
0x152: {  	v6 =	vadd.f32 v24, v8;
	v63 =	vmul.f32 v60, v36;
	v28 =	vmul.f32 v61, v36  }
0x153: {  	v20 =	vmul.f32 v62, v36;
	v10 =	vadd.f32 v29, v10;
	v12 =	vadd.f32 v30, v12  }
0x154: {  	v5 =	vmul.f32 v5, v36;
	v13 =	vadd.f32 v31, v13;
	v34 =	vadd.f32 v32, v14  }
0x155: {  	v35 =	vadd.f32 v33, v17;
	v36 =	vperm.xlane v18, v0;
	v14 =	vadd.f32 v37, v15  }
0x156: {  	v38 =	vperm.xlane v16, v0;
	v9 =	vadd.f32 v45, v9;
	v8 =	vadd.f32 v63, v23  }
0x157: {  	v40 =	vperm.xlane v19, v0;
	v22 =	vadd.f32 v28, v22;
	v20 =	vadd.f32 v20, v21  }
0x158: {  	v5 =	vadd.f32 v5, v7;
	v7 =	vperm.xlane v11, v0;
	v39 =	vperm.xlane v6, v0  }
0x159: {  	v12 =	vsel vm2, v12, v13;
	v13 =	vadd.f32 v36, v18;
	v15 =	vadd.f32 v40, v19  }
0x15a: {  	v7 =	vadd.f32 v7, v11;
	v11 =	vadd.f32 v38, v16;
	v41 =	vperm.xlane v8, v0  }
0x15b: {  	v6 =	vadd.f32 v39, v6;
	v42 =	vperm.xlane v22, v0;
	v43 =	vperm.xlane v20, v0  }
0x15c: {  	v44 =	vperm.xlane v5, v0;
	v49 =	vperm.xlane v12, v1;
	v13 =	vsel vm2, v13, v14  }
0x15d: {  	v7 =	vsel vm2, v10, v7;
	v10 =	vsel vm2, v34, v35;
	v8 =	vadd.f32 v41, v8  }
0x15e: {  	v46 =	vadd.f32 v42, v22;
	v47 =	vadd.f32 v43, v20;
	v6 =	vsel vm2, v11, v6  }
0x15f: {  	v5 =	vadd.f32 v44, v5;
	v52 =	vperm.xlane v13, v1;
	v48 =	vperm.xlane v7, v1  }
0x160: {  	v51 =	vadd.f32 v49, v12;
	v50 =	vperm.xlane v10, v1;
	v53 =	vperm.xlane v6, v1  }
0x161: {  	v8 =	vsel vm2, v15, v8;
	v14 =	vsel vm2, v46, v47;
	v5 =	vsel vm2, v5, v9  }
0x162: {  	v12 =	vadd.f32 v52, v13;
	v7 =	vadd.f32 v48, v7;
	v54 =	vperm.xlane v8, v1  }
0x163: {  	v9 =	vadd.f32 v50, v10;
	v55 =	vperm.xlane v14, v1;
	v56 =	vperm.xlane v5, v1  }
0x164: {  	v6 =	vadd.f32 v53, v6;
	v8 =	vadd.f32 v54, v8  }
0x165: {  	v57 =	vadd.f32 v55, v14;
	v5 =	vadd.f32 v56, v5;
	v7 =	vsel vm0, v7, v51  }
0x166: {  	v9 =	vsel vm0, v9, v12;
	v58 =	vperm.xlane v7, v2  }
0x167: {  	v59 =	vperm.xlane v9, v2;
	v6 =	vsel vm0, v6, v8;
	v5 =	vsel vm0, v57, v5  }
0x168: {  	v60 =	vperm.xlane v6, v2;
	v61 =	vperm.xlane v5, v2  }
0x169: {  	v7 =	vadd.f32 v58, v7;
	v62 =	vadd.f32 v59, v9  }
0x16a: {  	v6 =	vadd.f32 v60, v6;
	v5 =	vadd.f32 v61, v5;
	_ =	sdelay $0x1  }
0x16b: {  	s25 =	sshll.u32 s21, $0x4;
	s21 =	sadd.s32 $0x1, s21;
	v7 =	vsel vm1, v7, v62;
	v5 =	vsel vm1, v6, v5  }
0x16c: {  	p1 =	sne.s32 s21, $0x4;
	v6 =	vperm.xlane v7, v3;
	v63 =	vperm.xlane v5, v3  }
.Ltmp5:
0x16d: {  	_ = 	snop;
	(pc) =	sbr.rel @p1 .LBB2_7-.Ltmp5, $3  }
0x16e: {  	v6 =	vadd.f32 v6, v7;
	v5 =	vadd.f32 v63, v5;
	_ =	sdelay $0x1  }
0x16f: {  	s24 =	sand.u32 $0x3FFFFFF0, s25;
	v5 =	vsel vm3, v6, v5  }
0x170: {  	s22 =	sadd.s32 $0x800, s22;
	s23 =	sadd.s32 $0x800, s23;
	[tilespmem:v4+s24+$0x0 ss:$0x1] =	vst.idx.msk $0xffff, v5  }
0x171: {  	s21 =	simm.s32 @p0 $0x40;
	s22 =	simm.s32 @p0 $0x140;
	s23 =	simm.s32 @p0 $0x2400  }
0x172: {  	[tilespmem:s23], [sflag:$0x2] =	stream.indirect.gather @p0 [hbm4b:s0+s21], $0x80, s22, s21, $0xb8;
	[tilespmem:$0x10700] =	vst v63  }
0x173: {  	s22 =	simm.s32 @p0 $0x340;
	s23 =	simm.s32 @p0 $0xA400  }
0x174: {  	[tilespmem:s23], [sflag:$0x6] =	stream.indirect.gather @p0 [hbm4b:s0+s21], $0x80, s22, s21, $0xb8;
	[tilespmem:$0x10700] =	vst v63  }
0x175: {  	_ =	swait.ge [sflag:s4], $0x2000  }
0x176: {  	[sflag:s4] =	ssyncset.done $0x0  }
0x177: {  	[sflag:s4] =	ssyncadd.s32 $0xFFFFE000  }
0x178: {  	_ =	swait.ge [sflag:s1], $0x2000  }
0x179: {  	s24 =	sadd.s32 $0x10580, s20;
	s21 =	simm.s32 $0x0;
	[sflag:s1] =	ssyncset.done $0x0  }
0x17a: {  	v4 =	vmov s24;
	s22 =	simm.s32 $0x4800;
	s23 =	simm.s32 $0xC800;
	[sflag:s1] =	ssyncadd.s32 $0xFFFFE000  }
.LBB2_11:
0x17b: {  	v6 =	vmov s22  }
0x17c: {  	v5 =	vmov s23;
	_ =	sdelay $0x1  }
0x17d: {  	s25 =	simm.s32 $0x0  }
0x17e: {  	v7 =	vld [tilespmem:s25+$0x10400]  }
0x17f: {  	v8 =	vld.idx.msk [tilespmem:v6+s25+$0x380 ss:$0x1], $0xffff  }
0x180: {  	v9 =	vld.idx.msk [tilespmem:v5+s25+$0x380 ss:$0x1], $0xffff  }
0x181: {  	v10 =	vld.idx.msk [tilespmem:v6+s25+$0xFFFFFC00 ss:$0x1], $0xffff  }
0x182: {  	v11 =	vld.idx.msk [tilespmem:v5+s25+$0xFFFFFC00 ss:$0x1], $0xffff  }
0x183: {  	v12 =	vld.idx.msk [tilespmem:v6+s25+$0x0 ss:$0x1], $0xffff  }
0x184: {  	v13 =	vld.idx.msk [tilespmem:v5+s25+$0x0 ss:$0x1], $0xffff  }
0x185: {  	v14 =	vld.idx.msk [tilespmem:v6+s25+$0xFFFFFE00 ss:$0x1], $0xffff  }
0x186: {  	v15 =	vld.idx.msk [tilespmem:v5+s25+$0xFFFFFE00 ss:$0x1], $0xffff  }
0x187: {  	v16 =	vld.idx.msk [tilespmem:v6+s25+$0x200 ss:$0x1], $0xffff  }
0x188: {  	v17 =	vld.idx.msk [tilespmem:v5+s25+$0x200 ss:$0x1], $0xffff  }
0x189: {  	v18 =	vld.idx.msk [tilespmem:v6+s25+$0xFFFFFD00 ss:$0x1], $0xffff  }
0x18a: {  	v20 =	vld.idx.msk [tilespmem:v5+s25+$0xFFFFFD00 ss:$0x1], $0xffff  }
0x18b: {  	v21 =	vld.idx.msk [tilespmem:v6+s25+$0x100 ss:$0x1], $0xffff  }
0x18c: {  	v22 =	vld.idx.msk [tilespmem:v5+s25+$0x100 ss:$0x1], $0xffff  }
0x18d: {  	v23 =	vld.idx.msk [tilespmem:v6+s25+$0xFFFFFF00 ss:$0x1], $0xffff  }
0x18e: {  	v24 =	vld.idx.msk [tilespmem:v5+s25+$0xFFFFFF00 ss:$0x1], $0xffff  }
0x18f: {  	v25 =	vld.idx.msk [tilespmem:v6+s25+$0x300 ss:$0x1], $0xffff  }
0x190: {  	v26 =	vld.idx.msk [tilespmem:v5+s25+$0x300 ss:$0x1], $0xffff  }
0x191: {  	v27 =	vld.idx.msk [tilespmem:v6+s25+$0xFFFFFC80 ss:$0x1], $0xffff;
	v8 =	vmul.f32 v9, v8  }
0x192: {  	v28 =	vld.idx.msk [tilespmem:v5+s25+$0xFFFFFC80 ss:$0x1], $0xffff;
	v9 =	vmul.f32 v11, v10;
	v10 =	vmul.f32 v13, v12  }
0x193: {  	v29 =	vld.idx.msk [tilespmem:v6+s25+$0x80 ss:$0x1], $0xffff;
	v13 =	vmul.f32 v15, v14;
	v14 =	vmul.f32 v17, v16  }
0x194: {  	v15 =	vld.idx.msk [tilespmem:v5+s25+$0x80 ss:$0x1], $0xffff;
	v16 =	vmul.f32 v22, v21;
	v17 =	vmul.f32 v24, v23  }
0x195: {  	v22 =	vld.idx.msk [tilespmem:v6+s25+$0x280 ss:$0x1], $0xffff;
	v8 =	vmul.f32 v8, v7;
	v11 =	vmul.f32 v9, v7  }
0x196: {  	v23 =	vld.idx.msk [tilespmem:v5+s25+$0x280 ss:$0x1], $0xffff;
	v12 =	vmul.f32 v10, v7;
	v13 =	vmul.f32 v13, v7  }
0x197: {  	v19 =	vimm.f32 $0.0e+00;
	v21 =	vld.idx.msk [tilespmem:v5+s25+$0xFFFFFE80 ss:$0x1], $0xffff;
	v14 =	vmul.f32 v14, v7;
	v16 =	vmul.f32 v16, v7  }
0x198: {  	v9 =	vadd.f32 v8, v19;
	v8 =	vmul.f32 v20, v18;
	v20 =	vld.idx.msk [tilespmem:v6+s25+$0xFFFFFE80 ss:$0x1], $0xffff;
	v10 =	vadd.f32 v11, v19  }
0x199: {  	v11 =	vadd.f32 v12, v19;
	v12 =	vadd.f32 v13, v19;
	v18 =	vmul.f32 v26, v25  }
0x19a: {  	v30 =	vld.idx.msk [tilespmem:v5+s25+$0xFFFFFF80 ss:$0x1], $0xffff;
	v13 =	vadd.f32 v14, v19;
	v25 =	vmul.f32 v28, v27;
	v15 =	vmul.f32 v15, v29  }
0x19b: {  	v24 =	vld.idx.msk [tilespmem:v6+s25+$0xFFFFFD80 ss:$0x1], $0xffff;
	v32 =	vmul.f32 v23, v22;
	v23 =	vimm.f32 $0.0e+00;
	v8 =	vmul.f32 v8, v7  }
0x19c: {  	v27 =	vld.idx.msk [tilespmem:v5+s25+$0xFFFFFD80 ss:$0x1], $0xffff;
	v22 =	vimm.f32 $0.0e+00;
	v26 =	vmul.f32 v18, v7;
	v29 =	vmul.f32 v15, v7  }
0x19d: {  	v28 =	vld.idx.msk [tilespmem:v5+s25+$0x180 ss:$0x1], $0xffff;
	v14 =	vadd.f32 v8, v19;
	v8 =	vmul.f32 v17, v7;
	v20 =	vmul.f32 v21, v20  }
0x19e: {  	v17 =	vadd.f32 v16, v19;
	v16 =	vmul.f32 v25, v7;
	v25 =	vld.idx.msk [tilespmem:v6+s25+$0x180 ss:$0x1], $0xffff;
	v15 =	vadd.f32 v26, v19  }
0x19f: {  	s24 =	simm.s32 $0x10;
	v26 =	vld.idx.msk [tilespmem:v6+s25+$0xFFFFFF80 ss:$0x1], $0xffff;
	v21 =	vimm.f32 $0.0e+00;
	v18 =	vadd.f32 v8, v19;
	v31 =	vmul.f32 v20, v7  }
0x1a0: {  	s25 =	simm.s32 $0x80;
	v16 =	vadd.f32 v16, v19;
	v8 =	vadd.f32 v29, v19;
	v29 =	vld.idx.msk [tilespmem:v6+s24+$0x380 ss:$0x1], $0xffff;
	v20 =	vimm.f32 $0.0e+00  }
.LBB2_12:
0x1a1: {  	p1 =	sne.s32 s25, $0x1C0;
	v33 =	vld.idx.msk [tilespmem:v5+s24+$0x380 ss:$0x1], $0xffff;
	v19 =	vadd.f32 v31, v19;
	v31 =	vmul.f32 v32, v7;
	v24 =	vmul.f32 v27, v24  }
0x1a2: {  	v27 =	vld.idx.msk [tilespmem:v6+s24+$0xFFFFFC00 ss:$0x1], $0xffff  }
0x1a3: {  	v25 =	vmul.f32 v28, v25;
	v32 =	vld.idx.msk [tilespmem:v5+s24+$0xFFFFFC00 ss:$0x1], $0xffff;
	v23 =	vadd.f32 v31, v23;
	v24 =	vmul.f32 v24, v7  }
0x1a4: {  	v28 =	vld [tilespmem:s24+$0x10400]  }
0x1a5: {  	v31 =	vld.idx.msk [tilespmem:v6+s24+$0x0 ss:$0x1], $0xffff;
	v22 =	vadd.f32 v24, v22;
	v24 =	vmul.f32 v25, v7;
	v25 =	vmul.f32 v30, v26  }
0x1a6: {  	v26 =	vld.idx.msk [tilespmem:v5+s24+$0x0 ss:$0x1], $0xffff  }
0x1a7: {  	v29 =	vmul.f32 v33, v29;
	v30 =	vld.idx.msk [tilespmem:v6+s24+$0xFFFFFE00 ss:$0x1], $0xffff;
	v21 =	vadd.f32 v24, v21;
	v33 =	vmul.f32 v25, v7  }
0x1a8: {  	v24 =	vld.idx.msk [tilespmem:v5+s24+$0xFFFFFE00 ss:$0x1], $0xffff  }
0x1a9: {  	v25 =	vmul.f32 v32, v27;
	v27 =	vld.idx.msk [tilespmem:v6+s24+$0x200 ss:$0x1], $0xffff;
	v29 =	vmul.f32 v29, v28;
	v20 =	vadd.f32 v33, v20  }
0x1aa: {  	v7 =	vmov v28;
	v32 =	vld.idx.msk [tilespmem:v5+s24+$0x200 ss:$0x1], $0xffff  }
0x1ab: {  	v25 =	vmul.f32 v25, v7;
	v28 =	vld.idx.msk [tilespmem:v6+s24+$0xFFFFFD00 ss:$0x1], $0xffff;
	v9 =	vadd.f32 v29, v9  }
0x1ac: {  	v26 =	vmul.f32 v26, v31;
	v29 =	vld.idx.msk [tilespmem:v5+s24+$0xFFFFFD00 ss:$0x1], $0xffff  }
0x1ad: {  	v10 =	vadd.f32 v25, v10;
	v25 =	vld.idx.msk [tilespmem:v6+s24+$0x100 ss:$0x1], $0xffff  }
0x1ae: {  	v26 =	vmul.f32 v26, v7;
	v24 =	vmul.f32 v24, v30;
	v30 =	vld.idx.msk [tilespmem:v5+s24+$0x100 ss:$0x1], $0xffff  }
0x1af: {  	v31 =	vld.idx.msk [tilespmem:v6+s24+$0xFFFFFF00 ss:$0x1], $0xffff  }
0x1b0: {  	v11 =	vadd.f32 v26, v11;
	v24 =	vmul.f32 v24, v7;
	v26 =	vmul.f32 v32, v27;
	v27 =	vld.idx.msk [tilespmem:v5+s24+$0xFFFFFF00 ss:$0x1], $0xffff  }
0x1b1: {  	v32 =	vld.idx.msk [tilespmem:v6+s24+$0x300 ss:$0x1], $0xffff  }
0x1b2: {  	v12 =	vadd.f32 v24, v12;
	v24 =	vmul.f32 v26, v7;
	v26 =	vmul.f32 v29, v28;
	v28 =	vld.idx.msk [tilespmem:v5+s24+$0x300 ss:$0x1], $0xffff  }
0x1b3: {  	v29 =	vld.idx.msk [tilespmem:v6+s24+$0xFFFFFC80 ss:$0x1], $0xffff  }
0x1b4: {  	v13 =	vadd.f32 v24, v13;
	v24 =	vmul.f32 v26, v7;
	v25 =	vmul.f32 v30, v25;
	v26 =	vld.idx.msk [tilespmem:v5+s24+$0xFFFFFC80 ss:$0x1], $0xffff  }
0x1b5: {  	v30 =	vld.idx.msk [tilespmem:v6+s24+$0x80 ss:$0x1], $0xffff  }
0x1b6: {  	v14 =	vadd.f32 v24, v14;
	v24 =	vmul.f32 v25, v7;
	v25 =	vmul.f32 v27, v31;
	v27 =	vld.idx.msk [tilespmem:v5+s24+$0x80 ss:$0x1], $0xffff  }
0x1b7: {  	v31 =	vld.idx.msk [tilespmem:v6+s24+$0xFFFFFE80 ss:$0x1], $0xffff  }
0x1b8: {  	v17 =	vadd.f32 v24, v17;
	v24 =	vmul.f32 v25, v7;
	v25 =	vmul.f32 v28, v32;
	v28 =	vld.idx.msk [tilespmem:v5+s24+$0xFFFFFE80 ss:$0x1], $0xffff  }
0x1b9: {  	v32 =	vld.idx.msk [tilespmem:v6+s24+$0x280 ss:$0x1], $0xffff  }
0x1ba: {  	v18 =	vadd.f32 v24, v18;
	v25 =	vmul.f32 v25, v7;
	v26 =	vmul.f32 v26, v29;
	v29 =	vld.idx.msk [tilespmem:v5+s24+$0x280 ss:$0x1], $0xffff  }
0x1bb: {  	v24 =	vld.idx.msk [tilespmem:v6+s24+$0xFFFFFD80 ss:$0x1], $0xffff  }
0x1bc: {  	v15 =	vadd.f32 v25, v15;
	v26 =	vmul.f32 v26, v7;
	v30 =	vmul.f32 v27, v30;
	v27 =	vld.idx.msk [tilespmem:v5+s24+$0xFFFFFD80 ss:$0x1], $0xffff  }
.Ltmp6:
0x1bd: {  	v25 =	vld.idx.msk [tilespmem:v6+s24+$0x180 ss:$0x1], $0xffff;
	(pc) =	sbr.rel @p1 .LBB2_12-.Ltmp6, $4  }
0x1be: {  	v16 =	vadd.f32 v26, v16;
	v30 =	vmul.f32 v30, v7;
	v31 =	vmul.f32 v28, v31;
	v28 =	vld.idx.msk [tilespmem:v5+s24+$0x180 ss:$0x1], $0xffff  }
0x1bf: {  	v26 =	vld.idx.msk [tilespmem:v6+s24+$0xFFFFFF80 ss:$0x1], $0xffff  }
0x1c0: {  	v8 =	vadd.f32 v30, v8;
	v31 =	vmul.f32 v31, v7;
	v32 =	vmul.f32 v29, v32;
	v30 =	vld.idx.msk [tilespmem:v5+s24+$0xFFFFFF80 ss:$0x1], $0xffff;
	s24 =	sshra.s32 s25, $0x2  }
0x1c1: {  	s25 =	sadd.s32 $0x40, s25;
	v29 =	vld.idx.msk [tilespmem:v6+s24+$0x380 ss:$0x1], $0xffff  }
0x1c2: {  	_ =	sdelay $0x3  }
0x1c3: {  	v33 =	vld.idx.msk [tilespmem:v5+s24+$0x380 ss:$0x1], $0xffff  }
0x1c4: {  	v34 =	vld.idx.msk [tilespmem:v6+s24+$0xFFFFFC00 ss:$0x1], $0xffff  }
0x1c5: {  	v35 =	vld.idx.msk [tilespmem:v5+s24+$0xFFFFFC00 ss:$0x1], $0xffff  }
0x1c6: {  	v36 =	vld [tilespmem:s24+$0x10400]  }
0x1c7: {  	v37 =	vld.idx.msk [tilespmem:v6+s24+$0x0 ss:$0x1], $0xffff  }
0x1c8: {  	v38 =	vld.idx.msk [tilespmem:v5+s24+$0x0 ss:$0x1], $0xffff  }
0x1c9: {  	v39 =	vld.idx.msk [tilespmem:v6+s24+$0xFFFFFE00 ss:$0x1], $0xffff  }
0x1ca: {  	v40 =	vld.idx.msk [tilespmem:v5+s24+$0xFFFFFE00 ss:$0x1], $0xffff  }
0x1cb: {  	v41 =	vld.idx.msk [tilespmem:v6+s24+$0x200 ss:$0x1], $0xffff  }
0x1cc: {  	v42 =	vld.idx.msk [tilespmem:v5+s24+$0x200 ss:$0x1], $0xffff  }
0x1cd: {  	v43 =	vld.idx.msk [tilespmem:v6+s24+$0xFFFFFD00 ss:$0x1], $0xffff  }
0x1ce: {  	v44 =	vld.idx.msk [tilespmem:v5+s24+$0xFFFFFD00 ss:$0x1], $0xffff  }
0x1cf: {  	v45 =	vld.idx.msk [tilespmem:v6+s24+$0x100 ss:$0x1], $0xffff  }
0x1d0: {  	v46 =	vld.idx.msk [tilespmem:v5+s24+$0x100 ss:$0x1], $0xffff  }
0x1d1: {  	v47 =	vld.idx.msk [tilespmem:v6+s24+$0xFFFFFF00 ss:$0x1], $0xffff  }
0x1d2: {  	v48 =	vld.idx.msk [tilespmem:v5+s24+$0xFFFFFF00 ss:$0x1], $0xffff  }
0x1d3: {  	v49 =	vld.idx.msk [tilespmem:v6+s24+$0x300 ss:$0x1], $0xffff  }
0x1d4: {  	v50 =	vld.idx.msk [tilespmem:v5+s24+$0x300 ss:$0x1], $0xffff  }
0x1d5: {  	v51 =	vld.idx.msk [tilespmem:v6+s24+$0xFFFFFC80 ss:$0x1], $0xffff;
	v24 =	vmul.f32 v27, v24;
	v25 =	vmul.f32 v28, v25  }
0x1d6: {  	v27 =	vld.idx.msk [tilespmem:v5+s24+$0xFFFFFC80 ss:$0x1], $0xffff;
	v32 =	vmul.f32 v32, v7;
	v26 =	vmul.f32 v30, v26  }
0x1d7: {  	v19 =	vadd.f32 v31, v19;
	v31 =	vld.idx.msk [tilespmem:v6+s24+$0xFFFFFE80 ss:$0x1], $0xffff;
	v24 =	vmul.f32 v24, v7;
	v25 =	vmul.f32 v25, v7  }
0x1d8: {  	v60 =	vld.idx.msk [tilespmem:v5+s24+$0x280 ss:$0x1], $0xffff;
	v29 =	vmul.f32 v33, v29;
	v7 =	vmul.f32 v26, v7  }
0x1d9: {  	v63 =	vld.idx.msk [tilespmem:v6+s24+$0xFFFFFD80 ss:$0x1], $0xffff;
	v55 =	vmul.f32 v35, v34;
	v56 =	vmul.f32 v38, v37  }
0x1da: {  	v54 =	vld.idx.msk [tilespmem:v5+s24+$0x180 ss:$0x1], $0xffff;
	v57 =	vmul.f32 v40, v39;
	v59 =	vmul.f32 v42, v41  }
0x1db: {  	v28 =	vld.idx.msk [tilespmem:v6+s24+$0x80 ss:$0x1], $0xffff;
	v62 =	vmul.f32 v44, v43;
	v44 =	vmul.f32 v46, v45  }
0x1dc: {  	v23 =	vadd.f32 v32, v23;
	v32 =	vld.idx.msk [tilespmem:v5+s24+$0xFFFFFE80 ss:$0x1], $0xffff;
	v47 =	vmul.f32 v48, v47;
	v53 =	vmul.f32 v50, v49  }
0x1dd: {  	v30 =	vld.idx.msk [tilespmem:v5+s24+$0x80 ss:$0x1], $0xffff;
	v58 =	vmul.f32 v29, v36;
	v61 =	vmul.f32 v55, v36  }
0x1de: {  	v22 =	vadd.f32 v24, v22;
	v34 =	vld.idx.msk [tilespmem:v6+s24+$0x280 ss:$0x1], $0xffff;
	v24 =	vmul.f32 v56, v36;
	v46 =	vmul.f32 v57, v36  }
0x1df: {  	v45 =	vld.idx.msk [tilespmem:v5+s24+$0xFFFFFD80 ss:$0x1], $0xffff;
	v52 =	vmul.f32 v59, v36;
	v55 =	vmul.f32 v27, v51  }
0x1e0: {  	v21 =	vadd.f32 v25, v21;
	v48 =	vld.idx.msk [tilespmem:v6+s24+$0x180 ss:$0x1], $0xffff;
	v26 =	vmul.f32 v62, v36;
	v25 =	vmul.f32 v44, v36  }
0x1e1: {  	v6 =	vld.idx.msk [tilespmem:v6+s24+$0xFFFFFF80 ss:$0x1], $0xffff;
	v7 =	vadd.f32 v7, v20;
	v57 =	vmul.f32 v32, v31;
	v59 =	vmul.f32 v53, v36  }
0x1e2: {  	v5 =	vld.idx.msk [tilespmem:v5+s24+$0xFFFFFF80 ss:$0x1], $0xffff;
	v56 =	vmul.f32 v30, v28;
	v9 =	vadd.f32 v58, v9;
	v10 =	vadd.f32 v61, v10  }
0x1e3: {  	v11 =	vadd.f32 v24, v11;
	v12 =	vadd.f32 v46, v12;
	v58 =	vmul.f32 v47, v36  }
0x1e4: {  	v14 =	vadd.f32 v26, v14;
	v20 =	vmul.f32 v55, v36;
	v26 =	vmul.f32 v57, v36  }
0x1e5: {  	v13 =	vadd.f32 v52, v13;
	v24 =	vmul.f32 v56, v36;
	v60 =	vmul.f32 v60, v34  }
0x1e6: {  	v17 =	vadd.f32 v25, v17;
	v61 =	vmul.f32 v45, v63;
	v62 =	vmul.f32 v54, v48  }
0x1e7: {  	v15 =	vadd.f32 v59, v15;
	v5 =	vmul.f32 v5, v6;
	v29 =	vperm.xlane v10, v0  }
0x1e8: {  	v18 =	vadd.f32 v58, v18;
	v30 =	vperm.xlane v12, v0;
	v31 =	vperm.xlane v13, v0  }
0x1e9: {  	v16 =	vadd.f32 v20, v16;
	v32 =	vperm.xlane v14, v0;
	v33 =	vperm.xlane v17, v0  }
0x1ea: {  	v19 =	vadd.f32 v26, v19;
	v37 =	vperm.xlane v15, v0;
	v45 =	vperm.xlane v9, v0  }
0x1eb: {  	v6 =	vadd.f32 v24, v8;
	v63 =	vmul.f32 v60, v36;
	v28 =	vmul.f32 v61, v36  }
0x1ec: {  	v20 =	vmul.f32 v62, v36;
	v10 =	vadd.f32 v29, v10;
	v12 =	vadd.f32 v30, v12  }
0x1ed: {  	v5 =	vmul.f32 v5, v36;
	v13 =	vadd.f32 v31, v13;
	v34 =	vadd.f32 v32, v14  }
0x1ee: {  	v35 =	vadd.f32 v33, v17;
	v36 =	vperm.xlane v18, v0;
	v14 =	vadd.f32 v37, v15  }
0x1ef: {  	v38 =	vperm.xlane v16, v0;
	v9 =	vadd.f32 v45, v9;
	v8 =	vadd.f32 v63, v23  }
0x1f0: {  	v40 =	vperm.xlane v19, v0;
	v22 =	vadd.f32 v28, v22;
	v20 =	vadd.f32 v20, v21  }
0x1f1: {  	v5 =	vadd.f32 v5, v7;
	v7 =	vperm.xlane v11, v0;
	v39 =	vperm.xlane v6, v0  }
0x1f2: {  	v12 =	vsel vm2, v12, v13;
	v13 =	vadd.f32 v36, v18;
	v15 =	vadd.f32 v40, v19  }
0x1f3: {  	v7 =	vadd.f32 v7, v11;
	v11 =	vadd.f32 v38, v16;
	v41 =	vperm.xlane v8, v0  }
0x1f4: {  	v6 =	vadd.f32 v39, v6;
	v42 =	vperm.xlane v22, v0;
	v43 =	vperm.xlane v20, v0  }
0x1f5: {  	v44 =	vperm.xlane v5, v0;
	v49 =	vperm.xlane v12, v1;
	v13 =	vsel vm2, v13, v14  }
0x1f6: {  	v7 =	vsel vm2, v10, v7;
	v10 =	vsel vm2, v34, v35;
	v8 =	vadd.f32 v41, v8  }
0x1f7: {  	v46 =	vadd.f32 v42, v22;
	v47 =	vadd.f32 v43, v20;
	v6 =	vsel vm2, v11, v6  }
0x1f8: {  	v5 =	vadd.f32 v44, v5;
	v52 =	vperm.xlane v13, v1;
	v48 =	vperm.xlane v7, v1  }
0x1f9: {  	v51 =	vadd.f32 v49, v12;
	v50 =	vperm.xlane v10, v1;
	v53 =	vperm.xlane v6, v1  }
0x1fa: {  	v8 =	vsel vm2, v15, v8;
	v14 =	vsel vm2, v46, v47;
	v5 =	vsel vm2, v5, v9  }
0x1fb: {  	v12 =	vadd.f32 v52, v13;
	v7 =	vadd.f32 v48, v7;
	v54 =	vperm.xlane v8, v1  }
0x1fc: {  	v9 =	vadd.f32 v50, v10;
	v55 =	vperm.xlane v14, v1;
	v56 =	vperm.xlane v5, v1  }
0x1fd: {  	v6 =	vadd.f32 v53, v6;
	v8 =	vadd.f32 v54, v8  }
0x1fe: {  	v57 =	vadd.f32 v55, v14;
	v5 =	vadd.f32 v56, v5;
	v7 =	vsel vm0, v7, v51  }
0x1ff: {  	v9 =	vsel vm0, v9, v12;
	v58 =	vperm.xlane v7, v2  }
0x200: {  	v59 =	vperm.xlane v9, v2;
	v6 =	vsel vm0, v6, v8;
	v5 =	vsel vm0, v57, v5  }
0x201: {  	v60 =	vperm.xlane v6, v2;
	v61 =	vperm.xlane v5, v2  }
0x202: {  	v7 =	vadd.f32 v58, v7;
	v62 =	vadd.f32 v59, v9  }
0x203: {  	v6 =	vadd.f32 v60, v6;
	v5 =	vadd.f32 v61, v5;
	_ =	sdelay $0x1  }
0x204: {  	s25 =	sshll.u32 s21, $0x4;
	s21 =	sadd.s32 $0x1, s21;
	v7 =	vsel vm1, v7, v62;
	v5 =	vsel vm1, v6, v5  }
0x205: {  	p1 =	sne.s32 s21, $0x4;
	v6 =	vperm.xlane v7, v3;
	v63 =	vperm.xlane v5, v3  }
.Ltmp7:
0x206: {  	_ = 	snop;
	(pc) =	sbr.rel @p1 .LBB2_11-.Ltmp7, $3  }
0x207: {  	v6 =	vadd.f32 v6, v7;
	v5 =	vadd.f32 v63, v5;
	_ =	sdelay $0x1  }
0x208: {  	s24 =	sand.u32 $0x3FFFFFF0, s25;
	v5 =	vsel vm3, v6, v5  }
0x209: {  	s22 =	sadd.s32 $0x800, s22;
	s23 =	sadd.s32 $0x800, s23;
	[tilespmem:v4+s24+$0x0 ss:$0x1] =	vst.idx.msk $0xffff, v5  }
0x20a: {  	s21 =	simm.s32 @p0 $0x40;
	s22 =	simm.s32 @p0 $0x180;
	s23 =	simm.s32 @p0 $0x4400  }
0x20b: {  	[tilespmem:s23], [sflag:$0x3] =	stream.indirect.gather @p0 [hbm4b:s0+s21], $0x80, s22, s21, $0xb8;
	[tilespmem:$0x10700] =	vst v63  }
0x20c: {  	s22 =	simm.s32 @p0 $0x380;
	s23 =	simm.s32 @p0 $0xC400  }
0x20d: {  	[tilespmem:s23], [sflag:$0x7] =	stream.indirect.gather @p0 [hbm4b:s0+s21], $0x80, s22, s21, $0xb8;
	[tilespmem:$0x10700] =	vst v63  }
0x20e: {  	_ =	swait.ge [sflag:s3], $0x2000  }
0x20f: {  	[sflag:s3] =	ssyncset.done $0x0  }
0x210: {  	[sflag:s3] =	ssyncadd.s32 $0xFFFFE000  }
0x211: {  	_ =	swait.ge [sflag:s11], $0x2000  }
0x212: {  	s25 =	sadd.s32 $0x105C0, s20;
	s20 =	simm.s32 $0x0;
	[sflag:s11] =	ssyncset.done $0x0  }
0x213: {  	v4 =	vmov s25;
	s21 =	simm.s32 $0x6800;
	s22 =	simm.s32 $0xE800;
	[sflag:s11] =	ssyncadd.s32 $0xFFFFE000  }
.LBB2_15:
0x214: {  	v6 =	vmov s21  }
0x215: {  	v5 =	vmov s22;
	_ =	sdelay $0x1  }
0x216: {  	s24 =	simm.s32 $0x0  }
0x217: {  	v7 =	vld [tilespmem:s24+$0x10400]  }
0x218: {  	v8 =	vld.idx.msk [tilespmem:v6+s24+$0x380 ss:$0x1], $0xffff  }
0x219: {  	v9 =	vld.idx.msk [tilespmem:v5+s24+$0x380 ss:$0x1], $0xffff  }
0x21a: {  	v10 =	vld.idx.msk [tilespmem:v6+s24+$0xFFFFFC00 ss:$0x1], $0xffff  }
0x21b: {  	v11 =	vld.idx.msk [tilespmem:v5+s24+$0xFFFFFC00 ss:$0x1], $0xffff  }
0x21c: {  	v12 =	vld.idx.msk [tilespmem:v6+s24+$0x0 ss:$0x1], $0xffff  }
0x21d: {  	v13 =	vld.idx.msk [tilespmem:v5+s24+$0x0 ss:$0x1], $0xffff  }
0x21e: {  	v14 =	vld.idx.msk [tilespmem:v6+s24+$0xFFFFFE00 ss:$0x1], $0xffff  }
0x21f: {  	v15 =	vld.idx.msk [tilespmem:v5+s24+$0xFFFFFE00 ss:$0x1], $0xffff  }
0x220: {  	v16 =	vld.idx.msk [tilespmem:v6+s24+$0x200 ss:$0x1], $0xffff  }
0x221: {  	v17 =	vld.idx.msk [tilespmem:v5+s24+$0x200 ss:$0x1], $0xffff  }
0x222: {  	v18 =	vld.idx.msk [tilespmem:v6+s24+$0xFFFFFD00 ss:$0x1], $0xffff  }
0x223: {  	v20 =	vld.idx.msk [tilespmem:v5+s24+$0xFFFFFD00 ss:$0x1], $0xffff  }
0x224: {  	v21 =	vld.idx.msk [tilespmem:v6+s24+$0x100 ss:$0x1], $0xffff  }
0x225: {  	v22 =	vld.idx.msk [tilespmem:v5+s24+$0x100 ss:$0x1], $0xffff  }
0x226: {  	v23 =	vld.idx.msk [tilespmem:v6+s24+$0xFFFFFF00 ss:$0x1], $0xffff  }
0x227: {  	v24 =	vld.idx.msk [tilespmem:v5+s24+$0xFFFFFF00 ss:$0x1], $0xffff  }
0x228: {  	v25 =	vld.idx.msk [tilespmem:v6+s24+$0x300 ss:$0x1], $0xffff  }
0x229: {  	v26 =	vld.idx.msk [tilespmem:v5+s24+$0x300 ss:$0x1], $0xffff  }
0x22a: {  	v27 =	vld.idx.msk [tilespmem:v6+s24+$0xFFFFFC80 ss:$0x1], $0xffff;
	v8 =	vmul.f32 v9, v8  }
0x22b: {  	v28 =	vld.idx.msk [tilespmem:v5+s24+$0xFFFFFC80 ss:$0x1], $0xffff;
	v9 =	vmul.f32 v11, v10;
	v10 =	vmul.f32 v13, v12  }
0x22c: {  	v29 =	vld.idx.msk [tilespmem:v6+s24+$0x80 ss:$0x1], $0xffff;
	v13 =	vmul.f32 v15, v14;
	v14 =	vmul.f32 v17, v16  }
0x22d: {  	v15 =	vld.idx.msk [tilespmem:v5+s24+$0x80 ss:$0x1], $0xffff;
	v16 =	vmul.f32 v22, v21;
	v17 =	vmul.f32 v24, v23  }
0x22e: {  	v22 =	vld.idx.msk [tilespmem:v6+s24+$0x280 ss:$0x1], $0xffff;
	v8 =	vmul.f32 v8, v7;
	v11 =	vmul.f32 v9, v7  }
0x22f: {  	v23 =	vld.idx.msk [tilespmem:v5+s24+$0x280 ss:$0x1], $0xffff;
	v12 =	vmul.f32 v10, v7;
	v13 =	vmul.f32 v13, v7  }
0x230: {  	v19 =	vimm.f32 $0.0e+00;
	v21 =	vld.idx.msk [tilespmem:v5+s24+$0xFFFFFE80 ss:$0x1], $0xffff;
	v14 =	vmul.f32 v14, v7;
	v16 =	vmul.f32 v16, v7  }
0x231: {  	v9 =	vadd.f32 v8, v19;
	v8 =	vmul.f32 v20, v18;
	v20 =	vld.idx.msk [tilespmem:v6+s24+$0xFFFFFE80 ss:$0x1], $0xffff;
	v10 =	vadd.f32 v11, v19  }
0x232: {  	v11 =	vadd.f32 v12, v19;
	v12 =	vadd.f32 v13, v19;
	v18 =	vmul.f32 v26, v25  }
0x233: {  	v30 =	vld.idx.msk [tilespmem:v5+s24+$0xFFFFFF80 ss:$0x1], $0xffff;
	v13 =	vadd.f32 v14, v19;
	v25 =	vmul.f32 v28, v27;
	v15 =	vmul.f32 v15, v29  }
0x234: {  	v24 =	vld.idx.msk [tilespmem:v6+s24+$0xFFFFFD80 ss:$0x1], $0xffff;
	v32 =	vmul.f32 v23, v22;
	v23 =	vimm.f32 $0.0e+00;
	v8 =	vmul.f32 v8, v7  }
0x235: {  	v27 =	vld.idx.msk [tilespmem:v5+s24+$0xFFFFFD80 ss:$0x1], $0xffff;
	v22 =	vimm.f32 $0.0e+00;
	v26 =	vmul.f32 v18, v7;
	v29 =	vmul.f32 v15, v7  }
0x236: {  	v28 =	vld.idx.msk [tilespmem:v5+s24+$0x180 ss:$0x1], $0xffff;
	v14 =	vadd.f32 v8, v19;
	v8 =	vmul.f32 v17, v7;
	v20 =	vmul.f32 v21, v20  }
0x237: {  	v17 =	vadd.f32 v16, v19;
	v16 =	vmul.f32 v25, v7;
	v25 =	vld.idx.msk [tilespmem:v6+s24+$0x180 ss:$0x1], $0xffff;
	v15 =	vadd.f32 v26, v19  }
0x238: {  	s23 =	simm.s32 $0x10;
	v26 =	vld.idx.msk [tilespmem:v6+s24+$0xFFFFFF80 ss:$0x1], $0xffff;
	v21 =	vimm.f32 $0.0e+00;
	v18 =	vadd.f32 v8, v19;
	v31 =	vmul.f32 v20, v7  }
0x239: {  	s24 =	simm.s32 $0x80;
	v16 =	vadd.f32 v16, v19;
	v8 =	vadd.f32 v29, v19;
	v29 =	vld.idx.msk [tilespmem:v6+s23+$0x380 ss:$0x1], $0xffff;
	v20 =	vimm.f32 $0.0e+00  }
.LBB2_16:
0x23a: {  	p1 =	sne.s32 s24, $0x1C0;
	v33 =	vld.idx.msk [tilespmem:v5+s23+$0x380 ss:$0x1], $0xffff;
	v19 =	vadd.f32 v31, v19;
	v31 =	vmul.f32 v32, v7;
	v24 =	vmul.f32 v27, v24  }
0x23b: {  	v27 =	vld.idx.msk [tilespmem:v6+s23+$0xFFFFFC00 ss:$0x1], $0xffff  }
0x23c: {  	v25 =	vmul.f32 v28, v25;
	v32 =	vld.idx.msk [tilespmem:v5+s23+$0xFFFFFC00 ss:$0x1], $0xffff;
	v23 =	vadd.f32 v31, v23;
	v24 =	vmul.f32 v24, v7  }
0x23d: {  	v28 =	vld [tilespmem:s23+$0x10400]  }
0x23e: {  	v31 =	vld.idx.msk [tilespmem:v6+s23+$0x0 ss:$0x1], $0xffff;
	v22 =	vadd.f32 v24, v22;
	v24 =	vmul.f32 v25, v7;
	v25 =	vmul.f32 v30, v26  }
0x23f: {  	v26 =	vld.idx.msk [tilespmem:v5+s23+$0x0 ss:$0x1], $0xffff  }
0x240: {  	v29 =	vmul.f32 v33, v29;
	v30 =	vld.idx.msk [tilespmem:v6+s23+$0xFFFFFE00 ss:$0x1], $0xffff;
	v21 =	vadd.f32 v24, v21;
	v33 =	vmul.f32 v25, v7  }
0x241: {  	v24 =	vld.idx.msk [tilespmem:v5+s23+$0xFFFFFE00 ss:$0x1], $0xffff  }
0x242: {  	v25 =	vmul.f32 v32, v27;
	v27 =	vld.idx.msk [tilespmem:v6+s23+$0x200 ss:$0x1], $0xffff;
	v29 =	vmul.f32 v29, v28;
	v20 =	vadd.f32 v33, v20  }
0x243: {  	v7 =	vmov v28;
	v32 =	vld.idx.msk [tilespmem:v5+s23+$0x200 ss:$0x1], $0xffff  }
0x244: {  	v25 =	vmul.f32 v25, v7;
	v28 =	vld.idx.msk [tilespmem:v6+s23+$0xFFFFFD00 ss:$0x1], $0xffff;
	v9 =	vadd.f32 v29, v9  }
0x245: {  	v26 =	vmul.f32 v26, v31;
	v29 =	vld.idx.msk [tilespmem:v5+s23+$0xFFFFFD00 ss:$0x1], $0xffff  }
0x246: {  	v10 =	vadd.f32 v25, v10;
	v25 =	vld.idx.msk [tilespmem:v6+s23+$0x100 ss:$0x1], $0xffff  }
0x247: {  	v26 =	vmul.f32 v26, v7;
	v24 =	vmul.f32 v24, v30;
	v30 =	vld.idx.msk [tilespmem:v5+s23+$0x100 ss:$0x1], $0xffff  }
0x248: {  	v31 =	vld.idx.msk [tilespmem:v6+s23+$0xFFFFFF00 ss:$0x1], $0xffff  }
0x249: {  	v11 =	vadd.f32 v26, v11;
	v24 =	vmul.f32 v24, v7;
	v26 =	vmul.f32 v32, v27;
	v27 =	vld.idx.msk [tilespmem:v5+s23+$0xFFFFFF00 ss:$0x1], $0xffff  }
0x24a: {  	v32 =	vld.idx.msk [tilespmem:v6+s23+$0x300 ss:$0x1], $0xffff  }
0x24b: {  	v12 =	vadd.f32 v24, v12;
	v24 =	vmul.f32 v26, v7;
	v26 =	vmul.f32 v29, v28;
	v28 =	vld.idx.msk [tilespmem:v5+s23+$0x300 ss:$0x1], $0xffff  }
0x24c: {  	v29 =	vld.idx.msk [tilespmem:v6+s23+$0xFFFFFC80 ss:$0x1], $0xffff  }
0x24d: {  	v13 =	vadd.f32 v24, v13;
	v24 =	vmul.f32 v26, v7;
	v25 =	vmul.f32 v30, v25;
	v26 =	vld.idx.msk [tilespmem:v5+s23+$0xFFFFFC80 ss:$0x1], $0xffff  }
0x24e: {  	v30 =	vld.idx.msk [tilespmem:v6+s23+$0x80 ss:$0x1], $0xffff  }
0x24f: {  	v14 =	vadd.f32 v24, v14;
	v24 =	vmul.f32 v25, v7;
	v25 =	vmul.f32 v27, v31;
	v27 =	vld.idx.msk [tilespmem:v5+s23+$0x80 ss:$0x1], $0xffff  }
0x250: {  	v31 =	vld.idx.msk [tilespmem:v6+s23+$0xFFFFFE80 ss:$0x1], $0xffff  }
0x251: {  	v17 =	vadd.f32 v24, v17;
	v24 =	vmul.f32 v25, v7;
	v25 =	vmul.f32 v28, v32;
	v28 =	vld.idx.msk [tilespmem:v5+s23+$0xFFFFFE80 ss:$0x1], $0xffff  }
0x252: {  	v32 =	vld.idx.msk [tilespmem:v6+s23+$0x280 ss:$0x1], $0xffff  }
0x253: {  	v18 =	vadd.f32 v24, v18;
	v25 =	vmul.f32 v25, v7;
	v26 =	vmul.f32 v26, v29;
	v29 =	vld.idx.msk [tilespmem:v5+s23+$0x280 ss:$0x1], $0xffff  }
0x254: {  	v24 =	vld.idx.msk [tilespmem:v6+s23+$0xFFFFFD80 ss:$0x1], $0xffff  }
0x255: {  	v15 =	vadd.f32 v25, v15;
	v26 =	vmul.f32 v26, v7;
	v30 =	vmul.f32 v27, v30;
	v27 =	vld.idx.msk [tilespmem:v5+s23+$0xFFFFFD80 ss:$0x1], $0xffff  }
.Ltmp8:
0x256: {  	v25 =	vld.idx.msk [tilespmem:v6+s23+$0x180 ss:$0x1], $0xffff;
	(pc) =	sbr.rel @p1 .LBB2_16-.Ltmp8, $4  }
0x257: {  	v16 =	vadd.f32 v26, v16;
	v30 =	vmul.f32 v30, v7;
	v31 =	vmul.f32 v28, v31;
	v28 =	vld.idx.msk [tilespmem:v5+s23+$0x180 ss:$0x1], $0xffff  }
0x258: {  	v26 =	vld.idx.msk [tilespmem:v6+s23+$0xFFFFFF80 ss:$0x1], $0xffff  }
0x259: {  	v8 =	vadd.f32 v30, v8;
	v31 =	vmul.f32 v31, v7;
	v32 =	vmul.f32 v29, v32;
	v30 =	vld.idx.msk [tilespmem:v5+s23+$0xFFFFFF80 ss:$0x1], $0xffff;
	s23 =	sshra.s32 s24, $0x2  }
0x25a: {  	s24 =	sadd.s32 $0x40, s24;
	v29 =	vld.idx.msk [tilespmem:v6+s23+$0x380 ss:$0x1], $0xffff  }
0x25b: {  	_ =	sdelay $0x3  }
0x25c: {  	v33 =	vld.idx.msk [tilespmem:v5+s23+$0x380 ss:$0x1], $0xffff  }
0x25d: {  	v34 =	vld.idx.msk [tilespmem:v6+s23+$0xFFFFFC00 ss:$0x1], $0xffff  }
0x25e: {  	v35 =	vld.idx.msk [tilespmem:v5+s23+$0xFFFFFC00 ss:$0x1], $0xffff  }
0x25f: {  	v36 =	vld [tilespmem:s23+$0x10400]  }
0x260: {  	v37 =	vld.idx.msk [tilespmem:v6+s23+$0x0 ss:$0x1], $0xffff  }
0x261: {  	v38 =	vld.idx.msk [tilespmem:v5+s23+$0x0 ss:$0x1], $0xffff  }
0x262: {  	v39 =	vld.idx.msk [tilespmem:v6+s23+$0xFFFFFE00 ss:$0x1], $0xffff  }
0x263: {  	v40 =	vld.idx.msk [tilespmem:v5+s23+$0xFFFFFE00 ss:$0x1], $0xffff  }
0x264: {  	v41 =	vld.idx.msk [tilespmem:v6+s23+$0x200 ss:$0x1], $0xffff  }
0x265: {  	v42 =	vld.idx.msk [tilespmem:v5+s23+$0x200 ss:$0x1], $0xffff  }
0x266: {  	v43 =	vld.idx.msk [tilespmem:v6+s23+$0xFFFFFD00 ss:$0x1], $0xffff  }
0x267: {  	v44 =	vld.idx.msk [tilespmem:v5+s23+$0xFFFFFD00 ss:$0x1], $0xffff  }
0x268: {  	v45 =	vld.idx.msk [tilespmem:v6+s23+$0x100 ss:$0x1], $0xffff  }
0x269: {  	v46 =	vld.idx.msk [tilespmem:v5+s23+$0x100 ss:$0x1], $0xffff  }
0x26a: {  	v47 =	vld.idx.msk [tilespmem:v6+s23+$0xFFFFFF00 ss:$0x1], $0xffff  }
0x26b: {  	v48 =	vld.idx.msk [tilespmem:v5+s23+$0xFFFFFF00 ss:$0x1], $0xffff  }
0x26c: {  	v49 =	vld.idx.msk [tilespmem:v6+s23+$0x300 ss:$0x1], $0xffff  }
0x26d: {  	v50 =	vld.idx.msk [tilespmem:v5+s23+$0x300 ss:$0x1], $0xffff  }
0x26e: {  	v51 =	vld.idx.msk [tilespmem:v6+s23+$0xFFFFFC80 ss:$0x1], $0xffff;
	v24 =	vmul.f32 v27, v24;
	v25 =	vmul.f32 v28, v25  }
0x26f: {  	v27 =	vld.idx.msk [tilespmem:v5+s23+$0xFFFFFC80 ss:$0x1], $0xffff;
	v32 =	vmul.f32 v32, v7;
	v26 =	vmul.f32 v30, v26  }
0x270: {  	v19 =	vadd.f32 v31, v19;
	v31 =	vld.idx.msk [tilespmem:v6+s23+$0xFFFFFE80 ss:$0x1], $0xffff;
	v24 =	vmul.f32 v24, v7;
	v25 =	vmul.f32 v25, v7  }
0x271: {  	v60 =	vld.idx.msk [tilespmem:v5+s23+$0x280 ss:$0x1], $0xffff;
	v29 =	vmul.f32 v33, v29;
	v7 =	vmul.f32 v26, v7  }
0x272: {  	v63 =	vld.idx.msk [tilespmem:v6+s23+$0xFFFFFD80 ss:$0x1], $0xffff;
	v55 =	vmul.f32 v35, v34;
	v56 =	vmul.f32 v38, v37  }
0x273: {  	v54 =	vld.idx.msk [tilespmem:v5+s23+$0x180 ss:$0x1], $0xffff;
	v57 =	vmul.f32 v40, v39;
	v59 =	vmul.f32 v42, v41  }
0x274: {  	v28 =	vld.idx.msk [tilespmem:v6+s23+$0x80 ss:$0x1], $0xffff;
	v62 =	vmul.f32 v44, v43;
	v44 =	vmul.f32 v46, v45  }
0x275: {  	v23 =	vadd.f32 v32, v23;
	v32 =	vld.idx.msk [tilespmem:v5+s23+$0xFFFFFE80 ss:$0x1], $0xffff;
	v47 =	vmul.f32 v48, v47;
	v53 =	vmul.f32 v50, v49  }
0x276: {  	v30 =	vld.idx.msk [tilespmem:v5+s23+$0x80 ss:$0x1], $0xffff;
	v58 =	vmul.f32 v29, v36;
	v61 =	vmul.f32 v55, v36  }
0x277: {  	v22 =	vadd.f32 v24, v22;
	v34 =	vld.idx.msk [tilespmem:v6+s23+$0x280 ss:$0x1], $0xffff;
	v24 =	vmul.f32 v56, v36;
	v46 =	vmul.f32 v57, v36  }
0x278: {  	v45 =	vld.idx.msk [tilespmem:v5+s23+$0xFFFFFD80 ss:$0x1], $0xffff;
	v52 =	vmul.f32 v59, v36;
	v55 =	vmul.f32 v27, v51  }
0x279: {  	v21 =	vadd.f32 v25, v21;
	v48 =	vld.idx.msk [tilespmem:v6+s23+$0x180 ss:$0x1], $0xffff;
	v26 =	vmul.f32 v62, v36;
	v25 =	vmul.f32 v44, v36  }
0x27a: {  	v6 =	vld.idx.msk [tilespmem:v6+s23+$0xFFFFFF80 ss:$0x1], $0xffff;
	v7 =	vadd.f32 v7, v20;
	v57 =	vmul.f32 v32, v31;
	v59 =	vmul.f32 v53, v36  }
0x27b: {  	v5 =	vld.idx.msk [tilespmem:v5+s23+$0xFFFFFF80 ss:$0x1], $0xffff;
	v56 =	vmul.f32 v30, v28;
	v9 =	vadd.f32 v58, v9;
	v10 =	vadd.f32 v61, v10  }
0x27c: {  	v11 =	vadd.f32 v24, v11;
	v12 =	vadd.f32 v46, v12;
	v58 =	vmul.f32 v47, v36  }
0x27d: {  	v14 =	vadd.f32 v26, v14;
	v20 =	vmul.f32 v55, v36;
	v26 =	vmul.f32 v57, v36  }
0x27e: {  	v13 =	vadd.f32 v52, v13;
	v24 =	vmul.f32 v56, v36;
	v60 =	vmul.f32 v60, v34  }
0x27f: {  	v17 =	vadd.f32 v25, v17;
	v61 =	vmul.f32 v45, v63;
	v62 =	vmul.f32 v54, v48  }
0x280: {  	v15 =	vadd.f32 v59, v15;
	v5 =	vmul.f32 v5, v6;
	v29 =	vperm.xlane v10, v0  }
0x281: {  	v18 =	vadd.f32 v58, v18;
	v30 =	vperm.xlane v12, v0;
	v31 =	vperm.xlane v13, v0  }
0x282: {  	v16 =	vadd.f32 v20, v16;
	v32 =	vperm.xlane v14, v0;
	v33 =	vperm.xlane v17, v0  }
0x283: {  	v19 =	vadd.f32 v26, v19;
	v37 =	vperm.xlane v15, v0;
	v45 =	vperm.xlane v9, v0  }
0x284: {  	v6 =	vadd.f32 v24, v8;
	v63 =	vmul.f32 v60, v36;
	v28 =	vmul.f32 v61, v36  }
0x285: {  	v20 =	vmul.f32 v62, v36;
	v10 =	vadd.f32 v29, v10;
	v12 =	vadd.f32 v30, v12  }
0x286: {  	v5 =	vmul.f32 v5, v36;
	v13 =	vadd.f32 v31, v13;
	v34 =	vadd.f32 v32, v14  }
0x287: {  	v35 =	vadd.f32 v33, v17;
	v36 =	vperm.xlane v18, v0;
	v14 =	vadd.f32 v37, v15  }
0x288: {  	v38 =	vperm.xlane v16, v0;
	v9 =	vadd.f32 v45, v9;
	v8 =	vadd.f32 v63, v23  }
0x289: {  	v40 =	vperm.xlane v19, v0;
	v22 =	vadd.f32 v28, v22;
	v20 =	vadd.f32 v20, v21  }
0x28a: {  	v5 =	vadd.f32 v5, v7;
	v7 =	vperm.xlane v11, v0;
	v39 =	vperm.xlane v6, v0  }
0x28b: {  	v12 =	vsel vm2, v12, v13;
	v13 =	vadd.f32 v36, v18;
	v15 =	vadd.f32 v40, v19  }
0x28c: {  	v7 =	vadd.f32 v7, v11;
	v11 =	vadd.f32 v38, v16;
	v41 =	vperm.xlane v8, v0  }
0x28d: {  	v6 =	vadd.f32 v39, v6;
	v42 =	vperm.xlane v22, v0;
	v43 =	vperm.xlane v20, v0  }
0x28e: {  	v44 =	vperm.xlane v5, v0;
	v49 =	vperm.xlane v12, v1;
	v13 =	vsel vm2, v13, v14  }
0x28f: {  	v7 =	vsel vm2, v10, v7;
	v10 =	vsel vm2, v34, v35;
	v8 =	vadd.f32 v41, v8  }
0x290: {  	v46 =	vadd.f32 v42, v22;
	v47 =	vadd.f32 v43, v20;
	v6 =	vsel vm2, v11, v6  }
0x291: {  	v5 =	vadd.f32 v44, v5;
	v52 =	vperm.xlane v13, v1;
	v48 =	vperm.xlane v7, v1  }
0x292: {  	v51 =	vadd.f32 v49, v12;
	v50 =	vperm.xlane v10, v1;
	v53 =	vperm.xlane v6, v1  }
0x293: {  	v8 =	vsel vm2, v15, v8;
	v14 =	vsel vm2, v46, v47;
	v5 =	vsel vm2, v5, v9  }
0x294: {  	v12 =	vadd.f32 v52, v13;
	v7 =	vadd.f32 v48, v7;
	v54 =	vperm.xlane v8, v1  }
0x295: {  	v9 =	vadd.f32 v50, v10;
	v55 =	vperm.xlane v14, v1;
	v56 =	vperm.xlane v5, v1  }
0x296: {  	v6 =	vadd.f32 v53, v6;
	v8 =	vadd.f32 v54, v8  }
0x297: {  	v57 =	vadd.f32 v55, v14;
	v5 =	vadd.f32 v56, v5;
	v7 =	vsel vm0, v7, v51  }
0x298: {  	v9 =	vsel vm0, v9, v12;
	v58 =	vperm.xlane v7, v2  }
0x299: {  	v59 =	vperm.xlane v9, v2;
	v6 =	vsel vm0, v6, v8;
	v5 =	vsel vm0, v57, v5  }
0x29a: {  	v60 =	vperm.xlane v6, v2;
	v61 =	vperm.xlane v5, v2  }
0x29b: {  	v7 =	vadd.f32 v58, v7;
	v62 =	vadd.f32 v59, v9  }
0x29c: {  	v6 =	vadd.f32 v60, v6;
	v5 =	vadd.f32 v61, v5;
	_ =	sdelay $0x1  }
0x29d: {  	s25 =	sshll.u32 s20, $0x4;
	s20 =	sadd.s32 $0x1, s20;
	v7 =	vsel vm1, v7, v62;
	v5 =	vsel vm1, v6, v5  }
0x29e: {  	p1 =	sne.s32 s20, $0x4;
	v6 =	vperm.xlane v7, v3;
	v63 =	vperm.xlane v5, v3  }
.Ltmp9:
0x29f: {  	_ = 	snop;
	(pc) =	sbr.rel @p1 .LBB2_15-.Ltmp9, $3  }
0x2a0: {  	v6 =	vadd.f32 v6, v7;
	v5 =	vadd.f32 v63, v5;
	_ =	sdelay $0x1  }
0x2a1: {  	s23 =	sand.u32 $0x3FFFFFF0, s25;
	v5 =	vsel vm3, v6, v5  }
0x2a2: {  	s21 =	sadd.s32 $0x800, s21;
	s22 =	sadd.s32 $0x800, s22;
	[tilespmem:v4+s23+$0x0 ss:$0x1] =	vst.idx.msk $0xffff, v5  }
.Ltmp10:
0x2a3: {  	(pc) =	sbr.rel @!p0 .LBB2_20-.Ltmp10, $1  }
0x2a4: {  	_ =	sdelay $0x3  }
.Ltmp11:
0x2a5: {  	(pc) =	sbr.rel .LBB2_2-.Ltmp11, $4  }
0x2a6: {  	_ = 	snop  }
0x2a7: {  	[tilespmem:s26], [sflag:$0x4] =	stream.indirect.gather [hbm4b:s0+s15], $0x80, s16, s15, $0xb8;
	[tilespmem:$0x10700] =	vst v63  }
0x2a8: {  	s20 =	simm.s32 $0x400;
	p0 =	por $0x0, $0x0  }
0x2a9: {  	[tilespmem:s29], [sflag:$0x8] =	stream.indirect.gather [hbm4b:s0+s15], $0x80, s17, s15, $0xb8;
	[tilespmem:$0x10700] =	vst v63  }
.LBB2_21:
0x2aa: {  	_ =	sfence.sel $0x180000  }
0x2ab: {  	[bflag:$0x0] =	sbarrier.arrive $0xFFFF  }
0x2ac: {  	_ =	strace $0x90000047  }
0x2ad: {  	s0 =	stileid.u32;
	[bflag:$0x2] =	sbarrier.arrive $0xFFFF  }
0x2ae: {  	p0 =	sne.s32 s0, $0x0;
	s0 =	rddreg [dreg:$0x6]  }
0x2af: {  	s0 =	sadd.s32 @!p0 $0x100000, s0  }
0x2b0: {  	[sflag:s0] =	ssyncadd.tile.s32 @!p0 $0x1;
	_ =	shalt  }
.Lfunc_end2:
_tile_overlayer_lowered:
.L_overlay_start_2:
0x2b1: {  	(tag) =	ssettag $0x2  }
0x2b2: {  	s0 =	rddreg [dreg:$0x0];
	s2 =	stileid.u32  }
0x2b3: {  	s1 =	rddreg [dreg:$0x1];
	p0 =	sne.s32 s2, $0x0  }
0x2b4: {  	s3 =	rddreg [dreg:$0x2];
	[bflag:$0x3] =	sbarrier.arrive $0xFFFF;
	s2 =	simm.s32 @!p0 $0x1C09  }
0x2b5: {  	[timem:s3], [sflag:s2] =	dma.local @!p0 [hbm:s0], s1  }
0x2b6: {  	s0 =	simm.s32 @!p0 $0x9  }
0x2b7: {  	_ =	swait.ge @!p0 [sflag:s0], s1  }
0x2b8: {  	s1 =	ssub.s32 @!p0 $0x0, s1;
	[sflag:s0] =	ssyncset.done @!p0 $0x0  }
0x2b9: {  	[sflag:s0] =	ssyncadd.s32 @!p0 s1  }
0x2ba: {  	[bflag:$0x3] =	sbarrier.arrive $0xFFFF  }
0x2bb: {  	_ =	shalt  }

</sc_bundles>
